<compile_context>
chip_gen: v7x
topology: tpu7x:2x2x1
jax: 0.10.2.dev20260603
libtpu: 0.0.44.dev20260713+nightly
codegen_flags: <defaults>
</compile_context>

<pallas_src>
import functools

import jax
import jax.numpy as jnp
from jax import lax
from jax.experimental import pallas as pl
from jax.experimental.pallas import tpu as pltpu
from jax.experimental.pallas import tpu_sc as plsc

B = 16384
S = 20
D = 128
L = 16
NC = 2
NS = 16
NW = NC * NS
BPW = B // NW
CB = 16
NCHUNK = BPW // CB
ROWS = CB * S
HALF = 80
NG = ROWS // HALF
FPW = BPW * S
DC = D // L
OP = 2 * L


def _body(tgt_idx, ctx_idx, ttab, ctab, out_hbm,
          tgt_idx_v, ctx_idx_v, out_v,
          tgt_b0, tgt_b1, ctx_b0, ctx_b1, sem0, sem1):
  w = lax.axis_index("s") * NC + lax.axis_index("c")

  NROWS_W = FPW // HALF
  pltpu.sync_copy(tgt_idx.at[pl.ds(w * NCHUNK, NCHUNK)], tgt_idx_v)
  pltpu.sync_copy(ctx_idx.at[pl.ds(w * NROWS_W, NROWS_W)], ctx_idx_v)

  def issue(j, tb, cb, sem):
    pltpu.async_copy(ttab.at[tgt_idx_v.at[j]], tb, sem)
    for k in range(NG):
      pltpu.async_copy(ctab.at[ctx_idx_v.at[NG * j + k]],
                       cb.at[pl.ds(k * HALF, HALF)], sem)

  def drain(j, tb, cb, sem):
    pltpu.make_async_copy(ttab.at[tgt_idx_v.at[j]], tb, sem).wait()
    for k in range(NG):
      pltpu.make_async_copy(ctab.at[ctx_idx_v.at[NG * j + k]],
                            cb.at[pl.ds(k * HALF, HALF)], sem).wait()

  lane = lax.iota(jnp.int32, L)

  def compute(j, tb, cb):
    def b_body(bb, _):
      t = [tb[bb, pl.ds(c * L, L)] for c in range(DC)]
      dots = [jnp.zeros((L,), jnp.float32), jnp.zeros((L,), jnp.float32)]
      for s in range(S):
        row = bb * S + s
        p = [t[c] * cb[row, pl.ds(c * L, L)] for c in range(DC)]
        while len(p) > 1:
          p = [p[i] + p[i + 1] for i in range(0, len(p), 2)]
        d = jnp.full((L,), jnp.sum(p[0]), jnp.float32)
        g = s // L
        dots[g] = jnp.where(lane == (s - g * L), d, dots[g])
      base = (j * CB + bb) * OP
      out_v[pl.ds(base, L)] = dots[0]
      out_v[pl.ds(base + L, L)] = dots[1]
      return 0

    lax.fori_loop(0, CB, b_body, 0)

  issue(0, tgt_b0, ctx_b0, sem0)

  def outer(i, _):
    gg = 2 * i
    issue(gg + 1, tgt_b1, ctx_b1, sem1)
    drain(gg, tgt_b0, ctx_b0, sem0)
    compute(gg, tgt_b0, ctx_b0)

    @pl.when(gg + 2 < NCHUNK)
    def _prefetch():
      issue(gg + 2, tgt_b0, ctx_b0, sem0)

    drain(gg + 1, tgt_b1, ctx_b1, sem1)
    compute(gg + 1, tgt_b1, ctx_b1)
    return 0

  lax.fori_loop(0, NCHUNK // 2, outer, 0)
  pltpu.sync_copy(out_v, out_hbm.at[pl.ds(w * BPW * OP, BPW * OP)])


@functools.cache
def _make_kernel():
  mesh = plsc.VectorSubcoreMesh(core_axis_name="c", subcore_axis_name="s",
                                num_cores=NC, num_subcores=NS)
  return pl.kernel(
      _body,
      out_type=jax.ShapeDtypeStruct((B * OP,), jnp.float32),
      mesh=mesh,
      compiler_params=pltpu.CompilerParams(needs_layout_passes=False),
      scratch_types=[
          pltpu.VMEM((NCHUNK, CB), jnp.int32),
          pltpu.VMEM((B * S // NW // HALF, HALF), jnp.int32),
          pltpu.VMEM((BPW * OP,), jnp.float32),
          pltpu.VMEM((CB, D), jnp.float32),
          pltpu.VMEM((CB, D), jnp.float32),
          pltpu.VMEM((ROWS, D), jnp.float32),
          pltpu.VMEM((ROWS, D), jnp.float32),
          pltpu.SemaphoreType.DMA,
          pltpu.SemaphoreType.DMA,
      ],
  )


@jax.jit
def kernel(target, context, target_table, context_table):
  tgt_idx = target.astype(jnp.int32).reshape(B // CB, CB)
  ctx_idx = context.astype(jnp.int32).reshape(B * S // HALF, HALF)
  out = _make_kernel()(tgt_idx, ctx_idx, target_table, context_table)
  return out.reshape(B, OP)[:, :S]

# --- scband reference (transcript-rebuilt; emitter-appended) ---
"""Pipeline reference for scband-skipgram-61237643707055 (READ-ONLY COPY).

The authoritative reference and input builder live on the scoring server;
editing this copy changes nothing except your own understanding.
"""

import jax, jax.numpy as jnp
import numpy as np

B = 16384
S = 20
N_TOPICS = 100000
N_USERS = 100000
D = 128

def setup_inputs(seed: int = 0) -> dict:
    key = jax.random.key(seed)
    k1, k2, k3, k4 = jax.random.split(key, 4)
    target = jax.random.randint(k1, (B,), 0, N_TOPICS, dtype=jnp.int64) if jax.config.jax_enable_x64 else jax.random.randint(k1, (B,), 0, N_TOPICS).astype(jnp.int32)
    context = jax.random.randint(k2, (B, S), 0, N_USERS).astype(target.dtype)
    target_table = jax.random.normal(k3, (N_TOPICS, D), dtype=jnp.float32)
    context_table = jax.random.normal(k4, (N_USERS, D), dtype=jnp.float32)
    return {"target": target, "context": context, "target_table": target_table, "context_table": context_table}

def reference(target, context, target_table, context_table):
    # target_embedding: [B, D] -> [B, 1, D]
    target_embedding = jnp.take(target_table, target, axis=0)
    target_embedding = target_embedding.reshape(target_embedding.shape[0], 1, target_embedding.shape[1])
    # context_embedding: [B, S, D] -> transpose(1,2) -> [B, D, S]
    context_embedding = jnp.take(context_table, context, axis=0)
    context_embedding = jnp.transpose(context_embedding, (0, 2, 1))
    # bmm: [B,1,D] @ [B,D,S] -> [B,1,S] -> view [B,S]
    dots = jnp.matmul(target_embedding, context_embedding)
    dots = dots.reshape(dots.shape[0], context.shape[1])
    return dots

if __name__ == "__main__":
    import jax
    _d = setup_inputs()
    print(jax.jit(kernel)(*tuple(_d.values())))

</pallas_src>

<mosaic_0001>
#map = affine_map<(d0, d1) -> (0, 0)>
#map1 = affine_map<(d0, d1) -> (0)>
module attributes {stable_mosaic.version = 14 : i64} {
  func.func @_body(%arg0: i32, %arg1: i32, %arg2: memref<1024x16xi32, #tpu.memory_space<hbm>>, %arg3: memref<4096x80xi32, #tpu.memory_space<hbm>>, %arg4: memref<100000x128xf32, #tpu.memory_space<hbm>>, %arg5: memref<100000x128xf32, #tpu.memory_space<hbm>>, %arg6: memref<524288xf32, #tpu.memory_space<hbm>>, %arg7: memref<32x16xi32, #tpu.memory_space<vmem>>, %arg8: memref<128x80xi32, #tpu.memory_space<vmem>>, %arg9: memref<16384xf32, #tpu.memory_space<vmem>>, %arg10: memref<16x128xf32, #tpu.memory_space<vmem>>, %arg11: memref<16x128xf32, #tpu.memory_space<vmem>>, %arg12: memref<320x128xf32, #tpu.memory_space<vmem>>, %arg13: memref<320x128xf32, #tpu.memory_space<vmem>>, %arg14: memref<!tpu.dma_semaphore, #tpu.memory_space<semaphore_mem>>, %arg15: memref<!tpu.dma_semaphore, #tpu.memory_space<semaphore_mem>>) attributes {dimension_semantics = [#tpu.dimension_semantics<core_parallel>, #tpu.dimension_semantics<subcore_parallel>], iteration_bounds = array<i64: 2, 16>, scalar_prefetch = 0 : i64, scratch_operands = 9 : i64, tpu.core_type = #tpu.core_type<sc_vector_subcore>, window_params = [{transform_indices = #map}, {transform_indices = #map}, {transform_indices = #map}, {transform_indices = #map}, {transform_indices = #map1}]} {
    %mul3A = arith.constant 2 : i32
    %mul3A_0 = arith.muli %arg1, %mul3A : i32
    %add3A = arith.addi %mul3A_0, %arg0 : i32
    %mul3A_1 = arith.constant 32 : i32
    %mul3A_2 = arith.muli %add3A, %mul3A_1 : i32
    "tpu.region"() ({
      %run_scoped3A = tpu.sem_alloc : memref<!tpu.dma_semaphore, #tpu.memory_space<semaphore_mem>>
      %dma_start3A_61 = arith.constant 0 : i32
      %dma_start3A_62 = tpu.memref_slice %arg2[%mul3A_2, %dma_start3A_61] : memref<1024x16xi32, #tpu.memory_space<hbm>> -> memref<32x16xi32, #tpu.memory_space<hbm>>
      %dma_start3A_63 = arith.constant 0 : i32
      %dma_start3A_64 = tpu.memref_slice %arg2[%mul3A_2, %dma_start3A_63] : memref<1024x16xi32, #tpu.memory_space<hbm>> -> memref<32x16xi32, #tpu.memory_space<hbm>>
      tpu.enqueue_dma source(%dma_start3A_64 : memref<32x16xi32, #tpu.memory_space<hbm>>) target(%arg7 : memref<32x16xi32, #tpu.memory_space<vmem>>) target_semaphore(%run_scoped3A : memref<!tpu.dma_semaphore, #tpu.memory_space<semaphore_mem>>)
      %dma_wait3A = arith.constant 0 : i32
      %dma_wait3A_65 = tpu.memref_slice %arg2[%mul3A_2, %dma_wait3A] : memref<1024x16xi32, #tpu.memory_space<hbm>> -> memref<32x16xi32, #tpu.memory_space<hbm>>
      %dma_wait3A_66 = arith.constant 0 : i32
      %dma_wait3A_67 = tpu.memref_slice %arg2[%mul3A_2, %dma_wait3A_66] : memref<1024x16xi32, #tpu.memory_space<hbm>> -> memref<32x16xi32, #tpu.memory_space<hbm>>
      tpu.wait_dma2 semaphore(%run_scoped3A : memref<!tpu.dma_semaphore, #tpu.memory_space<semaphore_mem>>) src(%dma_wait3A_67 : memref<32x16xi32, #tpu.memory_space<hbm>>) dst(%arg7 : memref<32x16xi32, #tpu.memory_space<vmem>>)
      tpu.yield
    }) : () -> ()
    %mul3A_3 = arith.constant 128 : i32
    %mul3A_4 = arith.muli %add3A, %mul3A_3 : i32
    "tpu.region"() ({
      %run_scoped3A = tpu.sem_alloc : memref<!tpu.dma_semaphore, #tpu.memory_space<semaphore_mem>>
      %dma_start3A_61 = arith.constant 0 : i32
      %dma_start3A_62 = tpu.memref_slice %arg3[%mul3A_4, %dma_start3A_61] : memref<4096x80xi32, #tpu.memory_space<hbm>> -> memref<128x80xi32, #tpu.memory_space<hbm>>
      %dma_start3A_63 = arith.constant 0 : i32
      %dma_start3A_64 = tpu.memref_slice %arg3[%mul3A_4, %dma_start3A_63] : memref<4096x80xi32, #tpu.memory_space<hbm>> -> memref<128x80xi32, #tpu.memory_space<hbm>>
      tpu.enqueue_dma source(%dma_start3A_64 : memref<128x80xi32, #tpu.memory_space<hbm>>) target(%arg8 : memref<128x80xi32, #tpu.memory_space<vmem>>) target_semaphore(%run_scoped3A : memref<!tpu.dma_semaphore, #tpu.memory_space<semaphore_mem>>)
      %dma_wait3A = arith.constant 0 : i32
      %dma_wait3A_65 = tpu.memref_slice %arg3[%mul3A_4, %dma_wait3A] : memref<4096x80xi32, #tpu.memory_space<hbm>> -> memref<128x80xi32, #tpu.memory_space<hbm>>
      %dma_wait3A_66 = arith.constant 0 : i32
      %dma_wait3A_67 = tpu.memref_slice %arg3[%mul3A_4, %dma_wait3A_66] : memref<4096x80xi32, #tpu.memory_space<hbm>> -> memref<128x80xi32, #tpu.memory_space<hbm>>
      tpu.wait_dma2 semaphore(%run_scoped3A : memref<!tpu.dma_semaphore, #tpu.memory_space<semaphore_mem>>) src(%dma_wait3A_67 : memref<128x80xi32, #tpu.memory_space<hbm>>) dst(%arg8 : memref<128x80xi32, #tpu.memory_space<vmem>>)
      tpu.yield
    }) : () -> ()
    %iota3A = tpu.iota {dimensions = array<i32: 0>} : vector<16xi32>
    %dma_start3A = arith.constant 0 : i32
    %dma_start3A_5 = arith.constant 0 : i32
    %dma_start3A_6 = tpu.memref_slice %arg7[%dma_start3A, %dma_start3A_5] : memref<32x16xi32, #tpu.memory_space<vmem>> -> memref<1x16xi32, #tpu.memory_space<vmem>>
    %dma_start3A_7 = tpu.memref_squeeze %dma_start3A_6 : memref<1x16xi32, #tpu.memory_space<vmem>> -> memref<16xi32, #tpu.memory_space<vmem>>
    %dma_start3A_8 = arith.constant 0 : i32
    %dma_start3A_9 = arith.constant 0 : i32
    %dma_start3A_10 = tpu.memref_slice %arg4[%dma_start3A_8, %dma_start3A_9] : memref<100000x128xf32, #tpu.memory_space<hbm>> -> memref<100000x128xf32, #tpu.memory_space<hbm>>
    tpu.enqueue_indirect_dma source(%dma_start3A_10 : memref<100000x128xf32, #tpu.memory_space<hbm>>) target(%arg10 : memref<16x128xf32, #tpu.memory_space<vmem>>) offsets(%dma_start3A_7 : memref<16xi32, #tpu.memory_space<vmem>>) semaphore(%arg14 : memref<!tpu.dma_semaphore, #tpu.memory_space<semaphore_mem>>)
    %dma_start3A_11 = arith.constant 0 : i32
    %dma_start3A_12 = arith.constant 0 : i32
    %dma_start3A_13 = arith.constant 0 : i32
    %dma_start3A_14 = tpu.memref_slice %arg12[%dma_start3A_12, %dma_start3A_13] : memref<320x128xf32, #tpu.memory_space<vmem>> -> memref<80x128xf32, #tpu.memory_space<vmem>>
    %dma_start3A_15 = arith.constant 0 : i32
    %dma_start3A_16 = tpu.memref_slice %arg8[%dma_start3A_11, %dma_start3A_15] : memref<128x80xi32, #tpu.memory_space<vmem>> -> memref<1x80xi32, #tpu.memory_space<vmem>>
    %dma_start3A_17 = tpu.memref_squeeze %dma_start3A_16 : memref<1x80xi32, #tpu.memory_space<vmem>> -> memref<80xi32, #tpu.memory_space<vmem>>
    %dma_start3A_18 = arith.constant 0 : i32
    %dma_start3A_19 = arith.constant 0 : i32
    %dma_start3A_20 = tpu.memref_slice %arg5[%dma_start3A_18, %dma_start3A_19] : memref<100000x128xf32, #tpu.memory_space<hbm>> -> memref<100000x128xf32, #tpu.memory_space<hbm>>
    tpu.enqueue_indirect_dma source(%dma_start3A_20 : memref<100000x128xf32, #tpu.memory_space<hbm>>) target(%dma_start3A_14 : memref<80x128xf32, #tpu.memory_space<vmem>>) offsets(%dma_start3A_17 : memref<80xi32, #tpu.memory_space<vmem>>) semaphore(%arg14 : memref<!tpu.dma_semaphore, #tpu.memory_space<semaphore_mem>>)
    %dma_start3A_21 = arith.constant 1 : i32
    %dma_start3A_22 = arith.constant 80 : i32
    %dma_start3A_23 = arith.constant 0 : i32
    %dma_start3A_24 = tpu.memref_slice %arg12[%dma_start3A_22, %dma_start3A_23] : memref<320x128xf32, #tpu.memory_space<vmem>> -> memref<80x128xf32, #tpu.memory_space<vmem>>
    %dma_start3A_25 = arith.constant 0 : i32
    %dma_start3A_26 = tpu.memref_slice %arg8[%dma_start3A_21, %dma_start3A_25] : memref<128x80xi32, #tpu.memory_space<vmem>> -> memref<1x80xi32, #tpu.memory_space<vmem>>
    %dma_start3A_27 = tpu.memref_squeeze %dma_start3A_26 : memref<1x80xi32, #tpu.memory_space<vmem>> -> memref<80xi32, #tpu.memory_space<vmem>>
    %dma_start3A_28 = arith.constant 0 : i32
    %dma_start3A_29 = arith.constant 0 : i32
    %dma_start3A_30 = tpu.memref_slice %arg5[%dma_start3A_28, %dma_start3A_29] : memref<100000x128xf32, #tpu.memory_space<hbm>> -> memref<100000x128xf32, #tpu.memory_space<hbm>>
    tpu.enqueue_indirect_dma source(%dma_start3A_30 : memref<100000x128xf32, #tpu.memory_space<hbm>>) target(%dma_start3A_24 : memref<80x128xf32, #tpu.memory_space<vmem>>) offsets(%dma_start3A_27 : memref<80xi32, #tpu.memory_space<vmem>>) semaphore(%arg14 : memref<!tpu.dma_semaphore, #tpu.memory_space<semaphore_mem>>)
    %dma_start3A_31 = arith.constant 2 : i32
    %dma_start3A_32 = arith.constant 160 : i32
    %dma_start3A_33 = arith.constant 0 : i32
    %dma_start3A_34 = tpu.memref_slice %arg12[%dma_start3A_32, %dma_start3A_33] : memref<320x128xf32, #tpu.memory_space<vmem>> -> memref<80x128xf32, #tpu.memory_space<vmem>>
    %dma_start3A_35 = arith.constant 0 : i32
    %dma_start3A_36 = tpu.memref_slice %arg8[%dma_start3A_31, %dma_start3A_35] : memref<128x80xi32, #tpu.memory_space<vmem>> -> memref<1x80xi32, #tpu.memory_space<vmem>>
    %dma_start3A_37 = tpu.memref_squeeze %dma_start3A_36 : memref<1x80xi32, #tpu.memory_space<vmem>> -> memref<80xi32, #tpu.memory_space<vmem>>
    %dma_start3A_38 = arith.constant 0 : i32
    %dma_start3A_39 = arith.constant 0 : i32
    %dma_start3A_40 = tpu.memref_slice %arg5[%dma_start3A_38, %dma_start3A_39] : memref<100000x128xf32, #tpu.memory_space<hbm>> -> memref<100000x128xf32, #tpu.memory_space<hbm>>
    tpu.enqueue_indirect_dma source(%dma_start3A_40 : memref<100000x128xf32, #tpu.memory_space<hbm>>) target(%dma_start3A_34 : memref<80x128xf32, #tpu.memory_space<vmem>>) offsets(%dma_start3A_37 : memref<80xi32, #tpu.memory_space<vmem>>) semaphore(%arg14 : memref<!tpu.dma_semaphore, #tpu.memory_space<semaphore_mem>>)
    %dma_start3A_41 = arith.constant 3 : i32
    %dma_start3A_42 = arith.constant 240 : i32
    %dma_start3A_43 = arith.constant 0 : i32
    %dma_start3A_44 = tpu.memref_slice %arg12[%dma_start3A_42, %dma_start3A_43] : memref<320x128xf32, #tpu.memory_space<vmem>> -> memref<80x128xf32, #tpu.memory_space<vmem>>
    %dma_start3A_45 = arith.constant 0 : i32
    %dma_start3A_46 = tpu.memref_slice %arg8[%dma_start3A_41, %dma_start3A_45] : memref<128x80xi32, #tpu.memory_space<vmem>> -> memref<1x80xi32, #tpu.memory_space<vmem>>
    %dma_start3A_47 = tpu.memref_squeeze %dma_start3A_46 : memref<1x80xi32, #tpu.memory_space<vmem>> -> memref<80xi32, #tpu.memory_space<vmem>>
    %dma_start3A_48 = arith.constant 0 : i32
    %dma_start3A_49 = arith.constant 0 : i32
    %dma_start3A_50 = tpu.memref_slice %arg5[%dma_start3A_48, %dma_start3A_49] : memref<100000x128xf32, #tpu.memory_space<hbm>> -> memref<100000x128xf32, #tpu.memory_space<hbm>>
    tpu.enqueue_indirect_dma source(%dma_start3A_50 : memref<100000x128xf32, #tpu.memory_space<hbm>>) target(%dma_start3A_44 : memref<80x128xf32, #tpu.memory_space<vmem>>) offsets(%dma_start3A_47 : memref<80xi32, #tpu.memory_space<vmem>>) semaphore(%arg14 : memref<!tpu.dma_semaphore, #tpu.memory_space<semaphore_mem>>)
    %scan3A = arith.constant 0 : i32
    %scan3A_51 = arith.constant 0 : i32
    %scan3A_52 = arith.constant 16 : i32
    %scan3A_53 = arith.addi %scan3A_51, %scan3A_52 : i32
    %scan3A_54 = arith.constant 1 : i32
    %scan3A_55 = scf.for %scan3A_61 = %scan3A_51 to %scan3A_53 step %scan3A_54 iter_args(%scan3A_62 = %scan3A) -> (i32)  : i32 {
      %mul3A_63 = arith.constant 2 : i32
      %mul3A_64 = arith.muli %mul3A_63, %scan3A_61 : i32
      %add3A_65 = arith.constant 1 : i32
      %add3A_66 = arith.addi %mul3A_64, %add3A_65 : i32
      %dma_start3A_67 = arith.constant 0 : i32
      %dma_start3A_68 = tpu.memref_slice %arg7[%add3A_66, %dma_start3A_67] : memref<32x16xi32, #tpu.memory_space<vmem>> -> memref<1x16xi32, #tpu.memory_space<vmem>>
      %dma_start3A_69 = tpu.memref_squeeze %dma_start3A_68 : memref<1x16xi32, #tpu.memory_space<vmem>> -> memref<16xi32, #tpu.memory_space<vmem>>
      %dma_start3A_70 = arith.constant 0 : i32
      %dma_start3A_71 = arith.constant 0 : i32
      %dma_start3A_72 = tpu.memref_slice %arg4[%dma_start3A_70, %dma_start3A_71] : memref<100000x128xf32, #tpu.memory_space<hbm>> -> memref<100000x128xf32, #tpu.memory_space<hbm>>
      tpu.enqueue_indirect_dma source(%dma_start3A_72 : memref<100000x128xf32, #tpu.memory_space<hbm>>) target(%arg11 : memref<16x128xf32, #tpu.memory_space<vmem>>) offsets(%dma_start3A_69 : memref<16xi32, #tpu.memory_space<vmem>>) semaphore(%arg15 : memref<!tpu.dma_semaphore, #tpu.memory_space<semaphore_mem>>)
      %mul3A_73 = arith.constant 4 : i32
      %mul3A_74 = arith.muli %mul3A_73, %add3A_66 : i32
      %add3A_75 = arith.constant 0 : i32
      %add3A_76 = arith.addi %mul3A_74, %add3A_75 : i32
      %dma_start3A_77 = arith.constant 0 : i32
      %dma_start3A_78 = arith.constant 0 : i32
      %dma_start3A_79 = tpu.memref_slice %arg13[%dma_start3A_77, %dma_start3A_78] : memref<320x128xf32, #tpu.memory_space<vmem>> -> memref<80x128xf32, #tpu.memory_space<vmem>>
      %dma_start3A_80 = arith.constant 0 : i32
      %dma_start3A_81 = tpu.memref_slice %arg8[%add3A_76, %dma_start3A_80] : memref<128x80xi32, #tpu.memory_space<vmem>> -> memref<1x80xi32, #tpu.memory_space<vmem>>
      %dma_start3A_82 = tpu.memref_squeeze %dma_start3A_81 : memref<1x80xi32, #tpu.memory_space<vmem>> -> memref<80xi32, #tpu.memory_space<vmem>>
      %dma_start3A_83 = arith.constant 0 : i32
      %dma_start3A_84 = arith.constant 0 : i32
      %dma_start3A_85 = tpu.memref_slice %arg5[%dma_start3A_83, %dma_start3A_84] : memref<100000x128xf32, #tpu.memory_space<hbm>> -> memref<100000x128xf32, #tpu.memory_space<hbm>>
      tpu.enqueue_indirect_dma source(%dma_start3A_85 : memref<100000x128xf32, #tpu.memory_space<hbm>>) target(%dma_start3A_79 : memref<80x128xf32, #tpu.memory_space<vmem>>) offsets(%dma_start3A_82 : memref<80xi32, #tpu.memory_space<vmem>>) semaphore(%arg15 : memref<!tpu.dma_semaphore, #tpu.memory_space<semaphore_mem>>)
      %mul3A_86 = arith.constant 4 : i32
      %mul3A_87 = arith.muli %mul3A_86, %add3A_66 : i32
      %add3A_88 = arith.constant 1 : i32
      %add3A_89 = arith.addi %mul3A_87, %add3A_88 : i32
      %dma_start3A_90 = arith.constant 80 : i32
      %dma_start3A_91 = arith.constant 0 : i32
      %dma_start3A_92 = tpu.memref_slice %arg13[%dma_start3A_90, %dma_start3A_91] : memref<320x128xf32, #tpu.memory_space<vmem>> -> memref<80x128xf32, #tpu.memory_space<vmem>>
      %dma_start3A_93 = arith.constant 0 : i32
      %dma_start3A_94 = tpu.memref_slice %arg8[%add3A_89, %dma_start3A_93] : memref<128x80xi32, #tpu.memory_space<vmem>> -> memref<1x80xi32, #tpu.memory_space<vmem>>
      %dma_start3A_95 = tpu.memref_squeeze %dma_start3A_94 : memref<1x80xi32, #tpu.memory_space<vmem>> -> memref<80xi32, #tpu.memory_space<vmem>>
      %dma_start3A_96 = arith.constant 0 : i32
      %dma_start3A_97 = arith.constant 0 : i32
      %dma_start3A_98 = tpu.memref_slice %arg5[%dma_start3A_96, %dma_start3A_97] : memref<100000x128xf32, #tpu.memory_space<hbm>> -> memref<100000x128xf32, #tpu.memory_space<hbm>>
      tpu.enqueue_indirect_dma source(%dma_start3A_98 : memref<100000x128xf32, #tpu.memory_space<hbm>>) target(%dma_start3A_92 : memref<80x128xf32, #tpu.memory_space<vmem>>) offsets(%dma_start3A_95 : memref<80xi32, #tpu.memory_space<vmem>>) semaphore(%arg15 : memref<!tpu.dma_semaphore, #tpu.memory_space<semaphore_mem>>)
      %mul3A_99 = arith.constant 4 : i32
      %mul3A_100 = arith.muli %mul3A_99, %add3A_66 : i32
      %add3A_101 = arith.constant 2 : i32
      %add3A_102 = arith.addi %mul3A_100, %add3A_101 : i32
      %dma_start3A_103 = arith.constant 160 : i32
      %dma_start3A_104 = arith.constant 0 : i32
      %dma_start3A_105 = tpu.memref_slice %arg13[%dma_start3A_103, %dma_start3A_104] : memref<320x128xf32, #tpu.memory_space<vmem>> -> memref<80x128xf32, #tpu.memory_space<vmem>>
      %dma_start3A_106 = arith.constant 0 : i32
      %dma_start3A_107 = tpu.memref_slice %arg8[%add3A_102, %dma_start3A_106] : memref<128x80xi32, #tpu.memory_space<vmem>> -> memref<1x80xi32, #tpu.memory_space<vmem>>
      %dma_start3A_108 = tpu.memref_squeeze %dma_start3A_107 : memref<1x80xi32, #tpu.memory_space<vmem>> -> memref<80xi32, #tpu.memory_space<vmem>>
      %dma_start3A_109 = arith.constant 0 : i32
      %dma_start3A_110 = arith.constant 0 : i32
      %dma_start3A_111 = tpu.memref_slice %arg5[%dma_start3A_109, %dma_start3A_110] : memref<100000x128xf32, #tpu.memory_space<hbm>> -> memref<100000x128xf32, #tpu.memory_space<hbm>>
      tpu.enqueue_indirect_dma source(%dma_start3A_111 : memref<100000x128xf32, #tpu.memory_space<hbm>>) target(%dma_start3A_105 : memref<80x128xf32, #tpu.memory_space<vmem>>) offsets(%dma_start3A_108 : memref<80xi32, #tpu.memory_space<vmem>>) semaphore(%arg15 : memref<!tpu.dma_semaphore, #tpu.memory_space<semaphore_mem>>)
      %mul3A_112 = arith.constant 4 : i32
      %mul3A_113 = arith.muli %mul3A_112, %add3A_66 : i32
      %add3A_114 = arith.constant 3 : i32
      %add3A_115 = arith.addi %mul3A_113, %add3A_114 : i32
      %dma_start3A_116 = arith.constant 240 : i32
      %dma_start3A_117 = arith.constant 0 : i32
      %dma_start3A_118 = tpu.memref_slice %arg13[%dma_start3A_116, %dma_start3A_117] : memref<320x128xf32, #tpu.memory_space<vmem>> -> memref<80x128xf32, #tpu.memory_space<vmem>>
      %dma_start3A_119 = arith.constant 0 : i32
      %dma_start3A_120 = tpu.memref_slice %arg8[%add3A_115, %dma_start3A_119] : memref<128x80xi32, #tpu.memory_space<vmem>> -> memref<1x80xi32, #tpu.memory_space<vmem>>
      %dma_start3A_121 = tpu.memref_squeeze %dma_start3A_120 : memref<1x80xi32, #tpu.memory_space<vmem>> -> memref<80xi32, #tpu.memory_space<vmem>>
      %dma_start3A_122 = arith.constant 0 : i32
      %dma_start3A_123 = arith.constant 0 : i32
      %dma_start3A_124 = tpu.memref_slice %arg5[%dma_start3A_122, %dma_start3A_123] : memref<100000x128xf32, #tpu.memory_space<hbm>> -> memref<100000x128xf32, #tpu.memory_space<hbm>>
      tpu.enqueue_indirect_dma source(%dma_start3A_124 : memref<100000x128xf32, #tpu.memory_space<hbm>>) target(%dma_start3A_118 : memref<80x128xf32, #tpu.memory_space<vmem>>) offsets(%dma_start3A_121 : memref<80xi32, #tpu.memory_space<vmem>>) semaphore(%arg15 : memref<!tpu.dma_semaphore, #tpu.memory_space<semaphore_mem>>)
      %dma_wait3A = arith.constant 0 : i32
      %dma_wait3A_125 = tpu.memref_slice %arg7[%mul3A_64, %dma_wait3A] : memref<32x16xi32, #tpu.memory_space<vmem>> -> memref<1x16xi32, #tpu.memory_space<vmem>>
      %dma_wait3A_126 = tpu.memref_squeeze %dma_wait3A_125 : memref<1x16xi32, #tpu.memory_space<vmem>> -> memref<16xi32, #tpu.memory_space<vmem>>
      %dma_wait3A_127 = arith.constant 0 : i32
      %dma_wait3A_128 = arith.constant 0 : i32
      %dma_wait3A_129 = tpu.memref_slice %arg4[%dma_wait3A_127, %dma_wait3A_128] : memref<100000x128xf32, #tpu.memory_space<hbm>> -> memref<100000x128xf32, #tpu.memory_space<hbm>>
      tpu.wait_indirect_dma semaphore(%arg14 : memref<!tpu.dma_semaphore, #tpu.memory_space<semaphore_mem>>) src(%dma_wait3A_129 : memref<100000x128xf32, #tpu.memory_space<hbm>>) dst(%arg10 : memref<16x128xf32, #tpu.memory_space<vmem>>)
      %mul3A_130 = arith.constant 4 : i32
      %mul3A_131 = arith.muli %mul3A_130, %mul3A_64 : i32
      %add3A_132 = arith.constant 0 : i32
      %add3A_133 = arith.addi %mul3A_131, %add3A_132 : i32
      %dma_wait3A_134 = arith.constant 0 : i32
      %dma_wait3A_135 = arith.constant 0 : i32
      %dma_wait3A_136 = tpu.memref_slice %arg12[%dma_wait3A_134, %dma_wait3A_135] : memref<320x128xf32, #tpu.memory_space<vmem>> -> memref<80x128xf32, #tpu.memory_space<vmem>>
      %dma_wait3A_137 = arith.constant 0 : i32
      %dma_wait3A_138 = tpu.memref_slice %arg8[%add3A_133, %dma_wait3A_137] : memref<128x80xi32, #tpu.memory_space<vmem>> -> memref<1x80xi32, #tpu.memory_space<vmem>>
      %dma_wait3A_139 = tpu.memref_squeeze %dma_wait3A_138 : memref<1x80xi32, #tpu.memory_space<vmem>> -> memref<80xi32, #tpu.memory_space<vmem>>
      %dma_wait3A_140 = arith.constant 0 : i32
      %dma_wait3A_141 = arith.constant 0 : i32
      %dma_wait3A_142 = tpu.memref_slice %arg5[%dma_wait3A_140, %dma_wait3A_141] : memref<100000x128xf32, #tpu.memory_space<hbm>> -> memref<100000x128xf32, #tpu.memory_space<hbm>>
      tpu.wait_indirect_dma semaphore(%arg14 : memref<!tpu.dma_semaphore, #tpu.memory_space<semaphore_mem>>) src(%dma_wait3A_142 : memref<100000x128xf32, #tpu.memory_space<hbm>>) dst(%dma_wait3A_136 : memref<80x128xf32, #tpu.memory_space<vmem>>)
      %mul3A_143 = arith.constant 4 : i32
      %mul3A_144 = arith.muli %mul3A_143, %mul3A_64 : i32
      %add3A_145 = arith.constant 1 : i32
      %add3A_146 = arith.addi %mul3A_144, %add3A_145 : i32
      %dma_wait3A_147 = arith.constant 80 : i32
      %dma_wait3A_148 = arith.constant 0 : i32
      %dma_wait3A_149 = tpu.memref_slice %arg12[%dma_wait3A_147, %dma_wait3A_148] : memref<320x128xf32, #tpu.memory_space<vmem>> -> memref<80x128xf32, #tpu.memory_space<vmem>>
      %dma_wait3A_150 = arith.constant 0 : i32
      %dma_wait3A_151 = tpu.memref_slice %arg8[%add3A_146, %dma_wait3A_150] : memref<128x80xi32, #tpu.memory_space<vmem>> -> memref<1x80xi32, #tpu.memory_space<vmem>>
      %dma_wait3A_152 = tpu.memref_squeeze %dma_wait3A_151 : memref<1x80xi32, #tpu.memory_space<vmem>> -> memref<80xi32, #tpu.memory_space<vmem>>
      %dma_wait3A_153 = arith.constant 0 : i32
      %dma_wait3A_154 = arith.constant 0 : i32
      %dma_wait3A_155 = tpu.memref_slice %arg5[%dma_wait3A_153, %dma_wait3A_154] : memref<100000x128xf32, #tpu.memory_space<hbm>> -> memref<100000x128xf32, #tpu.memory_space<hbm>>
      tpu.wait_indirect_dma semaphore(%arg14 : memref<!tpu.dma_semaphore, #tpu.memory_space<semaphore_mem>>) src(%dma_wait3A_155 : memref<100000x128xf32, #tpu.memory_space<hbm>>) dst(%dma_wait3A_149 : memref<80x128xf32, #tpu.memory_space<vmem>>)
      %mul3A_156 = arith.constant 4 : i32
      %mul3A_157 = arith.muli %mul3A_156, %mul3A_64 : i32
      %add3A_158 = arith.constant 2 : i32
      %add3A_159 = arith.addi %mul3A_157, %add3A_158 : i32
      %dma_wait3A_160 = arith.constant 160 : i32
      %dma_wait3A_161 = arith.constant 0 : i32
      %dma_wait3A_162 = tpu.memref_slice %arg12[%dma_wait3A_160, %dma_wait3A_161] : memref<320x128xf32, #tpu.memory_space<vmem>> -> memref<80x128xf32, #tpu.memory_space<vmem>>
      %dma_wait3A_163 = arith.constant 0 : i32
      %dma_wait3A_164 = tpu.memref_slice %arg8[%add3A_159, %dma_wait3A_163] : memref<128x80xi32, #tpu.memory_space<vmem>> -> memref<1x80xi32, #tpu.memory_space<vmem>>
      %dma_wait3A_165 = tpu.memref_squeeze %dma_wait3A_164 : memref<1x80xi32, #tpu.memory_space<vmem>> -> memref<80xi32, #tpu.memory_space<vmem>>
      %dma_wait3A_166 = arith.constant 0 : i32
      %dma_wait3A_167 = arith.constant 0 : i32
      %dma_wait3A_168 = tpu.memref_slice %arg5[%dma_wait3A_166, %dma_wait3A_167] : memref<100000x128xf32, #tpu.memory_space<hbm>> -> memref<100000x128xf32, #tpu.memory_space<hbm>>
      tpu.wait_indirect_dma semaphore(%arg14 : memref<!tpu.dma_semaphore, #tpu.memory_space<semaphore_mem>>) src(%dma_wait3A_168 : memref<100000x128xf32, #tpu.memory_space<hbm>>) dst(%dma_wait3A_162 : memref<80x128xf32, #tpu.memory_space<vmem>>)
      %mul3A_169 = arith.constant 4 : i32
      %mul3A_170 = arith.muli %mul3A_169, %mul3A_64 : i32
      %add3A_171 = arith.constant 3 : i32
      %add3A_172 = arith.addi %mul3A_170, %add3A_171 : i32
      %dma_wait3A_173 = arith.constant 240 : i32
      %dma_wait3A_174 = arith.constant 0 : i32
      %dma_wait3A_175 = tpu.memref_slice %arg12[%dma_wait3A_173, %dma_wait3A_174] : memref<320x128xf32, #tpu.memory_space<vmem>> -> memref<80x128xf32, #tpu.memory_space<vmem>>
      %dma_wait3A_176 = arith.constant 0 : i32
      %dma_wait3A_177 = tpu.memref_slice %arg8[%add3A_172, %dma_wait3A_176] : memref<128x80xi32, #tpu.memory_space<vmem>> -> memref<1x80xi32, #tpu.memory_space<vmem>>
      %dma_wait3A_178 = tpu.memref_squeeze %dma_wait3A_177 : memref<1x80xi32, #tpu.memory_space<vmem>> -> memref<80xi32, #tpu.memory_space<vmem>>
      %dma_wait3A_179 = arith.constant 0 : i32
      %dma_wait3A_180 = arith.constant 0 : i32
      %dma_wait3A_181 = tpu.memref_slice %arg5[%dma_wait3A_179, %dma_wait3A_180] : memref<100000x128xf32, #tpu.memory_space<hbm>> -> memref<100000x128xf32, #tpu.memory_space<hbm>>
      tpu.wait_indirect_dma semaphore(%arg14 : memref<!tpu.dma_semaphore, #tpu.memory_space<semaphore_mem>>) src(%dma_wait3A_181 : memref<100000x128xf32, #tpu.memory_space<hbm>>) dst(%dma_wait3A_175 : memref<80x128xf32, #tpu.memory_space<vmem>>)
      %scan3A_182 = arith.constant 0 : i32
      %scan3A_183 = arith.constant 0 : i32
      %scan3A_184 = arith.constant 16 : i32
      %scan3A_185 = arith.addi %scan3A_183, %scan3A_184 : i32
      %scan3A_186 = arith.constant 1 : i32
      %scan3A_187 = scf.for %scan3A_263 = %scan3A_183 to %scan3A_185 step %scan3A_186 iter_args(%scan3A_264 = %scan3A_182) -> (i32)  : i32 {
        %get3A = arith.index_cast %scan3A_263 : i32 to index
        %get3A_265 = arith.constant 0 : index
        %get3A_266 = tpu.vector_load %arg10[%get3A, %get3A_265] {strides = array<i32>} : memref<16x128xf32, #tpu.memory_space<vmem>>, vector<16xf32>,
        %get3A_267 = arith.index_cast %scan3A_263 : i32 to index
        %get3A_268 = arith.constant 16 : index
        %get3A_269 = tpu.vector_load %arg10[%get3A_267, %get3A_268] {strides = array<i32>} : memref<16x128xf32, #tpu.memory_space<vmem>>, vector<16xf32>,
        %get3A_270 = arith.index_cast %scan3A_263 : i32 to index
        %get3A_271 = arith.constant 32 : index
        %get3A_272 = tpu.vector_load %arg10[%get3A_270, %get3A_271] {strides = array<i32>} : memref<16x128xf32, #tpu.memory_space<vmem>>, vector<16xf32>,
        %get3A_273 = arith.index_cast %scan3A_263 : i32 to index
        %get3A_274 = arith.constant 48 : index
        %get3A_275 = tpu.vector_load %arg10[%get3A_273, %get3A_274] {strides = array<i32>} : memref<16x128xf32, #tpu.memory_space<vmem>>, vector<16xf32>,
        %get3A_276 = arith.index_cast %scan3A_263 : i32 to index
        %get3A_277 = arith.constant 64 : index
        %get3A_278 = tpu.vector_load %arg10[%get3A_276, %get3A_277] {strides = array<i32>} : memref<16x128xf32, #tpu.memory_space<vmem>>, vector<16xf32>,
        %get3A_279 = arith.index_cast %scan3A_263 : i32 to index
        %get3A_280 = arith.constant 80 : index
        %get3A_281 = tpu.vector_load %arg10[%get3A_279, %get3A_280] {strides = array<i32>} : memref<16x128xf32, #tpu.memory_space<vmem>>, vector<16xf32>,
        %get3A_282 = arith.index_cast %scan3A_263 : i32 to index
        %get3A_283 = arith.constant 96 : index
        %get3A_284 = tpu.vector_load %arg10[%get3A_282, %get3A_283] {strides = array<i32>} : memref<16x128xf32, #tpu.memory_space<vmem>>, vector<16xf32>,
        %get3A_285 = arith.index_cast %scan3A_263 : i32 to index
        %get3A_286 = arith.constant 112 : index
        %get3A_287 = tpu.vector_load %arg10[%get3A_285, %get3A_286] {strides = array<i32>} : memref<16x128xf32, #tpu.memory_space<vmem>>, vector<16xf32>,
        %broadcast_in_dim3A = arith.constant 0.000000e+00 : f32
        %broadcast_in_dim3A_288 = vector.broadcast %broadcast_in_dim3A : f32 to vector<16xf32>
        %broadcast_in_dim3A_289 = arith.constant 0.000000e+00 : f32
        %broadcast_in_dim3A_290 = vector.broadcast %broadcast_in_dim3A_289 : f32 to vector<16xf32>
        %mul3A_291 = arith.constant 20 : i32
        %mul3A_292 = arith.muli %scan3A_263, %mul3A_291 : i32
        %add3A_293 = arith.constant 0 : i32
        %add3A_294 = arith.addi %mul3A_292, %add3A_293 : i32
        %get3A_295 = arith.index_cast %add3A_294 : i32 to index
        %get3A_296 = arith.constant 0 : index
        %get3A_297 = tpu.vector_load %arg12[%get3A_295, %get3A_296] {strides = array<i32>} : memref<320x128xf32, #tpu.memory_space<vmem>>, vector<16xf32>,
        %mul3A_298 = arith.mulf %get3A_266, %get3A_297 : vector<16xf32>
        %get3A_299 = arith.index_cast %add3A_294 : i32 to index
        %get3A_300 = arith.constant 16 : index
        %get3A_301 = tpu.vector_load %arg12[%get3A_299, %get3A_300] {strides = array<i32>} : memref<320x128xf32, #tpu.memory_space<vmem>>, vector<16xf32>,
        %mul3A_302 = arith.mulf %get3A_269, %get3A_301 : vector<16xf32>
        %get3A_303 = arith.index_cast %add3A_294 : i32 to index
        %get3A_304 = arith.constant 32 : index
        %get3A_305 = tpu.vector_load %arg12[%get3A_303, %get3A_304] {strides = array<i32>} : memref<320x128xf32, #tpu.memory_space<vmem>>, vector<16xf32>,
        %mul3A_306 = arith.mulf %get3A_272, %get3A_305 : vector<16xf32>
        %get3A_307 = arith.index_cast %add3A_294 : i32 to index
        %get3A_308 = arith.constant 48 : index
        %get3A_309 = tpu.vector_load %arg12[%get3A_307, %get3A_308] {strides = array<i32>} : memref<320x128xf32, #tpu.memory_space<vmem>>, vector<16xf32>,
        %mul3A_310 = arith.mulf %get3A_275, %get3A_309 : vector<16xf32>
        %get3A_311 = arith.index_cast %add3A_294 : i32 to index
        %get3A_312 = arith.constant 64 : index
        %get3A_313 = tpu.vector_load %arg12[%get3A_311, %get3A_312] {strides = array<i32>} : memref<320x128xf32, #tpu.memory_space<vmem>>, vector<16xf32>,
        %mul3A_314 = arith.mulf %get3A_278, %get3A_313 : vector<16xf32>
        %get3A_315 = arith.index_cast %add3A_294 : i32 to index
        %get3A_316 = arith.constant 80 : index
        %get3A_317 = tpu.vector_load %arg12[%get3A_315, %get3A_316] {strides = array<i32>} : memref<320x128xf32, #tpu.memory_space<vmem>>, vector<16xf32>,
        %mul3A_318 = arith.mulf %get3A_281, %get3A_317 : vector<16xf32>
        %get3A_319 = arith.index_cast %add3A_294 : i32 to index
        %get3A_320 = arith.constant 96 : index
        %get3A_321 = tpu.vector_load %arg12[%get3A_319, %get3A_320] {strides = array<i32>} : memref<320x128xf32, #tpu.memory_space<vmem>>, vector<16xf32>,
        %mul3A_322 = arith.mulf %get3A_284, %get3A_321 : vector<16xf32>
        %get3A_323 = arith.index_cast %add3A_294 : i32 to index
        %get3A_324 = arith.constant 112 : index
        %get3A_325 = tpu.vector_load %arg12[%get3A_323, %get3A_324] {strides = array<i32>} : memref<320x128xf32, #tpu.memory_space<vmem>>, vector<16xf32>,
        %mul3A_326 = arith.mulf %get3A_287, %get3A_325 : vector<16xf32>
        %add3A_327 = arith.addf %mul3A_298, %mul3A_302 : vector<16xf32>
        %add3A_328 = arith.addf %mul3A_306, %mul3A_310 : vector<16xf32>
        %add3A_329 = arith.addf %mul3A_314, %mul3A_318 : vector<16xf32>
        %add3A_330 = arith.addf %mul3A_322, %mul3A_326 : vector<16xf32>
        %add3A_331 = arith.addf %add3A_327, %add3A_328 : vector<16xf32>
        %add3A_332 = arith.addf %add3A_329, %add3A_330 : vector<16xf32>
        %add3A_333 = arith.addf %add3A_331, %add3A_332 : vector<16xf32>
        %reduce_sum3A = arith.constant true
        %reduce_sum3A_334 = vector.broadcast %reduce_sum3A : i1 to vector<16xi1>
        %reduce_sum3A_335 = tpu.scan <sum>, %add3A_333 masked %reduce_sum3A_334 : vector<16xf32>, vector<16xi1> -> vector<16xf32>
        %reduce_sum3A_336 = vector.extract %reduce_sum3A_335[15] : f32 from vector<16xf32>
        %broadcast_in_dim3A_337 = vector.broadcast %reduce_sum3A_336 : f32 to vector<16xf32>
        %eq3A = arith.constant 0 : i32
        %eq3A_338 = vector.broadcast %eq3A : i32 to vector<16xi32>
        %eq3A_339 = arith.cmpi eq, %iota3A, %eq3A_338 : vector<16xi32>
        %select_n3A = arith.select %eq3A_339, %broadcast_in_dim3A_337, %broadcast_in_dim3A_288 : vector<16xi1>, vector<16xf32>
        %mul3A_340 = arith.constant 20 : i32
        %mul3A_341 = arith.muli %scan3A_263, %mul3A_340 : i32
        %add3A_342 = arith.constant 1 : i32
        %add3A_343 = arith.addi %mul3A_341, %add3A_342 : i32
        %get3A_344 = arith.index_cast %add3A_343 : i32 to index
        %get3A_345 = arith.constant 0 : index
        %get3A_346 = tpu.vector_load %arg12[%get3A_344, %get3A_345] {strides = array<i32>} : memref<320x128xf32, #tpu.memory_space<vmem>>, vector<16xf32>,
        %mul3A_347 = arith.mulf %get3A_266, %get3A_346 : vector<16xf32>
        %get3A_348 = arith.index_cast %add3A_343 : i32 to index
        %get3A_349 = arith.constant 16 : index
        %get3A_350 = tpu.vector_load %arg12[%get3A_348, %get3A_349] {strides = array<i32>} : memref<320x128xf32, #tpu.memory_space<vmem>>, vector<16xf32>,
        %mul3A_351 = arith.mulf %get3A_269, %get3A_350 : vector<16xf32>
        %get3A_352 = arith.index_cast %add3A_343 : i32 to index
        %get3A_353 = arith.constant 32 : index
        %get3A_354 = tpu.vector_load %arg12[%get3A_352, %get3A_353] {strides = array<i32>} : memref<320x128xf32, #tpu.memory_space<vmem>>, vector<16xf32>,
        %mul3A_355 = arith.mulf %get3A_272, %get3A_354 : vector<16xf32>
        %get3A_356 = arith.index_cast %add3A_343 : i32 to index
        %get3A_357 = arith.constant 48 : index
        %get3A_358 = tpu.vector_load %arg12[%get3A_356, %get3A_357] {strides = array<i32>} : memref<320x128xf32, #tpu.memory_space<vmem>>, vector<16xf32>,
        %mul3A_359 = arith.mulf %get3A_275, %get3A_358 : vector<16xf32>
        %get3A_360 = arith.index_cast %add3A_343 : i32 to index
        %get3A_361 = arith.constant 64 : index
        %get3A_362 = tpu.vector_load %arg12[%get3A_360, %get3A_361] {strides = array<i32>} : memref<320x128xf32, #tpu.memory_space<vmem>>, vector<16xf32>,
        %mul3A_363 = arith.mulf %get3A_278, %get3A_362 : vector<16xf32>
        %get3A_364 = arith.index_cast %add3A_343 : i32 to index
        %get3A_365 = arith.constant 80 : index
        %get3A_366 = tpu.vector_load %arg12[%get3A_364, %get3A_365] {strides = array<i32>} : memref<320x128xf32, #tpu.memory_space<vmem>>, vector<16xf32>,
        %mul3A_367 = arith.mulf %get3A_281, %get3A_366 : vector<16xf32>
        %get3A_368 = arith.index_cast %add3A_343 : i32 to index
        %get3A_369 = arith.constant 96 : index
        %get3A_370 = tpu.vector_load %arg12[%get3A_368, %get3A_369] {strides = array<i32>} : memref<320x128xf32, #tpu.memory_space<vmem>>, vector<16xf32>,
        %mul3A_371 = arith.mulf %get3A_284, %get3A_370 : vector<16xf32>
        %get3A_372 = arith.index_cast %add3A_343 : i32 to index
        %get3A_373 = arith.constant 112 : index
        %get3A_374 = tpu.vector_load %arg12[%get3A_372, %get3A_373] {strides = array<i32>} : memref<320x128xf32, #tpu.memory_space<vmem>>, vector<16xf32>,
        %mul3A_375 = arith.mulf %get3A_287, %get3A_374 : vector<16xf32>
        %add3A_376 = arith.addf %mul3A_347, %mul3A_351 : vector<16xf32>
        %add3A_377 = arith.addf %mul3A_355, %mul3A_359 : vector<16xf32>
        %add3A_378 = arith.addf %mul3A_363, %mul3A_367 : vector<16xf32>
        %add3A_379 = arith.addf %mul3A_371, %mul3A_375 : vector<16xf32>
        %add3A_380 = arith.addf %add3A_376, %add3A_377 : vector<16xf32>
        %add3A_381 = arith.addf %add3A_378, %add3A_379 : vector<16xf32>
        %add3A_382 = arith.addf %add3A_380, %add3A_381 : vector<16xf32>
        %reduce_sum3A_383 = arith.constant true
        %reduce_sum3A_384 = vector.broadcast %reduce_sum3A_383 : i1 to vector<16xi1>
        %reduce_sum3A_385 = tpu.scan <sum>, %add3A_382 masked %reduce_sum3A_384 : vector<16xf32>, vector<16xi1> -> vector<16xf32>
        %reduce_sum3A_386 = vector.extract %reduce_sum3A_385[15] : f32 from vector<16xf32>
        %broadcast_in_dim3A_387 = vector.broadcast %reduce_sum3A_386 : f32 to vector<16xf32>
        %eq3A_388 = arith.constant 1 : i32
        %eq3A_389 = vector.broadcast %eq3A_388 : i32 to vector<16xi32>
        %eq3A_390 = arith.cmpi eq, %iota3A, %eq3A_389 : vector<16xi32>
        %select_n3A_391 = arith.select %eq3A_390, %broadcast_in_dim3A_387, %select_n3A : vector<16xi1>, vector<16xf32>
        %mul3A_392 = arith.constant 20 : i32
        %mul3A_393 = arith.muli %scan3A_263, %mul3A_392 : i32
        %add3A_394 = arith.constant 2 : i32
        %add3A_395 = arith.addi %mul3A_393, %add3A_394 : i32
        %get3A_396 = arith.index_cast %add3A_395 : i32 to index
        %get3A_397 = arith.constant 0 : index
        %get3A_398 = tpu.vector_load %arg12[%get3A_396, %get3A_397] {strides = array<i32>} : memref<320x128xf32, #tpu.memory_space<vmem>>, vector<16xf32>,
        %mul3A_399 = arith.mulf %get3A_266, %get3A_398 : vector<16xf32>
        %get3A_400 = arith.index_cast %add3A_395 : i32 to index
        %get3A_401 = arith.constant 16 : index
        %get3A_402 = tpu.vector_load %arg12[%get3A_400, %get3A_401] {strides = array<i32>} : memref<320x128xf32, #tpu.memory_space<vmem>>, vector<16xf32>,
        %mul3A_403 = arith.mulf %get3A_269, %get3A_402 : vector<16xf32>
        %get3A_404 = arith.index_cast %add3A_395 : i32 to index
        %get3A_405 = arith.constant 32 : index
        %get3A_406 = tpu.vector_load %arg12[%get3A_404, %get3A_405] {strides = array<i32>} : memref<320x128xf32, #tpu.memory_space<vmem>>, vector<16xf32>,
        %mul3A_407 = arith.mulf %get3A_272, %get3A_406 : vector<16xf32>
        %get3A_408 = arith.index_cast %add3A_395 : i32 to index
        %get3A_409 = arith.constant 48 : index
        %get3A_410 = tpu.vector_load %arg12[%get3A_408, %get3A_409] {strides = array<i32>} : memref<320x128xf32, #tpu.memory_space<vmem>>, vector<16xf32>,
        %mul3A_411 = arith.mulf %get3A_275, %get3A_410 : vector<16xf32>
        %get3A_412 = arith.index_cast %add3A_395 : i32 to index
        %get3A_413 = arith.constant 64 : index
        %get3A_414 = tpu.vector_load %arg12[%get3A_412, %get3A_413] {strides = array<i32>} : memref<320x128xf32, #tpu.memory_space<vmem>>, vector<16xf32>,
        %mul3A_415 = arith.mulf %get3A_278, %get3A_414 : vector<16xf32>
        %get3A_416 = arith.index_cast %add3A_395 : i32 to index
        %get3A_417 = arith.constant 80 : index
        %get3A_418 = tpu.vector_load %arg12[%get3A_416, %get3A_417] {strides = array<i32>} : memref<320x128xf32, #tpu.memory_space<vmem>>, vector<16xf32>,
        %mul3A_419 = arith.mulf %get3A_281, %get3A_418 : vector<16xf32>
        %get3A_420 = arith.index_cast %add3A_395 : i32 to index
        %get3A_421 = arith.constant 96 : index
        %get3A_422 = tpu.vector_load %arg12[%get3A_420, %get3A_421] {strides = array<i32>} : memref<320x128xf32, #tpu.memory_space<vmem>>, vector<16xf32>,
        %mul3A_423 = arith.mulf %get3A_284, %get3A_422 : vector<16xf32>
        %get3A_424 = arith.index_cast %add3A_395 : i32 to index
        %get3A_425 = arith.constant 112 : index
        %get3A_426 = tpu.vector_load %arg12[%get3A_424, %get3A_425] {strides = array<i32>} : memref<320x128xf32, #tpu.memory_space<vmem>>, vector<16xf32>,
        %mul3A_427 = arith.mulf %get3A_287, %get3A_426 : vector<16xf32>
        %add3A_428 = arith.addf %mul3A_399, %mul3A_403 : vector<16xf32>
        %add3A_429 = arith.addf %mul3A_407, %mul3A_411 : vector<16xf32>
        %add3A_430 = arith.addf %mul3A_415, %mul3A_419 : vector<16xf32>
        %add3A_431 = arith.addf %mul3A_423, %mul3A_427 : vector<16xf32>
        %add3A_432 = arith.addf %add3A_428, %add3A_429 : vector<16xf32>
        %add3A_433 = arith.addf %add3A_430, %add3A_431 : vector<16xf32>
        %add3A_434 = arith.addf %add3A_432, %add3A_433 : vector<16xf32>
        %reduce_sum3A_435 = arith.constant true
        %reduce_sum3A_436 = vector.broadcast %reduce_sum3A_435 : i1 to vector<16xi1>
        %reduce_sum3A_437 = tpu.scan <sum>, %add3A_434 masked %reduce_sum3A_436 : vector<16xf32>, vector<16xi1> -> vector<16xf32>
        %reduce_sum3A_438 = vector.extract %reduce_sum3A_437[15] : f32 from vector<16xf32>
        %broadcast_in_dim3A_439 = vector.broadcast %reduce_sum3A_438 : f32 to vector<16xf32>
        %eq3A_440 = arith.constant 2 : i32
        %eq3A_441 = vector.broadcast %eq3A_440 : i32 to vector<16xi32>
        %eq3A_442 = arith.cmpi eq, %iota3A, %eq3A_441 : vector<16xi32>
        %select_n3A_443 = arith.select %eq3A_442, %broadcast_in_dim3A_439, %select_n3A_391 : vector<16xi1>, vector<16xf32>
        %mul3A_444 = arith.constant 20 : i32
        %mul3A_445 = arith.muli %scan3A_263, %mul3A_444 : i32
        %add3A_446 = arith.constant 3 : i32
        %add3A_447 = arith.addi %mul3A_445, %add3A_446 : i32
        %get3A_448 = arith.index_cast %add3A_447 : i32 to index
        %get3A_449 = arith.constant 0 : index
        %get3A_450 = tpu.vector_load %arg12[%get3A_448, %get3A_449] {strides = array<i32>} : memref<320x128xf32, #tpu.memory_space<vmem>>, vector<16xf32>,
        %mul3A_451 = arith.mulf %get3A_266, %get3A_450 : vector<16xf32>
        %get3A_452 = arith.index_cast %add3A_447 : i32 to index
        %get3A_453 = arith.constant 16 : index
        %get3A_454 = tpu.vector_load %arg12[%get3A_452, %get3A_453] {strides = array<i32>} : memref<320x128xf32, #tpu.memory_space<vmem>>, vector<16xf32>,
        %mul3A_455 = arith.mulf %get3A_269, %get3A_454 : vector<16xf32>
        %get3A_456 = arith.index_cast %add3A_447 : i32 to index
        %get3A_457 = arith.constant 32 : index
        %get3A_458 = tpu.vector_load %arg12[%get3A_456, %get3A_457] {strides = array<i32>} : memref<320x128xf32, #tpu.memory_space<vmem>>, vector<16xf32>,
        %mul3A_459 = arith.mulf %get3A_272, %get3A_458 : vector<16xf32>
        %get3A_460 = arith.index_cast %add3A_447 : i32 to index
        %get3A_461 = arith.constant 48 : index
        %get3A_462 = tpu.vector_load %arg12[%get3A_460, %get3A_461] {strides = array<i32>} : memref<320x128xf32, #tpu.memory_space<vmem>>, vector<16xf32>,
        %mul3A_463 = arith.mulf %get3A_275, %get3A_462 : vector<16xf32>
        %get3A_464 = arith.index_cast %add3A_447 : i32 to index
        %get3A_465 = arith.constant 64 : index
        %get3A_466 = tpu.vector_load %arg12[%get3A_464, %get3A_465] {strides = array<i32>} : memref<320x128xf32, #tpu.memory_space<vmem>>, vector<16xf32>,
        %mul3A_467 = arith.mulf %get3A_278, %get3A_466 : vector<16xf32>
        %get3A_468 = arith.index_cast %add3A_447 : i32 to index
        %get3A_469 = arith.constant 80 : index
        %get3A_470 = tpu.vector_load %arg12[%get3A_468, %get3A_469] {strides = array<i32>} : memref<320x128xf32, #tpu.memory_space<vmem>>, vector<16xf32>,
        %mul3A_471 = arith.mulf %get3A_281, %get3A_470 : vector<16xf32>
        %get3A_472 = arith.index_cast %add3A_447 : i32 to index
        %get3A_473 = arith.constant 96 : index
        %get3A_474 = tpu.vector_load %arg12[%get3A_472, %get3A_473] {strides = array<i32>} : memref<320x128xf32, #tpu.memory_space<vmem>>, vector<16xf32>,
        %mul3A_475 = arith.mulf %get3A_284, %get3A_474 : vector<16xf32>
        %get3A_476 = arith.index_cast %add3A_447 : i32 to index
        %get3A_477 = arith.constant 112 : index
        %get3A_478 = tpu.vector_load %arg12[%get3A_476, %get3A_477] {strides = array<i32>} : memref<320x128xf32, #tpu.memory_space<vmem>>, vector<16xf32>,
        %mul3A_479 = arith.mulf %get3A_287, %get3A_478 : vector<16xf32>
        %add3A_480 = arith.addf %mul3A_451, %mul3A_455 : vector<16xf32>
        %add3A_481 = arith.addf %mul3A_459, %mul3A_463 : vector<16xf32>
        %add3A_482 = arith.addf %mul3A_467, %mul3A_471 : vector<16xf32>
        %add3A_483 = arith.addf %mul3A_475, %mul3A_479 : vector<16xf32>
        %add3A_484 = arith.addf %add3A_480, %add3A_481 : vector<16xf32>
        %add3A_485 = arith.addf %add3A_482, %add3A_483 : vector<16xf32>
        %add3A_486 = arith.addf %add3A_484, %add3A_485 : vector<16xf32>
        %reduce_sum3A_487 = arith.constant true
        %reduce_sum3A_488 = vector.broadcast %reduce_sum3A_487 : i1 to vector<16xi1>
        %reduce_sum3A_489 = tpu.scan <sum>, %add3A_486 masked %reduce_sum3A_488 : vector<16xf32>, vector<16xi1> -> vector<16xf32>
        %reduce_sum3A_490 = vector.extract %reduce_sum3A_489[15] : f32 from vector<16xf32>
        %broadcast_in_dim3A_491 = vector.broadcast %reduce_sum3A_490 : f32 to vector<16xf32>
        %eq3A_492 = arith.constant 3 : i32
        %eq3A_493 = vector.broadcast %eq3A_492 : i32 to vector<16xi32>
        %eq3A_494 = arith.cmpi eq, %iota3A, %eq3A_493 : vector<16xi32>
        %select_n3A_495 = arith.select %eq3A_494, %broadcast_in_dim3A_491, %select_n3A_443 : vector<16xi1>, vector<16xf32>
        %mul3A_496 = arith.constant 20 : i32
        %mul3A_497 = arith.muli %scan3A_263, %mul3A_496 : i32
        %add3A_498 = arith.constant 4 : i32
        %add3A_499 = arith.addi %mul3A_497, %add3A_498 : i32
        %get3A_500 = arith.index_cast %add3A_499 : i32 to index
        %get3A_501 = arith.constant 0 : index
        %get3A_502 = tpu.vector_load %arg12[%get3A_500, %get3A_501] {strides = array<i32>} : memref<320x128xf32, #tpu.memory_space<vmem>>, vector<16xf32>,
        %mul3A_503 = arith.mulf %get3A_266, %get3A_502 : vector<16xf32>
        %get3A_504 = arith.index_cast %add3A_499 : i32 to index
        %get3A_505 = arith.constant 16 : index
        %get3A_506 = tpu.vector_load %arg12[%get3A_504, %get3A_505] {strides = array<i32>} : memref<320x128xf32, #tpu.memory_space<vmem>>, vector<16xf32>,
        %mul3A_507 = arith.mulf %get3A_269, %get3A_506 : vector<16xf32>
        %get3A_508 = arith.index_cast %add3A_499 : i32 to index
        %get3A_509 = arith.constant 32 : index
        %get3A_510 = tpu.vector_load %arg12[%get3A_508, %get3A_509] {strides = array<i32>} : memref<320x128xf32, #tpu.memory_space<vmem>>, vector<16xf32>,
        %mul3A_511 = arith.mulf %get3A_272, %get3A_510 : vector<16xf32>
        %get3A_512 = arith.index_cast %add3A_499 : i32 to index
        %get3A_513 = arith.constant 48 : index
        %get3A_514 = tpu.vector_load %arg12[%get3A_512, %get3A_513] {strides = array<i32>} : memref<320x128xf32, #tpu.memory_space<vmem>>, vector<16xf32>,
        %mul3A_515 = arith.mulf %get3A_275, %get3A_514 : vector<16xf32>
        %get3A_516 = arith.index_cast %add3A_499 : i32 to index
        %get3A_517 = arith.constant 64 : index
        %get3A_518 = tpu.vector_load %arg12[%get3A_516, %get3A_517] {strides = array<i32>} : memref<320x128xf32, #tpu.memory_space<vmem>>, vector<16xf32>,
        %mul3A_519 = arith.mulf %get3A_278, %get3A_518 : vector<16xf32>
        %get3A_520 = arith.index_cast %add3A_499 : i32 to index
        %get3A_521 = arith.constant 80 : index
        %get3A_522 = tpu.vector_load %arg12[%get3A_520, %get3A_521] {strides = array<i32>} : memref<320x128xf32, #tpu.memory_space<vmem>>, vector<16xf32>,
        %mul3A_523 = arith.mulf %get3A_281, %get3A_522 : vector<16xf32>
        %get3A_524 = arith.index_cast %add3A_499 : i32 to index
        %get3A_525 = arith.constant 96 : index
        %get3A_526 = tpu.vector_load %arg12[%get3A_524, %get3A_525] {strides = array<i32>} : memref<320x128xf32, #tpu.memory_space<vmem>>, vector<16xf32>,
        %mul3A_527 = arith.mulf %get3A_284, %get3A_526 : vector<16xf32>
        %get3A_528 = arith.index_cast %add3A_499 : i32 to index
        %get3A_529 = arith.constant 112 : index
        %get3A_530 = tpu.vector_load %arg12[%get3A_528, %get3A_529] {strides = array<i32>} : memref<320x128xf32, #tpu.memory_space<vmem>>, vector<16xf32>,
        %mul3A_531 = arith.mulf %get3A_287, %get3A_530 : vector<16xf32>
        %add3A_532 = arith.addf %mul3A_503, %mul3A_507 : vector<16xf32>
        %add3A_533 = arith.addf %mul3A_511, %mul3A_515 : vector<16xf32>
        %add3A_534 = arith.addf %mul3A_519, %mul3A_523 : vector<16xf32>
        %add3A_535 = arith.addf %mul3A_527, %mul3A_531 : vector<16xf32>
        %add3A_536 = arith.addf %add3A_532, %add3A_533 : vector<16xf32>
        %add3A_537 = arith.addf %add3A_534, %add3A_535 : vector<16xf32>
        %add3A_538 = arith.addf %add3A_536, %add3A_537 : vector<16xf32>
        %reduce_sum3A_539 = arith.constant true
        %reduce_sum3A_540 = vector.broadcast %reduce_sum3A_539 : i1 to vector<16xi1>
        %reduce_sum3A_541 = tpu.scan <sum>, %add3A_538 masked %reduce_sum3A_540 : vector<16xf32>, vector<16xi1> -> vector<16xf32>
        %reduce_sum3A_542 = vector.extract %reduce_sum3A_541[15] : f32 from vector<16xf32>
        %broadcast_in_dim3A_543 = vector.broadcast %reduce_sum3A_542 : f32 to vector<16xf32>
        %eq3A_544 = arith.constant 4 : i32
        %eq3A_545 = vector.broadcast %eq3A_544 : i32 to vector<16xi32>
        %eq3A_546 = arith.cmpi eq, %iota3A, %eq3A_545 : vector<16xi32>
        %select_n3A_547 = arith.select %eq3A_546, %broadcast_in_dim3A_543, %select_n3A_495 : vector<16xi1>, vector<16xf32>
        %mul3A_548 = arith.constant 20 : i32
        %mul3A_549 = arith.muli %scan3A_263, %mul3A_548 : i32
        %add3A_550 = arith.constant 5 : i32
        %add3A_551 = arith.addi %mul3A_549, %add3A_550 : i32
        %get3A_552 = arith.index_cast %add3A_551 : i32 to index
        %get3A_553 = arith.constant 0 : index
        %get3A_554 = tpu.vector_load %arg12[%get3A_552, %get3A_553] {strides = array<i32>} : memref<320x128xf32, #tpu.memory_space<vmem>>, vector<16xf32>,
        %mul3A_555 = arith.mulf %get3A_266, %get3A_554 : vector<16xf32>
        %get3A_556 = arith.index_cast %add3A_551 : i32 to index
        %get3A_557 = arith.constant 16 : index
        %get3A_558 = tpu.vector_load %arg12[%get3A_556, %get3A_557] {strides = array<i32>} : memref<320x128xf32, #tpu.memory_space<vmem>>, vector<16xf32>,
        %mul3A_559 = arith.mulf %get3A_269, %get3A_558 : vector<16xf32>
        %get3A_560 = arith.index_cast %add3A_551 : i32 to index
        %get3A_561 = arith.constant 32 : index
        %get3A_562 = tpu.vector_load %arg12[%get3A_560, %get3A_561] {strides = array<i32>} : memref<320x128xf32, #tpu.memory_space<vmem>>, vector<16xf32>,
        %mul3A_563 = arith.mulf %get3A_272, %get3A_562 : vector<16xf32>
        %get3A_564 = arith.index_cast %add3A_551 : i32 to index
        %get3A_565 = arith.constant 48 : index
        %get3A_566 = tpu.vector_load %arg12[%get3A_564, %get3A_565] {strides = array<i32>} : memref<320x128xf32, #tpu.memory_space<vmem>>, vector<16xf32>,
        %mul3A_567 = arith.mulf %get3A_275, %get3A_566 : vector<16xf32>
        %get3A_568 = arith.index_cast %add3A_551 : i32 to index
        %get3A_569 = arith.constant 64 : index
        %get3A_570 = tpu.vector_load %arg12[%get3A_568, %get3A_569] {strides = array<i32>} : memref<320x128xf32, #tpu.memory_space<vmem>>, vector<16xf32>,
        %mul3A_571 = arith.mulf %get3A_278, %get3A_570 : vector<16xf32>
        %get3A_572 = arith.index_cast %add3A_551 : i32 to index
        %get3A_573 = arith.constant 80 : index
        %get3A_574 = tpu.vector_load %arg12[%get3A_572, %get3A_573] {strides = array<i32>} : memref<320x128xf32, #tpu.memory_space<vmem>>, vector<16xf32>,
        %mul3A_575 = arith.mulf %get3A_281, %get3A_574 : vector<16xf32>
        %get3A_576 = arith.index_cast %add3A_551 : i32 to index
        %get3A_577 = arith.constant 96 : index
        %get3A_578 = tpu.vector_load %arg12[%get3A_576, %get3A_577] {strides = array<i32>} : memref<320x128xf32, #tpu.memory_space<vmem>>, vector<16xf32>,
        %mul3A_579 = arith.mulf %get3A_284, %get3A_578 : vector<16xf32>
        %get3A_580 = arith.index_cast %add3A_551 : i32 to index
        %get3A_581 = arith.constant 112 : index
        %get3A_582 = tpu.vector_load %arg12[%get3A_580, %get3A_581] {strides = array<i32>} : memref<320x128xf32, #tpu.memory_space<vmem>>, vector<16xf32>,
        %mul3A_583 = arith.mulf %get3A_287, %get3A_582 : vector<16xf32>
        %add3A_584 = arith.addf %mul3A_555, %mul3A_559 : vector<16xf32>
        %add3A_585 = arith.addf %mul3A_563, %mul3A_567 : vector<16xf32>
        %add3A_586 = arith.addf %mul3A_571, %mul3A_575 : vector<16xf32>
        %add3A_587 = arith.addf %mul3A_579, %mul3A_583 : vector<16xf32>
        %add3A_588 = arith.addf %add3A_584, %add3A_585 : vector<16xf32>
        %add3A_589 = arith.addf %add3A_586, %add3A_587 : vector<16xf32>
        %add3A_590 = arith.addf %add3A_588, %add3A_589 : vector<16xf32>
        %reduce_sum3A_591 = arith.constant true
        %reduce_sum3A_592 = vector.broadcast %reduce_sum3A_591 : i1 to vector<16xi1>
        %reduce_sum3A_593 = tpu.scan <sum>, %add3A_590 masked %reduce_sum3A_592 : vector<16xf32>, vector<16xi1> -> vector<16xf32>
        %reduce_sum3A_594 = vector.extract %reduce_sum3A_593[15] : f32 from vector<16xf32>
        %broadcast_in_dim3A_595 = vector.broadcast %reduce_sum3A_594 : f32 to vector<16xf32>
        %eq3A_596 = arith.constant 5 : i32
        %eq3A_597 = vector.broadcast %eq3A_596 : i32 to vector<16xi32>
        %eq3A_598 = arith.cmpi eq, %iota3A, %eq3A_597 : vector<16xi32>
        %select_n3A_599 = arith.select %eq3A_598, %broadcast_in_dim3A_595, %select_n3A_547 : vector<16xi1>, vector<16xf32>
        %mul3A_600 = arith.constant 20 : i32
        %mul3A_601 = arith.muli %scan3A_263, %mul3A_600 : i32
        %add3A_602 = arith.constant 6 : i32
        %add3A_603 = arith.addi %mul3A_601, %add3A_602 : i32
        %get3A_604 = arith.index_cast %add3A_603 : i32 to index
        %get3A_605 = arith.constant 0 : index
        %get3A_606 = tpu.vector_load %arg12[%get3A_604, %get3A_605] {strides = array<i32>} : memref<320x128xf32, #tpu.memory_space<vmem>>, vector<16xf32>,
        %mul3A_607 = arith.mulf %get3A_266, %get3A_606 : vector<16xf32>
        %get3A_608 = arith.index_cast %add3A_603 : i32 to index
        %get3A_609 = arith.constant 16 : index
        %get3A_610 = tpu.vector_load %arg12[%get3A_608, %get3A_609] {strides = array<i32>} : memref<320x128xf32, #tpu.memory_space<vmem>>, vector<16xf32>,
        %mul3A_611 = arith.mulf %get3A_269, %get3A_610 : vector<16xf32>
        %get3A_612 = arith.index_cast %add3A_603 : i32 to index
        %get3A_613 = arith.constant 32 : index
        %get3A_614 = tpu.vector_load %arg12[%get3A_612, %get3A_613] {strides = array<i32>} : memref<320x128xf32, #tpu.memory_space<vmem>>, vector<16xf32>,
        %mul3A_615 = arith.mulf %get3A_272, %get3A_614 : vector<16xf32>
        %get3A_616 = arith.index_cast %add3A_603 : i32 to index
        %get3A_617 = arith.constant 48 : index
        %get3A_618 = tpu.vector_load %arg12[%get3A_616, %get3A_617] {strides = array<i32>} : memref<320x128xf32, #tpu.memory_space<vmem>>, vector<16xf32>,
        %mul3A_619 = arith.mulf %get3A_275, %get3A_618 : vector<16xf32>
        %get3A_620 = arith.index_cast %add3A_603 : i32 to index
        %get3A_621 = arith.constant 64 : index
        %get3A_622 = tpu.vector_load %arg12[%get3A_620, %get3A_621] {strides = array<i32>} : memref<320x128xf32, #tpu.memory_space<vmem>>, vector<16xf32>,
        %mul3A_623 = arith.mulf %get3A_278, %get3A_622 : vector<16xf32>
        %get3A_624 = arith.index_cast %add3A_603 : i32 to index
        %get3A_625 = arith.constant 80 : index
        %get3A_626 = tpu.vector_load %arg12[%get3A_624, %get3A_625] {strides = array<i32>} : memref<320x128xf32, #tpu.memory_space<vmem>>, vector<16xf32>,
        %mul3A_627 = arith.mulf %get3A_281, %get3A_626 : vector<16xf32>
        %get3A_628 = arith.index_cast %add3A_603 : i32 to index
        %get3A_629 = arith.constant 96 : index
        %get3A_630 = tpu.vector_load %arg12[%get3A_628, %get3A_629] {strides = array<i32>} : memref<320x128xf32, #tpu.memory_space<vmem>>, vector<16xf32>,
        %mul3A_631 = arith.mulf %get3A_284, %get3A_630 : vector<16xf32>
        %get3A_632 = arith.index_cast %add3A_603 : i32 to index
        %get3A_633 = arith.constant 112 : index
        %get3A_634 = tpu.vector_load %arg12[%get3A_632, %get3A_633] {strides = array<i32>} : memref<320x128xf32, #tpu.memory_space<vmem>>, vector<16xf32>,
        %mul3A_635 = arith.mulf %get3A_287, %get3A_634 : vector<16xf32>
        %add3A_636 = arith.addf %mul3A_607, %mul3A_611 : vector<16xf32>
        %add3A_637 = arith.addf %mul3A_615, %mul3A_619 : vector<16xf32>
        %add3A_638 = arith.addf %mul3A_623, %mul3A_627 : vector<16xf32>
        %add3A_639 = arith.addf %mul3A_631, %mul3A_635 : vector<16xf32>
        %add3A_640 = arith.addf %add3A_636, %add3A_637 : vector<16xf32>
        %add3A_641 = arith.addf %add3A_638, %add3A_639 : vector<16xf32>
        %add3A_642 = arith.addf %add3A_640, %add3A_641 : vector<16xf32>
        %reduce_sum3A_643 = arith.constant true
        %reduce_sum3A_644 = vector.broadcast %reduce_sum3A_643 : i1 to vector<16xi1>
        %reduce_sum3A_645 = tpu.scan <sum>, %add3A_642 masked %reduce_sum3A_644 : vector<16xf32>, vector<16xi1> -> vector<16xf32>
        %reduce_sum3A_646 = vector.extract %reduce_sum3A_645[15] : f32 from vector<16xf32>
        %broadcast_in_dim3A_647 = vector.broadcast %reduce_sum3A_646 : f32 to vector<16xf32>
        %eq3A_648 = arith.constant 6 : i32
        %eq3A_649 = vector.broadcast %eq3A_648 : i32 to vector<16xi32>
        %eq3A_650 = arith.cmpi eq, %iota3A, %eq3A_649 : vector<16xi32>
        %select_n3A_651 = arith.select %eq3A_650, %broadcast_in_dim3A_647, %select_n3A_599 : vector<16xi1>, vector<16xf32>
        %mul3A_652 = arith.constant 20 : i32
        %mul3A_653 = arith.muli %scan3A_263, %mul3A_652 : i32
        %add3A_654 = arith.constant 7 : i32
        %add3A_655 = arith.addi %mul3A_653, %add3A_654 : i32
        %get3A_656 = arith.index_cast %add3A_655 : i32 to index
        %get3A_657 = arith.constant 0 : index
        %get3A_658 = tpu.vector_load %arg12[%get3A_656, %get3A_657] {strides = array<i32>} : memref<320x128xf32, #tpu.memory_space<vmem>>, vector<16xf32>,
        %mul3A_659 = arith.mulf %get3A_266, %get3A_658 : vector<16xf32>
        %get3A_660 = arith.index_cast %add3A_655 : i32 to index
        %get3A_661 = arith.constant 16 : index
        %get3A_662 = tpu.vector_load %arg12[%get3A_660, %get3A_661] {strides = array<i32>} : memref<320x128xf32, #tpu.memory_space<vmem>>, vector<16xf32>,
        %mul3A_663 = arith.mulf %get3A_269, %get3A_662 : vector<16xf32>
        %get3A_664 = arith.index_cast %add3A_655 : i32 to index
        %get3A_665 = arith.constant 32 : index
        %get3A_666 = tpu.vector_load %arg12[%get3A_664, %get3A_665] {strides = array<i32>} : memref<320x128xf32, #tpu.memory_space<vmem>>, vector<16xf32>,
        %mul3A_667 = arith.mulf %get3A_272, %get3A_666 : vector<16xf32>
        %get3A_668 = arith.index_cast %add3A_655 : i32 to index
        %get3A_669 = arith.constant 48 : index
        %get3A_670 = tpu.vector_load %arg12[%get3A_668, %get3A_669] {strides = array<i32>} : memref<320x128xf32, #tpu.memory_space<vmem>>, vector<16xf32>,
        %mul3A_671 = arith.mulf %get3A_275, %get3A_670 : vector<16xf32>
        %get3A_672 = arith.index_cast %add3A_655 : i32 to index
        %get3A_673 = arith.constant 64 : index
        %get3A_674 = tpu.vector_load %arg12[%get3A_672, %get3A_673] {strides = array<i32>} : memref<320x128xf32, #tpu.memory_space<vmem>>, vector<16xf32>,
        %mul3A_675 = arith.mulf %get3A_278, %get3A_674 : vector<16xf32>
        %get3A_676 = arith.index_cast %add3A_655 : i32 to index
        %get3A_677 = arith.constant 80 : index
        %get3A_678 = tpu.vector_load %arg12[%get3A_676, %get3A_677] {strides = array<i32>} : memref<320x128xf32, #tpu.memory_space<vmem>>, vector<16xf32>,
        %mul3A_679 = arith.mulf %get3A_281, %get3A_678 : vector<16xf32>
        %get3A_680 = arith.index_cast %add3A_655 : i32 to index
        %get3A_681 = arith.constant 96 : index
        %get3A_682 = tpu.vector_load %arg12[%get3A_680, %get3A_681] {strides = array<i32>} : memref<320x128xf32, #tpu.memory_space<vmem>>, vector<16xf32>,
        %mul3A_683 = arith.mulf %get3A_284, %get3A_682 : vector<16xf32>
        %get3A_684 = arith.index_cast %add3A_655 : i32 to index
        %get3A_685 = arith.constant 112 : index
        %get3A_686 = tpu.vector_load %arg12[%get3A_684, %get3A_685] {strides = array<i32>} : memref<320x128xf32, #tpu.memory_space<vmem>>, vector<16xf32>,
        %mul3A_687 = arith.mulf %get3A_287, %get3A_686 : vector<16xf32>
        %add3A_688 = arith.addf %mul3A_659, %mul3A_663 : vector<16xf32>
        %add3A_689 = arith.addf %mul3A_667, %mul3A_671 : vector<16xf32>
        %add3A_690 = arith.addf %mul3A_675, %mul3A_679 : vector<16xf32>
        %add3A_691 = arith.addf %mul3A_683, %mul3A_687 : vector<16xf32>
        %add3A_692 = arith.addf %add3A_688, %add3A_689 : vector<16xf32>
        %add3A_693 = arith.addf %add3A_690, %add3A_691 : vector<16xf32>
        %add3A_694 = arith.addf %add3A_692, %add3A_693 : vector<16xf32>
        %reduce_sum3A_695 = arith.constant true
        %reduce_sum3A_696 = vector.broadcast %reduce_sum3A_695 : i1 to vector<16xi1>
        %reduce_sum3A_697 = tpu.scan <sum>, %add3A_694 masked %reduce_sum3A_696 : vector<16xf32>, vector<16xi1> -> vector<16xf32>
        %reduce_sum3A_698 = vector.extract %reduce_sum3A_697[15] : f32 from vector<16xf32>
        %broadcast_in_dim3A_699 = vector.broadcast %reduce_sum3A_698 : f32 to vector<16xf32>
        %eq3A_700 = arith.constant 7 : i32
        %eq3A_701 = vector.broadcast %eq3A_700 : i32 to vector<16xi32>
        %eq3A_702 = arith.cmpi eq, %iota3A, %eq3A_701 : vector<16xi32>
        %select_n3A_703 = arith.select %eq3A_702, %broadcast_in_dim3A_699, %select_n3A_651 : vector<16xi1>, vector<16xf32>
        %mul3A_704 = arith.constant 20 : i32
        %mul3A_705 = arith.muli %scan3A_263, %mul3A_704 : i32
        %add3A_706 = arith.constant 8 : i32
        %add3A_707 = arith.addi %mul3A_705, %add3A_706 : i32
        %get3A_708 = arith.index_cast %add3A_707 : i32 to index
        %get3A_709 = arith.constant 0 : index
        %get3A_710 = tpu.vector_load %arg12[%get3A_708, %get3A_709] {strides = array<i32>} : memref<320x128xf32, #tpu.memory_space<vmem>>, vector<16xf32>,
        %mul3A_711 = arith.mulf %get3A_266, %get3A_710 : vector<16xf32>
        %get3A_712 = arith.index_cast %add3A_707 : i32 to index
        %get3A_713 = arith.constant 16 : index
        %get3A_714 = tpu.vector_load %arg12[%get3A_712, %get3A_713] {strides = array<i32>} : memref<320x128xf32, #tpu.memory_space<vmem>>, vector<16xf32>,
        %mul3A_715 = arith.mulf %get3A_269, %get3A_714 : vector<16xf32>
        %get3A_716 = arith.index_cast %add3A_707 : i32 to index
        %get3A_717 = arith.constant 32 : index
        %get3A_718 = tpu.vector_load %arg12[%get3A_716, %get3A_717] {strides = array<i32>} : memref<320x128xf32, #tpu.memory_space<vmem>>, vector<16xf32>,
        %mul3A_719 = arith.mulf %get3A_272, %get3A_718 : vector<16xf32>
        %get3A_720 = arith.index_cast %add3A_707 : i32 to index
        %get3A_721 = arith.constant 48 : index
        %get3A_722 = tpu.vector_load %arg12[%get3A_720, %get3A_721] {strides = array<i32>} : memref<320x128xf32, #tpu.memory_space<vmem>>, vector<16xf32>,
        %mul3A_723 = arith.mulf %get3A_275, %get3A_722 : vector<16xf32>
        %get3A_724 = arith.index_cast %add3A_707 : i32 to index
        %get3A_725 = arith.constant 64 : index
        %get3A_726 = tpu.vector_load %arg12[%get3A_724, %get3A_725] {strides = array<i32>} : memref<320x128xf32, #tpu.memory_space<vmem>>, vector<16xf32>,
        %mul3A_727 = arith.mulf %get3A_278, %get3A_726 : vector<16xf32>
        %get3A_728 = arith.index_cast %add3A_707 : i32 to index
        %get3A_729 = arith.constant 80 : index
        %get3A_730 = tpu.vector_load %arg12[%get3A_728, %get3A_729] {strides = array<i32>} : memref<320x128xf32, #tpu.memory_space<vmem>>, vector<16xf32>,
        %mul3A_731 = arith.mulf %get3A_281, %get3A_730 : vector<16xf32>
        %get3A_732 = arith.index_cast %add3A_707 : i32 to index
        %get3A_733 = arith.constant 96 : index
        %get3A_734 = tpu.vector_load %arg12[%get3A_732, %get3A_733] {strides = array<i32>} : memref<320x128xf32, #tpu.memory_space<vmem>>, vector<16xf32>,
        %mul3A_735 = arith.mulf %get3A_284, %get3A_734 : vector<16xf32>
        %get3A_736 = arith.index_cast %add3A_707 : i32 to index
        %get3A_737 = arith.constant 112 : index
        %get3A_738 = tpu.vector_load %arg12[%get3A_736, %get3A_737] {strides = array<i32>} : memref<320x128xf32, #tpu.memory_space<vmem>>, vector<16xf32>,
        %mul3A_739 = arith.mulf %get3A_287, %get3A_738 : vector<16xf32>
        %add3A_740 = arith.addf %mul3A_711, %mul3A_715 : vector<16xf32>
        %add3A_741 = arith.addf %mul3A_719, %mul3A_723 : vector<16xf32>
        %add3A_742 = arith.addf %mul3A_727, %mul3A_731 : vector<16xf32>
        %add3A_743 = arith.addf %mul3A_735, %mul3A_739 : vector<16xf32>
        %add3A_744 = arith.addf %add3A_740, %add3A_741 : vector<16xf32>
        %add3A_745 = arith.addf %add3A_742, %add3A_743 : vector<16xf32>
        %add3A_746 = arith.addf %add3A_744, %add3A_745 : vector<16xf32>
        %reduce_sum3A_747 = arith.constant true
        %reduce_sum3A_748 = vector.broadcast %reduce_sum3A_747 : i1 to vector<16xi1>
        %reduce_sum3A_749 = tpu.scan <sum>, %add3A_746 masked %reduce_sum3A_748 : vector<16xf32>, vector<16xi1> -> vector<16xf32>
        %reduce_sum3A_750 = vector.extract %reduce_sum3A_749[15] : f32 from vector<16xf32>
        %broadcast_in_dim3A_751 = vector.broadcast %reduce_sum3A_750 : f32 to vector<16xf32>
        %eq3A_752 = arith.constant 8 : i32
        %eq3A_753 = vector.broadcast %eq3A_752 : i32 to vector<16xi32>
        %eq3A_754 = arith.cmpi eq, %iota3A, %eq3A_753 : vector<16xi32>
        %select_n3A_755 = arith.select %eq3A_754, %broadcast_in_dim3A_751, %select_n3A_703 : vector<16xi1>, vector<16xf32>
        %mul3A_756 = arith.constant 20 : i32
        %mul3A_757 = arith.muli %scan3A_263, %mul3A_756 : i32
        %add3A_758 = arith.constant 9 : i32
        %add3A_759 = arith.addi %mul3A_757, %add3A_758 : i32
        %get3A_760 = arith.index_cast %add3A_759 : i32 to index
        %get3A_761 = arith.constant 0 : index
        %get3A_762 = tpu.vector_load %arg12[%get3A_760, %get3A_761] {strides = array<i32>} : memref<320x128xf32, #tpu.memory_space<vmem>>, vector<16xf32>,
        %mul3A_763 = arith.mulf %get3A_266, %get3A_762 : vector<16xf32>
        %get3A_764 = arith.index_cast %add3A_759 : i32 to index
        %get3A_765 = arith.constant 16 : index
        %get3A_766 = tpu.vector_load %arg12[%get3A_764, %get3A_765] {strides = array<i32>} : memref<320x128xf32, #tpu.memory_space<vmem>>, vector<16xf32>,
        %mul3A_767 = arith.mulf %get3A_269, %get3A_766 : vector<16xf32>
        %get3A_768 = arith.index_cast %add3A_759 : i32 to index
        %get3A_769 = arith.constant 32 : index
        %get3A_770 = tpu.vector_load %arg12[%get3A_768, %get3A_769] {strides = array<i32>} : memref<320x128xf32, #tpu.memory_space<vmem>>, vector<16xf32>,
        %mul3A_771 = arith.mulf %get3A_272, %get3A_770 : vector<16xf32>
        %get3A_772 = arith.index_cast %add3A_759 : i32 to index
        %get3A_773 = arith.constant 48 : index
        %get3A_774 = tpu.vector_load %arg12[%get3A_772, %get3A_773] {strides = array<i32>} : memref<320x128xf32, #tpu.memory_space<vmem>>, vector<16xf32>,
        %mul3A_775 = arith.mulf %get3A_275, %get3A_774 : vector<16xf32>
        %get3A_776 = arith.index_cast %add3A_759 : i32 to index
        %get3A_777 = arith.constant 64 : index
        %get3A_778 = tpu.vector_load %arg12[%get3A_776, %get3A_777] {strides = array<i32>} : memref<320x128xf32, #tpu.memory_space<vmem>>, vector<16xf32>,
        %mul3A_779 = arith.mulf %get3A_278, %get3A_778 : vector<16xf32>
        %get3A_780 = arith.index_cast %add3A_759 : i32 to index
        %get3A_781 = arith.constant 80 : index
        %get3A_782 = tpu.vector_load %arg12[%get3A_780, %get3A_781] {strides = array<i32>} : memref<320x128xf32, #tpu.memory_space<vmem>>, vector<16xf32>,
        %mul3A_783 = arith.mulf %get3A_281, %get3A_782 : vector<16xf32>
        %get3A_784 = arith.index_cast %add3A_759 : i32 to index
        %get3A_785 = arith.constant 96 : index
        %get3A_786 = tpu.vector_load %arg12[%get3A_784, %get3A_785] {strides = array<i32>} : memref<320x128xf32, #tpu.memory_space<vmem>>, vector<16xf32>,
        %mul3A_787 = arith.mulf %get3A_284, %get3A_786 : vector<16xf32>
        %get3A_788 = arith.index_cast %add3A_759 : i32 to index
        %get3A_789 = arith.constant 112 : index
        %get3A_790 = tpu.vector_load %arg12[%get3A_788, %get3A_789] {strides = array<i32>} : memref<320x128xf32, #tpu.memory_space<vmem>>, vector<16xf32>,
        %mul3A_791 = arith.mulf %get3A_287, %get3A_790 : vector<16xf32>
        %add3A_792 = arith.addf %mul3A_763, %mul3A_767 : vector<16xf32>
        %add3A_793 = arith.addf %mul3A_771, %mul3A_775 : vector<16xf32>
        %add3A_794 = arith.addf %mul3A_779, %mul3A_783 : vector<16xf32>
        %add3A_795 = arith.addf %mul3A_787, %mul3A_791 : vector<16xf32>
        %add3A_796 = arith.addf %add3A_792, %add3A_793 : vector<16xf32>
        %add3A_797 = arith.addf %add3A_794, %add3A_795 : vector<16xf32>
        %add3A_798 = arith.addf %add3A_796, %add3A_797 : vector<16xf32>
        %reduce_sum3A_799 = arith.constant true
        %reduce_sum3A_800 = vector.broadcast %reduce_sum3A_799 : i1 to vector<16xi1>
        %reduce_sum3A_801 = tpu.scan <sum>, %add3A_798 masked %reduce_sum3A_800 : vector<16xf32>, vector<16xi1> -> vector<16xf32>
        %reduce_sum3A_802 = vector.extract %reduce_sum3A_801[15] : f32 from vector<16xf32>
        %broadcast_in_dim3A_803 = vector.broadcast %reduce_sum3A_802 : f32 to vector<16xf32>
        %eq3A_804 = arith.constant 9 : i32
        %eq3A_805 = vector.broadcast %eq3A_804 : i32 to vector<16xi32>
        %eq3A_806 = arith.cmpi eq, %iota3A, %eq3A_805 : vector<16xi32>
        %select_n3A_807 = arith.select %eq3A_806, %broadcast_in_dim3A_803, %select_n3A_755 : vector<16xi1>, vector<16xf32>
        %mul3A_808 = arith.constant 20 : i32
        %mul3A_809 = arith.muli %scan3A_263, %mul3A_808 : i32
        %add3A_810 = arith.constant 10 : i32
        %add3A_811 = arith.addi %mul3A_809, %add3A_810 : i32
        %get3A_812 = arith.index_cast %add3A_811 : i32 to index
        %get3A_813 = arith.constant 0 : index
        %get3A_814 = tpu.vector_load %arg12[%get3A_812, %get3A_813] {strides = array<i32>} : memref<320x128xf32, #tpu.memory_space<vmem>>, vector<16xf32>,
        %mul3A_815 = arith.mulf %get3A_266, %get3A_814 : vector<16xf32>
        %get3A_816 = arith.index_cast %add3A_811 : i32 to index
        %get3A_817 = arith.constant 16 : index
        %get3A_818 = tpu.vector_load %arg12[%get3A_816, %get3A_817] {strides = array<i32>} : memref<320x128xf32, #tpu.memory_space<vmem>>, vector<16xf32>,
        %mul3A_819 = arith.mulf %get3A_269, %get3A_818 : vector<16xf32>
        %get3A_820 = arith.index_cast %add3A_811 : i32 to index
        %get3A_821 = arith.constant 32 : index
        %get3A_822 = tpu.vector_load %arg12[%get3A_820, %get3A_821] {strides = array<i32>} : memref<320x128xf32, #tpu.memory_space<vmem>>, vector<16xf32>,
        %mul3A_823 = arith.mulf %get3A_272, %get3A_822 : vector<16xf32>
        %get3A_824 = arith.index_cast %add3A_811 : i32 to index
        %get3A_825 = arith.constant 48 : index
        %get3A_826 = tpu.vector_load %arg12[%get3A_824, %get3A_825] {strides = array<i32>} : memref<320x128xf32, #tpu.memory_space<vmem>>, vector<16xf32>,
        %mul3A_827 = arith.mulf %get3A_275, %get3A_826 : vector<16xf32>
        %get3A_828 = arith.index_cast %add3A_811 : i32 to index
        %get3A_829 = arith.constant 64 : index
        %get3A_830 = tpu.vector_load %arg12[%get3A_828, %get3A_829] {strides = array<i32>} : memref<320x128xf32, #tpu.memory_space<vmem>>, vector<16xf32>,
        %mul3A_831 = arith.mulf %get3A_278, %get3A_830 : vector<16xf32>
        %get3A_832 = arith.index_cast %add3A_811 : i32 to index
        %get3A_833 = arith.constant 80 : index
        %get3A_834 = tpu.vector_load %arg12[%get3A_832, %get3A_833] {strides = array<i32>} : memref<320x128xf32, #tpu.memory_space<vmem>>, vector<16xf32>,
        %mul3A_835 = arith.mulf %get3A_281, %get3A_834 : vector<16xf32>
        %get3A_836 = arith.index_cast %add3A_811 : i32 to index
        %get3A_837 = arith.constant 96 : index
        %get3A_838 = tpu.vector_load %arg12[%get3A_836, %get3A_837] {strides = array<i32>} : memref<320x128xf32, #tpu.memory_space<vmem>>, vector<16xf32>,
        %mul3A_839 = arith.mulf %get3A_284, %get3A_838 : vector<16xf32>
        %get3A_840 = arith.index_cast %add3A_811 : i32 to index
        %get3A_841 = arith.constant 112 : index
        %get3A_842 = tpu.vector_load %arg12[%get3A_840, %get3A_841] {strides = array<i32>} : memref<320x128xf32, #tpu.memory_space<vmem>>, vector<16xf32>,
        %mul3A_843 = arith.mulf %get3A_287, %get3A_842 : vector<16xf32>
        %add3A_844 = arith.addf %mul3A_815, %mul3A_819 : vector<16xf32>
        %add3A_845 = arith.addf %mul3A_823, %mul3A_827 : vector<16xf32>
        %add3A_846 = arith.addf %mul3A_831, %mul3A_835 : vector<16xf32>
        %add3A_847 = arith.addf %mul3A_839, %mul3A_843 : vector<16xf32>
        %add3A_848 = arith.addf %add3A_844, %add3A_845 : vector<16xf32>
        %add3A_849 = arith.addf %add3A_846, %add3A_847 : vector<16xf32>
        %add3A_850 = arith.addf %add3A_848, %add3A_849 : vector<16xf32>
        %reduce_sum3A_851 = arith.constant true
        %reduce_sum3A_852 = vector.broadcast %reduce_sum3A_851 : i1 to vector<16xi1>
        %reduce_sum3A_853 = tpu.scan <sum>, %add3A_850 masked %reduce_sum3A_852 : vector<16xf32>, vector<16xi1> -> vector<16xf32>
        %reduce_sum3A_854 = vector.extract %reduce_sum3A_853[15] : f32 from vector<16xf32>
        %broadcast_in_dim3A_855 = vector.broadcast %reduce_sum3A_854 : f32 to vector<16xf32>
        %eq3A_856 = arith.constant 10 : i32
        %eq3A_857 = vector.broadcast %eq3A_856 : i32 to vector<16xi32>
        %eq3A_858 = arith.cmpi eq, %iota3A, %eq3A_857 : vector<16xi32>
        %select_n3A_859 = arith.select %eq3A_858, %broadcast_in_dim3A_855, %select_n3A_807 : vector<16xi1>, vector<16xf32>
        %mul3A_860 = arith.constant 20 : i32
        %mul3A_861 = arith.muli %scan3A_263, %mul3A_860 : i32
        %add3A_862 = arith.constant 11 : i32
        %add3A_863 = arith.addi %mul3A_861, %add3A_862 : i32
        %get3A_864 = arith.index_cast %add3A_863 : i32 to index
        %get3A_865 = arith.constant 0 : index
        %get3A_866 = tpu.vector_load %arg12[%get3A_864, %get3A_865] {strides = array<i32>} : memref<320x128xf32, #tpu.memory_space<vmem>>, vector<16xf32>,
        %mul3A_867 = arith.mulf %get3A_266, %get3A_866 : vector<16xf32>
        %get3A_868 = arith.index_cast %add3A_863 : i32 to index
        %get3A_869 = arith.constant 16 : index
        %get3A_870 = tpu.vector_load %arg12[%get3A_868, %get3A_869] {strides = array<i32>} : memref<320x128xf32, #tpu.memory_space<vmem>>, vector<16xf32>,
        %mul3A_871 = arith.mulf %get3A_269, %get3A_870 : vector<16xf32>
        %get3A_872 = arith.index_cast %add3A_863 : i32 to index
        %get3A_873 = arith.constant 32 : index
        %get3A_874 = tpu.vector_load %arg12[%get3A_872, %get3A_873] {strides = array<i32>} : memref<320x128xf32, #tpu.memory_space<vmem>>, vector<16xf32>,
        %mul3A_875 = arith.mulf %get3A_272, %get3A_874 : vector<16xf32>
        %get3A_876 = arith.index_cast %add3A_863 : i32 to index
        %get3A_877 = arith.constant 48 : index
        %get3A_878 = tpu.vector_load %arg12[%get3A_876, %get3A_877] {strides = array<i32>} : memref<320x128xf32, #tpu.memory_space<vmem>>, vector<16xf32>,
        %mul3A_879 = arith.mulf %get3A_275, %get3A_878 : vector<16xf32>
        %get3A_880 = arith.index_cast %add3A_863 : i32 to index
        %get3A_881 = arith.constant 64 : index
        %get3A_882 = tpu.vector_load %arg12[%get3A_880, %get3A_881] {strides = array<i32>} : memref<320x128xf32, #tpu.memory_space<vmem>>, vector<16xf32>,
        %mul3A_883 = arith.mulf %get3A_278, %get3A_882 : vector<16xf32>
        %get3A_884 = arith.index_cast %add3A_863 : i32 to index
        %get3A_885 = arith.constant 80 : index
        %get3A_886 = tpu.vector_load %arg12[%get3A_884, %get3A_885] {strides = array<i32>} : memref<320x128xf32, #tpu.memory_space<vmem>>, vector<16xf32>,
        %mul3A_887 = arith.mulf %get3A_281, %get3A_886 : vector<16xf32>
        %get3A_888 = arith.index_cast %add3A_863 : i32 to index
        %get3A_889 = arith.constant 96 : index
        %get3A_890 = tpu.vector_load %arg12[%get3A_888, %get3A_889] {strides = array<i32>} : memref<320x128xf32, #tpu.memory_space<vmem>>, vector<16xf32>,
        %mul3A_891 = arith.mulf %get3A_284, %get3A_890 : vector<16xf32>
        %get3A_892 = arith.index_cast %add3A_863 : i32 to index
        %get3A_893 = arith.constant 112 : index
        %get3A_894 = tpu.vector_load %arg12[%get3A_892, %get3A_893] {strides = array<i32>} : memref<320x128xf32, #tpu.memory_space<vmem>>, vector<16xf32>,
        %mul3A_895 = arith.mulf %get3A_287, %get3A_894 : vector<16xf32>
        %add3A_896 = arith.addf %mul3A_867, %mul3A_871 : vector<16xf32>
        %add3A_897 = arith.addf %mul3A_875, %mul3A_879 : vector<16xf32>
        %add3A_898 = arith.addf %mul3A_883, %mul3A_887 : vector<16xf32>
        %add3A_899 = arith.addf %mul3A_891, %mul3A_895 : vector<16xf32>
        %add3A_900 = arith.addf %add3A_896, %add3A_897 : vector<16xf32>
        %add3A_901 = arith.addf %add3A_898, %add3A_899 : vector<16xf32>
        %add3A_902 = arith.addf %add3A_900, %add3A_901 : vector<16xf32>
        %reduce_sum3A_903 = arith.constant true
        %reduce_sum3A_904 = vector.broadcast %reduce_sum3A_903 : i1 to vector<16xi1>
        %reduce_sum3A_905 = tpu.scan <sum>, %add3A_902 masked %reduce_sum3A_904 : vector<16xf32>, vector<16xi1> -> vector<16xf32>
        %reduce_sum3A_906 = vector.extract %reduce_sum3A_905[15] : f32 from vector<16xf32>
        %broadcast_in_dim3A_907 = vector.broadcast %reduce_sum3A_906 : f32 to vector<16xf32>
        %eq3A_908 = arith.constant 11 : i32
        %eq3A_909 = vector.broadcast %eq3A_908 : i32 to vector<16xi32>
        %eq3A_910 = arith.cmpi eq, %iota3A, %eq3A_909 : vector<16xi32>
        %select_n3A_911 = arith.select %eq3A_910, %broadcast_in_dim3A_907, %select_n3A_859 : vector<16xi1>, vector<16xf32>
        %mul3A_912 = arith.constant 20 : i32
        %mul3A_913 = arith.muli %scan3A_263, %mul3A_912 : i32
        %add3A_914 = arith.constant 12 : i32
        %add3A_915 = arith.addi %mul3A_913, %add3A_914 : i32
        %get3A_916 = arith.index_cast %add3A_915 : i32 to index
        %get3A_917 = arith.constant 0 : index
        %get3A_918 = tpu.vector_load %arg12[%get3A_916, %get3A_917] {strides = array<i32>} : memref<320x128xf32, #tpu.memory_space<vmem>>, vector<16xf32>,
        %mul3A_919 = arith.mulf %get3A_266, %get3A_918 : vector<16xf32>
        %get3A_920 = arith.index_cast %add3A_915 : i32 to index
        %get3A_921 = arith.constant 16 : index
        %get3A_922 = tpu.vector_load %arg12[%get3A_920, %get3A_921] {strides = array<i32>} : memref<320x128xf32, #tpu.memory_space<vmem>>, vector<16xf32>,
        %mul3A_923 = arith.mulf %get3A_269, %get3A_922 : vector<16xf32>
        %get3A_924 = arith.index_cast %add3A_915 : i32 to index
        %get3A_925 = arith.constant 32 : index
        %get3A_926 = tpu.vector_load %arg12[%get3A_924, %get3A_925] {strides = array<i32>} : memref<320x128xf32, #tpu.memory_space<vmem>>, vector<16xf32>,
        %mul3A_927 = arith.mulf %get3A_272, %get3A_926 : vector<16xf32>
        %get3A_928 = arith.index_cast %add3A_915 : i32 to index
        %get3A_929 = arith.constant 48 : index
        %get3A_930 = tpu.vector_load %arg12[%get3A_928, %get3A_929] {strides = array<i32>} : memref<320x128xf32, #tpu.memory_space<vmem>>, vector<16xf32>,
        %mul3A_931 = arith.mulf %get3A_275, %get3A_930 : vector<16xf32>
        %get3A_932 = arith.index_cast %add3A_915 : i32 to index
        %get3A_933 = arith.constant 64 : index
        %get3A_934 = tpu.vector_load %arg12[%get3A_932, %get3A_933] {strides = array<i32>} : memref<320x128xf32, #tpu.memory_space<vmem>>, vector<16xf32>,
        %mul3A_935 = arith.mulf %get3A_278, %get3A_934 : vector<16xf32>
        %get3A_936 = arith.index_cast %add3A_915 : i32 to index
        %get3A_937 = arith.constant 80 : index
        %get3A_938 = tpu.vector_load %arg12[%get3A_936, %get3A_937] {strides = array<i32>} : memref<320x128xf32, #tpu.memory_space<vmem>>, vector<16xf32>,
        %mul3A_939 = arith.mulf %get3A_281, %get3A_938 : vector<16xf32>
        %get3A_940 = arith.index_cast %add3A_915 : i32 to index
        %get3A_941 = arith.constant 96 : index
        %get3A_942 = tpu.vector_load %arg12[%get3A_940, %get3A_941] {strides = array<i32>} : memref<320x128xf32, #tpu.memory_space<vmem>>, vector<16xf32>,
        %mul3A_943 = arith.mulf %get3A_284, %get3A_942 : vector<16xf32>
        %get3A_944 = arith.index_cast %add3A_915 : i32 to index
        %get3A_945 = arith.constant 112 : index
        %get3A_946 = tpu.vector_load %arg12[%get3A_944, %get3A_945] {strides = array<i32>} : memref<320x128xf32, #tpu.memory_space<vmem>>, vector<16xf32>,
        %mul3A_947 = arith.mulf %get3A_287, %get3A_946 : vector<16xf32>
        %add3A_948 = arith.addf %mul3A_919, %mul3A_923 : vector<16xf32>
        %add3A_949 = arith.addf %mul3A_927, %mul3A_931 : vector<16xf32>
        %add3A_950 = arith.addf %mul3A_935, %mul3A_939 : vector<16xf32>
        %add3A_951 = arith.addf %mul3A_943, %mul3A_947 : vector<16xf32>
        %add3A_952 = arith.addf %add3A_948, %add3A_949 : vector<16xf32>
        %add3A_953 = arith.addf %add3A_950, %add3A_951 : vector<16xf32>
        %add3A_954 = arith.addf %add3A_952, %add3A_953 : vector<16xf32>
        %reduce_sum3A_955 = arith.constant true
        %reduce_sum3A_956 = vector.broadcast %reduce_sum3A_955 : i1 to vector<16xi1>
        %reduce_sum3A_957 = tpu.scan <sum>, %add3A_954 masked %reduce_sum3A_956 : vector<16xf32>, vector<16xi1> -> vector<16xf32>
        %reduce_sum3A_958 = vector.extract %reduce_sum3A_957[15] : f32 from vector<16xf32>
        %broadcast_in_dim3A_959 = vector.broadcast %reduce_sum3A_958 : f32 to vector<16xf32>
        %eq3A_960 = arith.constant 12 : i32
        %eq3A_961 = vector.broadcast %eq3A_960 : i32 to vector<16xi32>
        %eq3A_962 = arith.cmpi eq, %iota3A, %eq3A_961 : vector<16xi32>
        %select_n3A_963 = arith.select %eq3A_962, %broadcast_in_dim3A_959, %select_n3A_911 : vector<16xi1>, vector<16xf32>
        %mul3A_964 = arith.constant 20 : i32
        %mul3A_965 = arith.muli %scan3A_263, %mul3A_964 : i32
        %add3A_966 = arith.constant 13 : i32
        %add3A_967 = arith.addi %mul3A_965, %add3A_966 : i32
        %get3A_968 = arith.index_cast %add3A_967 : i32 to index
        %get3A_969 = arith.constant 0 : index
        %get3A_970 = tpu.vector_load %arg12[%get3A_968, %get3A_969] {strides = array<i32>} : memref<320x128xf32, #tpu.memory_space<vmem>>, vector<16xf32>,
        %mul3A_971 = arith.mulf %get3A_266, %get3A_970 : vector<16xf32>
        %get3A_972 = arith.index_cast %add3A_967 : i32 to index
        %get3A_973 = arith.constant 16 : index
        %get3A_974 = tpu.vector_load %arg12[%get3A_972, %get3A_973] {strides = array<i32>} : memref<320x128xf32, #tpu.memory_space<vmem>>, vector<16xf32>,
        %mul3A_975 = arith.mulf %get3A_269, %get3A_974 : vector<16xf32>
        %get3A_976 = arith.index_cast %add3A_967 : i32 to index
        %get3A_977 = arith.constant 32 : index
        %get3A_978 = tpu.vector_load %arg12[%get3A_976, %get3A_977] {strides = array<i32>} : memref<320x128xf32, #tpu.memory_space<vmem>>, vector<16xf32>,
        %mul3A_979 = arith.mulf %get3A_272, %get3A_978 : vector<16xf32>
        %get3A_980 = arith.index_cast %add3A_967 : i32 to index
        %get3A_981 = arith.constant 48 : index
        %get3A_982 = tpu.vector_load %arg12[%get3A_980, %get3A_981] {strides = array<i32>} : memref<320x128xf32, #tpu.memory_space<vmem>>, vector<16xf32>,
        %mul3A_983 = arith.mulf %get3A_275, %get3A_982 : vector<16xf32>
        %get3A_984 = arith.index_cast %add3A_967 : i32 to index
        %get3A_985 = arith.constant 64 : index
        %get3A_986 = tpu.vector_load %arg12[%get3A_984, %get3A_985] {strides = array<i32>} : memref<320x128xf32, #tpu.memory_space<vmem>>, vector<16xf32>,
        %mul3A_987 = arith.mulf %get3A_278, %get3A_986 : vector<16xf32>
        %get3A_988 = arith.index_cast %add3A_967 : i32 to index
        %get3A_989 = arith.constant 80 : index
        %get3A_990 = tpu.vector_load %arg12[%get3A_988, %get3A_989] {strides = array<i32>} : memref<320x128xf32, #tpu.memory_space<vmem>>, vector<16xf32>,
        %mul3A_991 = arith.mulf %get3A_281, %get3A_990 : vector<16xf32>
        %get3A_992 = arith.index_cast %add3A_967 : i32 to index
        %get3A_993 = arith.constant 96 : index
        %get3A_994 = tpu.vector_load %arg12[%get3A_992, %get3A_993] {strides = array<i32>} : memref<320x128xf32, #tpu.memory_space<vmem>>, vector<16xf32>,
        %mul3A_995 = arith.mulf %get3A_284, %get3A_994 : vector<16xf32>
        %get3A_996 = arith.index_cast %add3A_967 : i32 to index
        %get3A_997 = arith.constant 112 : index
        %get3A_998 = tpu.vector_load %arg12[%get3A_996, %get3A_997] {strides = array<i32>} : memref<320x128xf32, #tpu.memory_space<vmem>>, vector<16xf32>,
        %mul3A_999 = arith.mulf %get3A_287, %get3A_998 : vector<16xf32>
        %add3A_1000 = arith.addf %mul3A_971, %mul3A_975 : vector<16xf32>
        %add3A_1001 = arith.addf %mul3A_979, %mul3A_983 : vector<16xf32>
        %add3A_1002 = arith.addf %mul3A_987, %mul3A_991 : vector<16xf32>
        %add3A_1003 = arith.addf %mul3A_995, %mul3A_999 : vector<16xf32>
        %add3A_1004 = arith.addf %add3A_1000, %add3A_1001 : vector<16xf32>
        %add3A_1005 = arith.addf %add3A_1002, %add3A_1003 : vector<16xf32>
        %add3A_1006 = arith.addf %add3A_1004, %add3A_1005 : vector<16xf32>
        %reduce_sum3A_1007 = arith.constant true
        %reduce_sum3A_1008 = vector.broadcast %reduce_sum3A_1007 : i1 to vector<16xi1>
        %reduce_sum3A_1009 = tpu.scan <sum>, %add3A_1006 masked %reduce_sum3A_1008 : vector<16xf32>, vector<16xi1> -> vector<16xf32>
        %reduce_sum3A_1010 = vector.extract %reduce_sum3A_1009[15] : f32 from vector<16xf32>
        %broadcast_in_dim3A_1011 = vector.broadcast %reduce_sum3A_1010 : f32 to vector<16xf32>
        %eq3A_1012 = arith.constant 13 : i32
        %eq3A_1013 = vector.broadcast %eq3A_1012 : i32 to vector<16xi32>
        %eq3A_1014 = arith.cmpi eq, %iota3A, %eq3A_1013 : vector<16xi32>
        %select_n3A_1015 = arith.select %eq3A_1014, %broadcast_in_dim3A_1011, %select_n3A_963 : vector<16xi1>, vector<16xf32>
        %mul3A_1016 = arith.constant 20 : i32
        %mul3A_1017 = arith.muli %scan3A_263, %mul3A_1016 : i32
        %add3A_1018 = arith.constant 14 : i32
        %add3A_1019 = arith.addi %mul3A_1017, %add3A_1018 : i32
        %get3A_1020 = arith.index_cast %add3A_1019 : i32 to index
        %get3A_1021 = arith.constant 0 : index
        %get3A_1022 = tpu.vector_load %arg12[%get3A_1020, %get3A_1021] {strides = array<i32>} : memref<320x128xf32, #tpu.memory_space<vmem>>, vector<16xf32>,
        %mul3A_1023 = arith.mulf %get3A_266, %get3A_1022 : vector<16xf32>
        %get3A_1024 = arith.index_cast %add3A_1019 : i32 to index
        %get3A_1025 = arith.constant 16 : index
        %get3A_1026 = tpu.vector_load %arg12[%get3A_1024, %get3A_1025] {strides = array<i32>} : memref<320x128xf32, #tpu.memory_space<vmem>>, vector<16xf32>,
        %mul3A_1027 = arith.mulf %get3A_269, %get3A_1026 : vector<16xf32>
        %get3A_1028 = arith.index_cast %add3A_1019 : i32 to index
        %get3A_1029 = arith.constant 32 : index
        %get3A_1030 = tpu.vector_load %arg12[%get3A_1028, %get3A_1029] {strides = array<i32>} : memref<320x128xf32, #tpu.memory_space<vmem>>, vector<16xf32>,
        %mul3A_1031 = arith.mulf %get3A_272, %get3A_1030 : vector<16xf32>
        %get3A_1032 = arith.index_cast %add3A_1019 : i32 to index
        %get3A_1033 = arith.constant 48 : index
        %get3A_1034 = tpu.vector_load %arg12[%get3A_1032, %get3A_1033] {strides = array<i32>} : memref<320x128xf32, #tpu.memory_space<vmem>>, vector<16xf32>,
        %mul3A_1035 = arith.mulf %get3A_275, %get3A_1034 : vector<16xf32>
        %get3A_1036 = arith.index_cast %add3A_1019 : i32 to index
        %get3A_1037 = arith.constant 64 : index
        %get3A_1038 = tpu.vector_load %arg12[%get3A_1036, %get3A_1037] {strides = array<i32>} : memref<320x128xf32, #tpu.memory_space<vmem>>, vector<16xf32>,
        %mul3A_1039 = arith.mulf %get3A_278, %get3A_1038 : vector<16xf32>
        %get3A_1040 = arith.index_cast %add3A_1019 : i32 to index
        %get3A_1041 = arith.constant 80 : index
        %get3A_1042 = tpu.vector_load %arg12[%get3A_1040, %get3A_1041] {strides = array<i32>} : memref<320x128xf32, #tpu.memory_space<vmem>>, vector<16xf32>,
        %mul3A_1043 = arith.mulf %get3A_281, %get3A_1042 : vector<16xf32>
        %get3A_1044 = arith.index_cast %add3A_1019 : i32 to index
        %get3A_1045 = arith.constant 96 : index
        %get3A_1046 = tpu.vector_load %arg12[%get3A_1044, %get3A_1045] {strides = array<i32>} : memref<320x128xf32, #tpu.memory_space<vmem>>, vector<16xf32>,
        %mul3A_1047 = arith.mulf %get3A_284, %get3A_1046 : vector<16xf32>
        %get3A_1048 = arith.index_cast %add3A_1019 : i32 to index
        %get3A_1049 = arith.constant 112 : index
        %get3A_1050 = tpu.vector_load %arg12[%get3A_1048, %get3A_1049] {strides = array<i32>} : memref<320x128xf32, #tpu.memory_space<vmem>>, vector<16xf32>,
        %mul3A_1051 = arith.mulf %get3A_287, %get3A_1050 : vector<16xf32>
        %add3A_1052 = arith.addf %mul3A_1023, %mul3A_1027 : vector<16xf32>
        %add3A_1053 = arith.addf %mul3A_1031, %mul3A_1035 : vector<16xf32>
        %add3A_1054 = arith.addf %mul3A_1039, %mul3A_1043 : vector<16xf32>
        %add3A_1055 = arith.addf %mul3A_1047, %mul3A_1051 : vector<16xf32>
        %add3A_1056 = arith.addf %add3A_1052, %add3A_1053 : vector<16xf32>
        %add3A_1057 = arith.addf %add3A_1054, %add3A_1055 : vector<16xf32>
        %add3A_1058 = arith.addf %add3A_1056, %add3A_1057 : vector<16xf32>
        %reduce_sum3A_1059 = arith.constant true
        %reduce_sum3A_1060 = vector.broadcast %reduce_sum3A_1059 : i1 to vector<16xi1>
        %reduce_sum3A_1061 = tpu.scan <sum>, %add3A_1058 masked %reduce_sum3A_1060 : vector<16xf32>, vector<16xi1> -> vector<16xf32>
        %reduce_sum3A_1062 = vector.extract %reduce_sum3A_1061[15] : f32 from vector<16xf32>
        %broadcast_in_dim3A_1063 = vector.broadcast %reduce_sum3A_1062 : f32 to vector<16xf32>
        %eq3A_1064 = arith.constant 14 : i32
        %eq3A_1065 = vector.broadcast %eq3A_1064 : i32 to vector<16xi32>
        %eq3A_1066 = arith.cmpi eq, %iota3A, %eq3A_1065 : vector<16xi32>
        %select_n3A_1067 = arith.select %eq3A_1066, %broadcast_in_dim3A_1063, %select_n3A_1015 : vector<16xi1>, vector<16xf32>
        %mul3A_1068 = arith.constant 20 : i32
        %mul3A_1069 = arith.muli %scan3A_263, %mul3A_1068 : i32
        %add3A_1070 = arith.constant 15 : i32
        %add3A_1071 = arith.addi %mul3A_1069, %add3A_1070 : i32
        %get3A_1072 = arith.index_cast %add3A_1071 : i32 to index
        %get3A_1073 = arith.constant 0 : index
        %get3A_1074 = tpu.vector_load %arg12[%get3A_1072, %get3A_1073] {strides = array<i32>} : memref<320x128xf32, #tpu.memory_space<vmem>>, vector<16xf32>,
        %mul3A_1075 = arith.mulf %get3A_266, %get3A_1074 : vector<16xf32>
        %get3A_1076 = arith.index_cast %add3A_1071 : i32 to index
        %get3A_1077 = arith.constant 16 : index
        %get3A_1078 = tpu.vector_load %arg12[%get3A_1076, %get3A_1077] {strides = array<i32>} : memref<320x128xf32, #tpu.memory_space<vmem>>, vector<16xf32>,
        %mul3A_1079 = arith.mulf %get3A_269, %get3A_1078 : vector<16xf32>
        %get3A_1080 = arith.index_cast %add3A_1071 : i32 to index
        %get3A_1081 = arith.constant 32 : index
        %get3A_1082 = tpu.vector_load %arg12[%get3A_1080, %get3A_1081] {strides = array<i32>} : memref<320x128xf32, #tpu.memory_space<vmem>>, vector<16xf32>,
        %mul3A_1083 = arith.mulf %get3A_272, %get3A_1082 : vector<16xf32>
        %get3A_1084 = arith.index_cast %add3A_1071 : i32 to index
        %get3A_1085 = arith.constant 48 : index
        %get3A_1086 = tpu.vector_load %arg12[%get3A_1084, %get3A_1085] {strides = array<i32>} : memref<320x128xf32, #tpu.memory_space<vmem>>, vector<16xf32>,
        %mul3A_1087 = arith.mulf %get3A_275, %get3A_1086 : vector<16xf32>
        %get3A_1088 = arith.index_cast %add3A_1071 : i32 to index
        %get3A_1089 = arith.constant 64 : index
        %get3A_1090 = tpu.vector_load %arg12[%get3A_1088, %get3A_1089] {strides = array<i32>} : memref<320x128xf32, #tpu.memory_space<vmem>>, vector<16xf32>,
        %mul3A_1091 = arith.mulf %get3A_278, %get3A_1090 : vector<16xf32>
        %get3A_1092 = arith.index_cast %add3A_1071 : i32 to index
        %get3A_1093 = arith.constant 80 : index
        %get3A_1094 = tpu.vector_load %arg12[%get3A_1092, %get3A_1093] {strides = array<i32>} : memref<320x128xf32, #tpu.memory_space<vmem>>, vector<16xf32>,
        %mul3A_1095 = arith.mulf %get3A_281, %get3A_1094 : vector<16xf32>
        %get3A_1096 = arith.index_cast %add3A_1071 : i32 to index
        %get3A_1097 = arith.constant 96 : index
        %get3A_1098 = tpu.vector_load %arg12[%get3A_1096, %get3A_1097] {strides = array<i32>} : memref<320x128xf32, #tpu.memory_space<vmem>>, vector<16xf32>,
        %mul3A_1099 = arith.mulf %get3A_284, %get3A_1098 : vector<16xf32>
        %get3A_1100 = arith.index_cast %add3A_1071 : i32 to index
        %get3A_1101 = arith.constant 112 : index
        %get3A_1102 = tpu.vector_load %arg12[%get3A_1100, %get3A_1101] {strides = array<i32>} : memref<320x128xf32, #tpu.memory_space<vmem>>, vector<16xf32>,
        %mul3A_1103 = arith.mulf %get3A_287, %get3A_1102 : vector<16xf32>
        %add3A_1104 = arith.addf %mul3A_1075, %mul3A_1079 : vector<16xf32>
        %add3A_1105 = arith.addf %mul3A_1083, %mul3A_1087 : vector<16xf32>
        %add3A_1106 = arith.addf %mul3A_1091, %mul3A_1095 : vector<16xf32>
        %add3A_1107 = arith.addf %mul3A_1099, %mul3A_1103 : vector<16xf32>
        %add3A_1108 = arith.addf %add3A_1104, %add3A_1105 : vector<16xf32>
        %add3A_1109 = arith.addf %add3A_1106, %add3A_1107 : vector<16xf32>
        %add3A_1110 = arith.addf %add3A_1108, %add3A_1109 : vector<16xf32>
        %reduce_sum3A_1111 = arith.constant true
        %reduce_sum3A_1112 = vector.broadcast %reduce_sum3A_1111 : i1 to vector<16xi1>
        %reduce_sum3A_1113 = tpu.scan <sum>, %add3A_1110 masked %reduce_sum3A_1112 : vector<16xf32>, vector<16xi1> -> vector<16xf32>
        %reduce_sum3A_1114 = vector.extract %reduce_sum3A_1113[15] : f32 from vector<16xf32>
        %broadcast_in_dim3A_1115 = vector.broadcast %reduce_sum3A_1114 : f32 to vector<16xf32>
        %eq3A_1116 = arith.constant 15 : i32
        %eq3A_1117 = vector.broadcast %eq3A_1116 : i32 to vector<16xi32>
        %eq3A_1118 = arith.cmpi eq, %iota3A, %eq3A_1117 : vector<16xi32>
        %select_n3A_1119 = arith.select %eq3A_1118, %broadcast_in_dim3A_1115, %select_n3A_1067 : vector<16xi1>, vector<16xf32>
        %mul3A_1120 = arith.constant 20 : i32
        %mul3A_1121 = arith.muli %scan3A_263, %mul3A_1120 : i32
        %add3A_1122 = arith.constant 16 : i32
        %add3A_1123 = arith.addi %mul3A_1121, %add3A_1122 : i32
        %get3A_1124 = arith.index_cast %add3A_1123 : i32 to index
        %get3A_1125 = arith.constant 0 : index
        %get3A_1126 = tpu.vector_load %arg12[%get3A_1124, %get3A_1125] {strides = array<i32>} : memref<320x128xf32, #tpu.memory_space<vmem>>, vector<16xf32>,
        %mul3A_1127 = arith.mulf %get3A_266, %get3A_1126 : vector<16xf32>
        %get3A_1128 = arith.index_cast %add3A_1123 : i32 to index
        %get3A_1129 = arith.constant 16 : index
        %get3A_1130 = tpu.vector_load %arg12[%get3A_1128, %get3A_1129] {strides = array<i32>} : memref<320x128xf32, #tpu.memory_space<vmem>>, vector<16xf32>,
        %mul3A_1131 = arith.mulf %get3A_269, %get3A_1130 : vector<16xf32>
        %get3A_1132 = arith.index_cast %add3A_1123 : i32 to index
        %get3A_1133 = arith.constant 32 : index
        %get3A_1134 = tpu.vector_load %arg12[%get3A_1132, %get3A_1133] {strides = array<i32>} : memref<320x128xf32, #tpu.memory_space<vmem>>, vector<16xf32>,
        %mul3A_1135 = arith.mulf %get3A_272, %get3A_1134 : vector<16xf32>
        %get3A_1136 = arith.index_cast %add3A_1123 : i32 to index
        %get3A_1137 = arith.constant 48 : index
        %get3A_1138 = tpu.vector_load %arg12[%get3A_1136, %get3A_1137] {strides = array<i32>} : memref<320x128xf32, #tpu.memory_space<vmem>>, vector<16xf32>,
        %mul3A_1139 = arith.mulf %get3A_275, %get3A_1138 : vector<16xf32>
        %get3A_1140 = arith.index_cast %add3A_1123 : i32 to index
        %get3A_1141 = arith.constant 64 : index
        %get3A_1142 = tpu.vector_load %arg12[%get3A_1140, %get3A_1141] {strides = array<i32>} : memref<320x128xf32, #tpu.memory_space<vmem>>, vector<16xf32>,
        %mul3A_1143 = arith.mulf %get3A_278, %get3A_1142 : vector<16xf32>
        %get3A_1144 = arith.index_cast %add3A_1123 : i32 to index
        %get3A_1145 = arith.constant 80 : index
        %get3A_1146 = tpu.vector_load %arg12[%get3A_1144, %get3A_1145] {strides = array<i32>} : memref<320x128xf32, #tpu.memory_space<vmem>>, vector<16xf32>,
        %mul3A_1147 = arith.mulf %get3A_281, %get3A_1146 : vector<16xf32>
        %get3A_1148 = arith.index_cast %add3A_1123 : i32 to index
        %get3A_1149 = arith.constant 96 : index
        %get3A_1150 = tpu.vector_load %arg12[%get3A_1148, %get3A_1149] {strides = array<i32>} : memref<320x128xf32, #tpu.memory_space<vmem>>, vector<16xf32>,
        %mul3A_1151 = arith.mulf %get3A_284, %get3A_1150 : vector<16xf32>
        %get3A_1152 = arith.index_cast %add3A_1123 : i32 to index
        %get3A_1153 = arith.constant 112 : index
        %get3A_1154 = tpu.vector_load %arg12[%get3A_1152, %get3A_1153] {strides = array<i32>} : memref<320x128xf32, #tpu.memory_space<vmem>>, vector<16xf32>,
        %mul3A_1155 = arith.mulf %get3A_287, %get3A_1154 : vector<16xf32>
        %add3A_1156 = arith.addf %mul3A_1127, %mul3A_1131 : vector<16xf32>
        %add3A_1157 = arith.addf %mul3A_1135, %mul3A_1139 : vector<16xf32>
        %add3A_1158 = arith.addf %mul3A_1143, %mul3A_1147 : vector<16xf32>
        %add3A_1159 = arith.addf %mul3A_1151, %mul3A_1155 : vector<16xf32>
        %add3A_1160 = arith.addf %add3A_1156, %add3A_1157 : vector<16xf32>
        %add3A_1161 = arith.addf %add3A_1158, %add3A_1159 : vector<16xf32>
        %add3A_1162 = arith.addf %add3A_1160, %add3A_1161 : vector<16xf32>
        %reduce_sum3A_1163 = arith.constant true
        %reduce_sum3A_1164 = vector.broadcast %reduce_sum3A_1163 : i1 to vector<16xi1>
        %reduce_sum3A_1165 = tpu.scan <sum>, %add3A_1162 masked %reduce_sum3A_1164 : vector<16xf32>, vector<16xi1> -> vector<16xf32>
        %reduce_sum3A_1166 = vector.extract %reduce_sum3A_1165[15] : f32 from vector<16xf32>
        %broadcast_in_dim3A_1167 = vector.broadcast %reduce_sum3A_1166 : f32 to vector<16xf32>
        %eq3A_1168 = arith.constant 0 : i32
        %eq3A_1169 = vector.broadcast %eq3A_1168 : i32 to vector<16xi32>
        %eq3A_1170 = arith.cmpi eq, %iota3A, %eq3A_1169 : vector<16xi32>
        %select_n3A_1171 = arith.select %eq3A_1170, %broadcast_in_dim3A_1167, %broadcast_in_dim3A_290 : vector<16xi1>, vector<16xf32>
        %mul3A_1172 = arith.constant 20 : i32
        %mul3A_1173 = arith.muli %scan3A_263, %mul3A_1172 : i32
        %add3A_1174 = arith.constant 17 : i32
        %add3A_1175 = arith.addi %mul3A_1173, %add3A_1174 : i32
        %get3A_1176 = arith.index_cast %add3A_1175 : i32 to index
        %get3A_1177 = arith.constant 0 : index
        %get3A_1178 = tpu.vector_load %arg12[%get3A_1176, %get3A_1177] {strides = array<i32>} : memref<320x128xf32, #tpu.memory_space<vmem>>, vector<16xf32>,
        %mul3A_1179 = arith.mulf %get3A_266, %get3A_1178 : vector<16xf32>
        %get3A_1180 = arith.index_cast %add3A_1175 : i32 to index
        %get3A_1181 = arith.constant 16 : index
        %get3A_1182 = tpu.vector_load %arg12[%get3A_1180, %get3A_1181] {strides = array<i32>} : memref<320x128xf32, #tpu.memory_space<vmem>>, vector<16xf32>,
        %mul3A_1183 = arith.mulf %get3A_269, %get3A_1182 : vector<16xf32>
        %get3A_1184 = arith.index_cast %add3A_1175 : i32 to index
        %get3A_1185 = arith.constant 32 : index
        %get3A_1186 = tpu.vector_load %arg12[%get3A_1184, %get3A_1185] {strides = array<i32>} : memref<320x128xf32, #tpu.memory_space<vmem>>, vector<16xf32>,
        %mul3A_1187 = arith.mulf %get3A_272, %get3A_1186 : vector<16xf32>
        %get3A_1188 = arith.index_cast %add3A_1175 : i32 to index
        %get3A_1189 = arith.constant 48 : index
        %get3A_1190 = tpu.vector_load %arg12[%get3A_1188, %get3A_1189] {strides = array<i32>} : memref<320x128xf32, #tpu.memory_space<vmem>>, vector<16xf32>,
        %mul3A_1191 = arith.mulf %get3A_275, %get3A_1190 : vector<16xf32>
        %get3A_1192 = arith.index_cast %add3A_1175 : i32 to index
        %get3A_1193 = arith.constant 64 : index
        %get3A_1194 = tpu.vector_load %arg12[%get3A_1192, %get3A_1193] {strides = array<i32>} : memref<320x128xf32, #tpu.memory_space<vmem>>, vector<16xf32>,
        %mul3A_1195 = arith.mulf %get3A_278, %get3A_1194 : vector<16xf32>
        %get3A_1196 = arith.index_cast %add3A_1175 : i32 to index
        %get3A_1197 = arith.constant 80 : index
        %get3A_1198 = tpu.vector_load %arg12[%get3A_1196, %get3A_1197] {strides = array<i32>} : memref<320x128xf32, #tpu.memory_space<vmem>>, vector<16xf32>,
        %mul3A_1199 = arith.mulf %get3A_281, %get3A_1198 : vector<16xf32>
        %get3A_1200 = arith.index_cast %add3A_1175 : i32 to index
        %get3A_1201 = arith.constant 96 : index
        %get3A_1202 = tpu.vector_load %arg12[%get3A_1200, %get3A_1201] {strides = array<i32>} : memref<320x128xf32, #tpu.memory_space<vmem>>, vector<16xf32>,
        %mul3A_1203 = arith.mulf %get3A_284, %get3A_1202 : vector<16xf32>
        %get3A_1204 = arith.index_cast %add3A_1175 : i32 to index
        %get3A_1205 = arith.constant 112 : index
        %get3A_1206 = tpu.vector_load %arg12[%get3A_1204, %get3A_1205] {strides = array<i32>} : memref<320x128xf32, #tpu.memory_space<vmem>>, vector<16xf32>,
        %mul3A_1207 = arith.mulf %get3A_287, %get3A_1206 : vector<16xf32>
        %add3A_1208 = arith.addf %mul3A_1179, %mul3A_1183 : vector<16xf32>
        %add3A_1209 = arith.addf %mul3A_1187, %mul3A_1191 : vector<16xf32>
        %add3A_1210 = arith.addf %mul3A_1195, %mul3A_1199 : vector<16xf32>
        %add3A_1211 = arith.addf %mul3A_1203, %mul3A_1207 : vector<16xf32>
        %add3A_1212 = arith.addf %add3A_1208, %add3A_1209 : vector<16xf32>
        %add3A_1213 = arith.addf %add3A_1210, %add3A_1211 : vector<16xf32>
        %add3A_1214 = arith.addf %add3A_1212, %add3A_1213 : vector<16xf32>
        %reduce_sum3A_1215 = arith.constant true
        %reduce_sum3A_1216 = vector.broadcast %reduce_sum3A_1215 : i1 to vector<16xi1>
        %reduce_sum3A_1217 = tpu.scan <sum>, %add3A_1214 masked %reduce_sum3A_1216 : vector<16xf32>, vector<16xi1> -> vector<16xf32>
        %reduce_sum3A_1218 = vector.extract %reduce_sum3A_1217[15] : f32 from vector<16xf32>
        %broadcast_in_dim3A_1219 = vector.broadcast %reduce_sum3A_1218 : f32 to vector<16xf32>
        %eq3A_1220 = arith.constant 1 : i32
        %eq3A_1221 = vector.broadcast %eq3A_1220 : i32 to vector<16xi32>
        %eq3A_1222 = arith.cmpi eq, %iota3A, %eq3A_1221 : vector<16xi32>
        %select_n3A_1223 = arith.select %eq3A_1222, %broadcast_in_dim3A_1219, %select_n3A_1171 : vector<16xi1>, vector<16xf32>
        %mul3A_1224 = arith.constant 20 : i32
        %mul3A_1225 = arith.muli %scan3A_263, %mul3A_1224 : i32
        %add3A_1226 = arith.constant 18 : i32
        %add3A_1227 = arith.addi %mul3A_1225, %add3A_1226 : i32
        %get3A_1228 = arith.index_cast %add3A_1227 : i32 to index
        %get3A_1229 = arith.constant 0 : index
        %get3A_1230 = tpu.vector_load %arg12[%get3A_1228, %get3A_1229] {strides = array<i32>} : memref<320x128xf32, #tpu.memory_space<vmem>>, vector<16xf32>,
        %mul3A_1231 = arith.mulf %get3A_266, %get3A_1230 : vector<16xf32>
        %get3A_1232 = arith.index_cast %add3A_1227 : i32 to index
        %get3A_1233 = arith.constant 16 : index
        %get3A_1234 = tpu.vector_load %arg12[%get3A_1232, %get3A_1233] {strides = array<i32>} : memref<320x128xf32, #tpu.memory_space<vmem>>, vector<16xf32>,
        %mul3A_1235 = arith.mulf %get3A_269, %get3A_1234 : vector<16xf32>
        %get3A_1236 = arith.index_cast %add3A_1227 : i32 to index
        %get3A_1237 = arith.constant 32 : index
        %get3A_1238 = tpu.vector_load %arg12[%get3A_1236, %get3A_1237] {strides = array<i32>} : memref<320x128xf32, #tpu.memory_space<vmem>>, vector<16xf32>,
        %mul3A_1239 = arith.mulf %get3A_272, %get3A_1238 : vector<16xf32>
        %get3A_1240 = arith.index_cast %add3A_1227 : i32 to index
        %get3A_1241 = arith.constant 48 : index
        %get3A_1242 = tpu.vector_load %arg12[%get3A_1240, %get3A_1241] {strides = array<i32>} : memref<320x128xf32, #tpu.memory_space<vmem>>, vector<16xf32>,
        %mul3A_1243 = arith.mulf %get3A_275, %get3A_1242 : vector<16xf32>
        %get3A_1244 = arith.index_cast %add3A_1227 : i32 to index
        %get3A_1245 = arith.constant 64 : index
        %get3A_1246 = tpu.vector_load %arg12[%get3A_1244, %get3A_1245] {strides = array<i32>} : memref<320x128xf32, #tpu.memory_space<vmem>>, vector<16xf32>,
        %mul3A_1247 = arith.mulf %get3A_278, %get3A_1246 : vector<16xf32>
        %get3A_1248 = arith.index_cast %add3A_1227 : i32 to index
        %get3A_1249 = arith.constant 80 : index
        %get3A_1250 = tpu.vector_load %arg12[%get3A_1248, %get3A_1249] {strides = array<i32>} : memref<320x128xf32, #tpu.memory_space<vmem>>, vector<16xf32>,
        %mul3A_1251 = arith.mulf %get3A_281, %get3A_1250 : vector<16xf32>
        %get3A_1252 = arith.index_cast %add3A_1227 : i32 to index
        %get3A_1253 = arith.constant 96 : index
        %get3A_1254 = tpu.vector_load %arg12[%get3A_1252, %get3A_1253] {strides = array<i32>} : memref<320x128xf32, #tpu.memory_space<vmem>>, vector<16xf32>,
        %mul3A_1255 = arith.mulf %get3A_284, %get3A_1254 : vector<16xf32>
        %get3A_1256 = arith.index_cast %add3A_1227 : i32 to index
        %get3A_1257 = arith.constant 112 : index
        %get3A_1258 = tpu.vector_load %arg12[%get3A_1256, %get3A_1257] {strides = array<i32>} : memref<320x128xf32, #tpu.memory_space<vmem>>, vector<16xf32>,
        %mul3A_1259 = arith.mulf %get3A_287, %get3A_1258 : vector<16xf32>
        %add3A_1260 = arith.addf %mul3A_1231, %mul3A_1235 : vector<16xf32>
        %add3A_1261 = arith.addf %mul3A_1239, %mul3A_1243 : vector<16xf32>
        %add3A_1262 = arith.addf %mul3A_1247, %mul3A_1251 : vector<16xf32>
        %add3A_1263 = arith.addf %mul3A_1255, %mul3A_1259 : vector<16xf32>
        %add3A_1264 = arith.addf %add3A_1260, %add3A_1261 : vector<16xf32>
        %add3A_1265 = arith.addf %add3A_1262, %add3A_1263 : vector<16xf32>
        %add3A_1266 = arith.addf %add3A_1264, %add3A_1265 : vector<16xf32>
        %reduce_sum3A_1267 = arith.constant true
        %reduce_sum3A_1268 = vector.broadcast %reduce_sum3A_1267 : i1 to vector<16xi1>
        %reduce_sum3A_1269 = tpu.scan <sum>, %add3A_1266 masked %reduce_sum3A_1268 : vector<16xf32>, vector<16xi1> -> vector<16xf32>
        %reduce_sum3A_1270 = vector.extract %reduce_sum3A_1269[15] : f32 from vector<16xf32>
        %broadcast_in_dim3A_1271 = vector.broadcast %reduce_sum3A_1270 : f32 to vector<16xf32>
        %eq3A_1272 = arith.constant 2 : i32
        %eq3A_1273 = vector.broadcast %eq3A_1272 : i32 to vector<16xi32>
        %eq3A_1274 = arith.cmpi eq, %iota3A, %eq3A_1273 : vector<16xi32>
        %select_n3A_1275 = arith.select %eq3A_1274, %broadcast_in_dim3A_1271, %select_n3A_1223 : vector<16xi1>, vector<16xf32>
        %mul3A_1276 = arith.constant 20 : i32
        %mul3A_1277 = arith.muli %scan3A_263, %mul3A_1276 : i32
        %add3A_1278 = arith.constant 19 : i32
        %add3A_1279 = arith.addi %mul3A_1277, %add3A_1278 : i32
        %get3A_1280 = arith.index_cast %add3A_1279 : i32 to index
        %get3A_1281 = arith.constant 0 : index
        %get3A_1282 = tpu.vector_load %arg12[%get3A_1280, %get3A_1281] {strides = array<i32>} : memref<320x128xf32, #tpu.memory_space<vmem>>, vector<16xf32>,
        %mul3A_1283 = arith.mulf %get3A_266, %get3A_1282 : vector<16xf32>
        %get3A_1284 = arith.index_cast %add3A_1279 : i32 to index
        %get3A_1285 = arith.constant 16 : index
        %get3A_1286 = tpu.vector_load %arg12[%get3A_1284, %get3A_1285] {strides = array<i32>} : memref<320x128xf32, #tpu.memory_space<vmem>>, vector<16xf32>,
        %mul3A_1287 = arith.mulf %get3A_269, %get3A_1286 : vector<16xf32>
        %get3A_1288 = arith.index_cast %add3A_1279 : i32 to index
        %get3A_1289 = arith.constant 32 : index
        %get3A_1290 = tpu.vector_load %arg12[%get3A_1288, %get3A_1289] {strides = array<i32>} : memref<320x128xf32, #tpu.memory_space<vmem>>, vector<16xf32>,
        %mul3A_1291 = arith.mulf %get3A_272, %get3A_1290 : vector<16xf32>
        %get3A_1292 = arith.index_cast %add3A_1279 : i32 to index
        %get3A_1293 = arith.constant 48 : index
        %get3A_1294 = tpu.vector_load %arg12[%get3A_1292, %get3A_1293] {strides = array<i32>} : memref<320x128xf32, #tpu.memory_space<vmem>>, vector<16xf32>,
        %mul3A_1295 = arith.mulf %get3A_275, %get3A_1294 : vector<16xf32>
        %get3A_1296 = arith.index_cast %add3A_1279 : i32 to index
        %get3A_1297 = arith.constant 64 : index
        %get3A_1298 = tpu.vector_load %arg12[%get3A_1296, %get3A_1297] {strides = array<i32>} : memref<320x128xf32, #tpu.memory_space<vmem>>, vector<16xf32>,
        %mul3A_1299 = arith.mulf %get3A_278, %get3A_1298 : vector<16xf32>
        %get3A_1300 = arith.index_cast %add3A_1279 : i32 to index
        %get3A_1301 = arith.constant 80 : index
        %get3A_1302 = tpu.vector_load %arg12[%get3A_1300, %get3A_1301] {strides = array<i32>} : memref<320x128xf32, #tpu.memory_space<vmem>>, vector<16xf32>,
        %mul3A_1303 = arith.mulf %get3A_281, %get3A_1302 : vector<16xf32>
        %get3A_1304 = arith.index_cast %add3A_1279 : i32 to index
        %get3A_1305 = arith.constant 96 : index
        %get3A_1306 = tpu.vector_load %arg12[%get3A_1304, %get3A_1305] {strides = array<i32>} : memref<320x128xf32, #tpu.memory_space<vmem>>, vector<16xf32>,
        %mul3A_1307 = arith.mulf %get3A_284, %get3A_1306 : vector<16xf32>
        %get3A_1308 = arith.index_cast %add3A_1279 : i32 to index
        %get3A_1309 = arith.constant 112 : index
        %get3A_1310 = tpu.vector_load %arg12[%get3A_1308, %get3A_1309] {strides = array<i32>} : memref<320x128xf32, #tpu.memory_space<vmem>>, vector<16xf32>,
        %mul3A_1311 = arith.mulf %get3A_287, %get3A_1310 : vector<16xf32>
        %add3A_1312 = arith.addf %mul3A_1283, %mul3A_1287 : vector<16xf32>
        %add3A_1313 = arith.addf %mul3A_1291, %mul3A_1295 : vector<16xf32>
        %add3A_1314 = arith.addf %mul3A_1299, %mul3A_1303 : vector<16xf32>
        %add3A_1315 = arith.addf %mul3A_1307, %mul3A_1311 : vector<16xf32>
        %add3A_1316 = arith.addf %add3A_1312, %add3A_1313 : vector<16xf32>
        %add3A_1317 = arith.addf %add3A_1314, %add3A_1315 : vector<16xf32>
        %add3A_1318 = arith.addf %add3A_1316, %add3A_1317 : vector<16xf32>
        %reduce_sum3A_1319 = arith.constant true
        %reduce_sum3A_1320 = vector.broadcast %reduce_sum3A_1319 : i1 to vector<16xi1>
        %reduce_sum3A_1321 = tpu.scan <sum>, %add3A_1318 masked %reduce_sum3A_1320 : vector<16xf32>, vector<16xi1> -> vector<16xf32>
        %reduce_sum3A_1322 = vector.extract %reduce_sum3A_1321[15] : f32 from vector<16xf32>
        %broadcast_in_dim3A_1323 = vector.broadcast %reduce_sum3A_1322 : f32 to vector<16xf32>
        %eq3A_1324 = arith.constant 3 : i32
        %eq3A_1325 = vector.broadcast %eq3A_1324 : i32 to vector<16xi32>
        %eq3A_1326 = arith.cmpi eq, %iota3A, %eq3A_1325 : vector<16xi32>
        %select_n3A_1327 = arith.select %eq3A_1326, %broadcast_in_dim3A_1323, %select_n3A_1275 : vector<16xi1>, vector<16xf32>
        %mul3A_1328 = arith.constant 16 : i32
        %mul3A_1329 = arith.muli %mul3A_64, %mul3A_1328 : i32
        %add3A_1330 = arith.addi %mul3A_1329, %scan3A_263 : i32
        %mul3A_1331 = arith.constant 32 : i32
        %mul3A_1332 = arith.muli %add3A_1330, %mul3A_1331 : i32
        %swap3A = arith.index_cast %mul3A_1332 : i32 to index
        %swap3A_1333 = tpu.vector_load %arg9[%swap3A] {strides = array<i32>} : memref<16384xf32, #tpu.memory_space<vmem>>, vector<16xf32>,
        tpu.vector_store %arg9[%swap3A], %select_n3A_1119 {strides = array<i32>} : memref<16384xf32, #tpu.memory_space<vmem>>, vector<16xf32>,
        %add3A_1334 = arith.constant 16 : i32
        %add3A_1335 = arith.addi %mul3A_1332, %add3A_1334 : i32
        %swap3A_1336 = arith.index_cast %add3A_1335 : i32 to index
        %swap3A_1337 = tpu.vector_load %arg9[%swap3A_1336] {strides = array<i32>} : memref<16384xf32, #tpu.memory_space<vmem>>, vector<16xf32>,
        tpu.vector_store %arg9[%swap3A_1336], %select_n3A_1327 {strides = array<i32>} : memref<16384xf32, #tpu.memory_space<vmem>>, vector<16xf32>,
        %scan3A_1338 = arith.constant 0 : i32
        scf.yield %scan3A_1338 : i32
      }
      %scan3A_188 = arith.constant 16 : i32
      %add3A_189 = arith.constant 2 : i32
      %add3A_190 = arith.addi %mul3A_64, %add3A_189 : i32
      %lt3A = arith.constant 32 : i32
      %lt3A_191 = arith.cmpi slt, %add3A_190, %lt3A : i32
      %convert_element_type3A = arith.extui %lt3A_191 : i1 to i32
      %cond3A = arith.constant 0 : i32
      %cond3A_192 = arith.cmpi ne, %convert_element_type3A, %cond3A : i32
      scf.if %cond3A_192 {
        %add3A_263 = arith.constant 2 : i32
        %add3A_264 = arith.addi %mul3A_64, %add3A_263 : i32
        %dma_start3A_265 = arith.constant 0 : i32
        %dma_start3A_266 = tpu.memref_slice %arg7[%add3A_264, %dma_start3A_265] : memref<32x16xi32, #tpu.memory_space<vmem>> -> memref<1x16xi32, #tpu.memory_space<vmem>>
        %dma_start3A_267 = tpu.memref_squeeze %dma_start3A_266 : memref<1x16xi32, #tpu.memory_space<vmem>> -> memref<16xi32, #tpu.memory_space<vmem>>
        %dma_start3A_268 = arith.constant 0 : i32
        %dma_start3A_269 = arith.constant 0 : i32
        %dma_start3A_270 = tpu.memref_slice %arg4[%dma_start3A_268, %dma_start3A_269] : memref<100000x128xf32, #tpu.memory_space<hbm>> -> memref<100000x128xf32, #tpu.memory_space<hbm>>
        tpu.enqueue_indirect_dma source(%dma_start3A_270 : memref<100000x128xf32, #tpu.memory_space<hbm>>) target(%arg10 : memref<16x128xf32, #tpu.memory_space<vmem>>) offsets(%dma_start3A_267 : memref<16xi32, #tpu.memory_space<vmem>>) semaphore(%arg14 : memref<!tpu.dma_semaphore, #tpu.memory_space<semaphore_mem>>)
        %mul3A_271 = arith.constant 4 : i32
        %mul3A_272 = arith.muli %mul3A_271, %add3A_264 : i32
        %add3A_273 = arith.constant 0 : i32
        %add3A_274 = arith.addi %mul3A_272, %add3A_273 : i32
        %dma_start3A_275 = arith.constant 0 : i32
        %dma_start3A_276 = arith.constant 0 : i32
        %dma_start3A_277 = tpu.memref_slice %arg12[%dma_start3A_275, %dma_start3A_276] : memref<320x128xf32, #tpu.memory_space<vmem>> -> memref<80x128xf32, #tpu.memory_space<vmem>>
        %dma_start3A_278 = arith.constant 0 : i32
        %dma_start3A_279 = tpu.memref_slice %arg8[%add3A_274, %dma_start3A_278] : memref<128x80xi32, #tpu.memory_space<vmem>> -> memref<1x80xi32, #tpu.memory_space<vmem>>
        %dma_start3A_280 = tpu.memref_squeeze %dma_start3A_279 : memref<1x80xi32, #tpu.memory_space<vmem>> -> memref<80xi32, #tpu.memory_space<vmem>>
        %dma_start3A_281 = arith.constant 0 : i32
        %dma_start3A_282 = arith.constant 0 : i32
        %dma_start3A_283 = tpu.memref_slice %arg5[%dma_start3A_281, %dma_start3A_282] : memref<100000x128xf32, #tpu.memory_space<hbm>> -> memref<100000x128xf32, #tpu.memory_space<hbm>>
        tpu.enqueue_indirect_dma source(%dma_start3A_283 : memref<100000x128xf32, #tpu.memory_space<hbm>>) target(%dma_start3A_277 : memref<80x128xf32, #tpu.memory_space<vmem>>) offsets(%dma_start3A_280 : memref<80xi32, #tpu.memory_space<vmem>>) semaphore(%arg14 : memref<!tpu.dma_semaphore, #tpu.memory_space<semaphore_mem>>)
        %mul3A_284 = arith.constant 4 : i32
        %mul3A_285 = arith.muli %mul3A_284, %add3A_264 : i32
        %add3A_286 = arith.constant 1 : i32
        %add3A_287 = arith.addi %mul3A_285, %add3A_286 : i32
        %dma_start3A_288 = arith.constant 80 : i32
        %dma_start3A_289 = arith.constant 0 : i32
        %dma_start3A_290 = tpu.memref_slice %arg12[%dma_start3A_288, %dma_start3A_289] : memref<320x128xf32, #tpu.memory_space<vmem>> -> memref<80x128xf32, #tpu.memory_space<vmem>>
        %dma_start3A_291 = arith.constant 0 : i32
        %dma_start3A_292 = tpu.memref_slice %arg8[%add3A_287, %dma_start3A_291] : memref<128x80xi32, #tpu.memory_space<vmem>> -> memref<1x80xi32, #tpu.memory_space<vmem>>
        %dma_start3A_293 = tpu.memref_squeeze %dma_start3A_292 : memref<1x80xi32, #tpu.memory_space<vmem>> -> memref<80xi32, #tpu.memory_space<vmem>>
        %dma_start3A_294 = arith.constant 0 : i32
        %dma_start3A_295 = arith.constant 0 : i32
        %dma_start3A_296 = tpu.memref_slice %arg5[%dma_start3A_294, %dma_start3A_295] : memref<100000x128xf32, #tpu.memory_space<hbm>> -> memref<100000x128xf32, #tpu.memory_space<hbm>>
        tpu.enqueue_indirect_dma source(%dma_start3A_296 : memref<100000x128xf32, #tpu.memory_space<hbm>>) target(%dma_start3A_290 : memref<80x128xf32, #tpu.memory_space<vmem>>) offsets(%dma_start3A_293 : memref<80xi32, #tpu.memory_space<vmem>>) semaphore(%arg14 : memref<!tpu.dma_semaphore, #tpu.memory_space<semaphore_mem>>)
        %mul3A_297 = arith.constant 4 : i32
        %mul3A_298 = arith.muli %mul3A_297, %add3A_264 : i32
        %add3A_299 = arith.constant 2 : i32
        %add3A_300 = arith.addi %mul3A_298, %add3A_299 : i32
        %dma_start3A_301 = arith.constant 160 : i32
        %dma_start3A_302 = arith.constant 0 : i32
        %dma_start3A_303 = tpu.memref_slice %arg12[%dma_start3A_301, %dma_start3A_302] : memref<320x128xf32, #tpu.memory_space<vmem>> -> memref<80x128xf32, #tpu.memory_space<vmem>>
        %dma_start3A_304 = arith.constant 0 : i32
        %dma_start3A_305 = tpu.memref_slice %arg8[%add3A_300, %dma_start3A_304] : memref<128x80xi32, #tpu.memory_space<vmem>> -> memref<1x80xi32, #tpu.memory_space<vmem>>
        %dma_start3A_306 = tpu.memref_squeeze %dma_start3A_305 : memref<1x80xi32, #tpu.memory_space<vmem>> -> memref<80xi32, #tpu.memory_space<vmem>>
        %dma_start3A_307 = arith.constant 0 : i32
        %dma_start3A_308 = arith.constant 0 : i32
        %dma_start3A_309 = tpu.memref_slice %arg5[%dma_start3A_307, %dma_start3A_308] : memref<100000x128xf32, #tpu.memory_space<hbm>> -> memref<100000x128xf32, #tpu.memory_space<hbm>>
        tpu.enqueue_indirect_dma source(%dma_start3A_309 : memref<100000x128xf32, #tpu.memory_space<hbm>>) target(%dma_start3A_303 : memref<80x128xf32, #tpu.memory_space<vmem>>) offsets(%dma_start3A_306 : memref<80xi32, #tpu.memory_space<vmem>>) semaphore(%arg14 : memref<!tpu.dma_semaphore, #tpu.memory_space<semaphore_mem>>)
        %mul3A_310 = arith.constant 4 : i32
        %mul3A_311 = arith.muli %mul3A_310, %add3A_264 : i32
        %add3A_312 = arith.constant 3 : i32
        %add3A_313 = arith.addi %mul3A_311, %add3A_312 : i32
        %dma_start3A_314 = arith.constant 240 : i32
        %dma_start3A_315 = arith.constant 0 : i32
        %dma_start3A_316 = tpu.memref_slice %arg12[%dma_start3A_314, %dma_start3A_315] : memref<320x128xf32, #tpu.memory_space<vmem>> -> memref<80x128xf32, #tpu.memory_space<vmem>>
        %dma_start3A_317 = arith.constant 0 : i32
        %dma_start3A_318 = tpu.memref_slice %arg8[%add3A_313, %dma_start3A_317] : memref<128x80xi32, #tpu.memory_space<vmem>> -> memref<1x80xi32, #tpu.memory_space<vmem>>
        %dma_start3A_319 = tpu.memref_squeeze %dma_start3A_318 : memref<1x80xi32, #tpu.memory_space<vmem>> -> memref<80xi32, #tpu.memory_space<vmem>>
        %dma_start3A_320 = arith.constant 0 : i32
        %dma_start3A_321 = arith.constant 0 : i32
        %dma_start3A_322 = tpu.memref_slice %arg5[%dma_start3A_320, %dma_start3A_321] : memref<100000x128xf32, #tpu.memory_space<hbm>> -> memref<100000x128xf32, #tpu.memory_space<hbm>>
        tpu.enqueue_indirect_dma source(%dma_start3A_322 : memref<100000x128xf32, #tpu.memory_space<hbm>>) target(%dma_start3A_316 : memref<80x128xf32, #tpu.memory_space<vmem>>) offsets(%dma_start3A_319 : memref<80xi32, #tpu.memory_space<vmem>>) semaphore(%arg14 : memref<!tpu.dma_semaphore, #tpu.memory_space<semaphore_mem>>)
      } else {
      }
      %add3A_193 = arith.constant 1 : i32
      %add3A_194 = arith.addi %mul3A_64, %add3A_193 : i32
      %dma_wait3A_195 = arith.constant 0 : i32
      %dma_wait3A_196 = tpu.memref_slice %arg7[%add3A_194, %dma_wait3A_195] : memref<32x16xi32, #tpu.memory_space<vmem>> -> memref<1x16xi32, #tpu.memory_space<vmem>>
      %dma_wait3A_197 = tpu.memref_squeeze %dma_wait3A_196 : memref<1x16xi32, #tpu.memory_space<vmem>> -> memref<16xi32, #tpu.memory_space<vmem>>
      %dma_wait3A_198 = arith.constant 0 : i32
      %dma_wait3A_199 = arith.constant 0 : i32
      %dma_wait3A_200 = tpu.memref_slice %arg4[%dma_wait3A_198, %dma_wait3A_199] : memref<100000x128xf32, #tpu.memory_space<hbm>> -> memref<100000x128xf32, #tpu.memory_space<hbm>>
      tpu.wait_indirect_dma semaphore(%arg15 : memref<!tpu.dma_semaphore, #tpu.memory_space<semaphore_mem>>) src(%dma_wait3A_200 : memref<100000x128xf32, #tpu.memory_space<hbm>>) dst(%arg11 : memref<16x128xf32, #tpu.memory_space<vmem>>)
      %mul3A_201 = arith.constant 4 : i32
      %mul3A_202 = arith.muli %mul3A_201, %add3A_194 : i32
      %add3A_203 = arith.constant 0 : i32
      %add3A_204 = arith.addi %mul3A_202, %add3A_203 : i32
      %dma_wait3A_205 = arith.constant 0 : i32
      %dma_wait3A_206 = arith.constant 0 : i32
      %dma_wait3A_207 = tpu.memref_slice %arg13[%dma_wait3A_205, %dma_wait3A_206] : memref<320x128xf32, #tpu.memory_space<vmem>> -> memref<80x128xf32, #tpu.memory_space<vmem>>
      %dma_wait3A_208 = arith.constant 0 : i32
      %dma_wait3A_209 = tpu.memref_slice %arg8[%add3A_204, %dma_wait3A_208] : memref<128x80xi32, #tpu.memory_space<vmem>> -> memref<1x80xi32, #tpu.memory_space<vmem>>
      %dma_wait3A_210 = tpu.memref_squeeze %dma_wait3A_209 : memref<1x80xi32, #tpu.memory_space<vmem>> -> memref<80xi32, #tpu.memory_space<vmem>>
      %dma_wait3A_211 = arith.constant 0 : i32
      %dma_wait3A_212 = arith.constant 0 : i32
      %dma_wait3A_213 = tpu.memref_slice %arg5[%dma_wait3A_211, %dma_wait3A_212] : memref<100000x128xf32, #tpu.memory_space<hbm>> -> memref<100000x128xf32, #tpu.memory_space<hbm>>
      tpu.wait_indirect_dma semaphore(%arg15 : memref<!tpu.dma_semaphore, #tpu.memory_space<semaphore_mem>>) src(%dma_wait3A_213 : memref<100000x128xf32, #tpu.memory_space<hbm>>) dst(%dma_wait3A_207 : memref<80x128xf32, #tpu.memory_space<vmem>>)
      %mul3A_214 = arith.constant 4 : i32
      %mul3A_215 = arith.muli %mul3A_214, %add3A_194 : i32
      %add3A_216 = arith.constant 1 : i32
      %add3A_217 = arith.addi %mul3A_215, %add3A_216 : i32
      %dma_wait3A_218 = arith.constant 80 : i32
      %dma_wait3A_219 = arith.constant 0 : i32
      %dma_wait3A_220 = tpu.memref_slice %arg13[%dma_wait3A_218, %dma_wait3A_219] : memref<320x128xf32, #tpu.memory_space<vmem>> -> memref<80x128xf32, #tpu.memory_space<vmem>>
      %dma_wait3A_221 = arith.constant 0 : i32
      %dma_wait3A_222 = tpu.memref_slice %arg8[%add3A_217, %dma_wait3A_221] : memref<128x80xi32, #tpu.memory_space<vmem>> -> memref<1x80xi32, #tpu.memory_space<vmem>>
      %dma_wait3A_223 = tpu.memref_squeeze %dma_wait3A_222 : memref<1x80xi32, #tpu.memory_space<vmem>> -> memref<80xi32, #tpu.memory_space<vmem>>
      %dma_wait3A_224 = arith.constant 0 : i32
      %dma_wait3A_225 = arith.constant 0 : i32
      %dma_wait3A_226 = tpu.memref_slice %arg5[%dma_wait3A_224, %dma_wait3A_225] : memref<100000x128xf32, #tpu.memory_space<hbm>> -> memref<100000x128xf32, #tpu.memory_space<hbm>>
      tpu.wait_indirect_dma semaphore(%arg15 : memref<!tpu.dma_semaphore, #tpu.memory_space<semaphore_mem>>) src(%dma_wait3A_226 : memref<100000x128xf32, #tpu.memory_space<hbm>>) dst(%dma_wait3A_220 : memref<80x128xf32, #tpu.memory_space<vmem>>)
      %mul3A_227 = arith.constant 4 : i32
      %mul3A_228 = arith.muli %mul3A_227, %add3A_194 : i32
      %add3A_229 = arith.constant 2 : i32
      %add3A_230 = arith.addi %mul3A_228, %add3A_229 : i32
      %dma_wait3A_231 = arith.constant 160 : i32
      %dma_wait3A_232 = arith.constant 0 : i32
      %dma_wait3A_233 = tpu.memref_slice %arg13[%dma_wait3A_231, %dma_wait3A_232] : memref<320x128xf32, #tpu.memory_space<vmem>> -> memref<80x128xf32, #tpu.memory_space<vmem>>
      %dma_wait3A_234 = arith.constant 0 : i32
      %dma_wait3A_235 = tpu.memref_slice %arg8[%add3A_230, %dma_wait3A_234] : memref<128x80xi32, #tpu.memory_space<vmem>> -> memref<1x80xi32, #tpu.memory_space<vmem>>
      %dma_wait3A_236 = tpu.memref_squeeze %dma_wait3A_235 : memref<1x80xi32, #tpu.memory_space<vmem>> -> memref<80xi32, #tpu.memory_space<vmem>>
      %dma_wait3A_237 = arith.constant 0 : i32
      %dma_wait3A_238 = arith.constant 0 : i32
      %dma_wait3A_239 = tpu.memref_slice %arg5[%dma_wait3A_237, %dma_wait3A_238] : memref<100000x128xf32, #tpu.memory_space<hbm>> -> memref<100000x128xf32, #tpu.memory_space<hbm>>
      tpu.wait_indirect_dma semaphore(%arg15 : memref<!tpu.dma_semaphore, #tpu.memory_space<semaphore_mem>>) src(%dma_wait3A_239 : memref<100000x128xf32, #tpu.memory_space<hbm>>) dst(%dma_wait3A_233 : memref<80x128xf32, #tpu.memory_space<vmem>>)
      %mul3A_240 = arith.constant 4 : i32
      %mul3A_241 = arith.muli %mul3A_240, %add3A_194 : i32
      %add3A_242 = arith.constant 3 : i32
      %add3A_243 = arith.addi %mul3A_241, %add3A_242 : i32
      %dma_wait3A_244 = arith.constant 240 : i32
      %dma_wait3A_245 = arith.constant 0 : i32
      %dma_wait3A_246 = tpu.memref_slice %arg13[%dma_wait3A_244, %dma_wait3A_245] : memref<320x128xf32, #tpu.memory_space<vmem>> -> memref<80x128xf32, #tpu.memory_space<vmem>>
      %dma_wait3A_247 = arith.constant 0 : i32
      %dma_wait3A_248 = tpu.memref_slice %arg8[%add3A_243, %dma_wait3A_247] : memref<128x80xi32, #tpu.memory_space<vmem>> -> memref<1x80xi32, #tpu.memory_space<vmem>>
      %dma_wait3A_249 = tpu.memref_squeeze %dma_wait3A_248 : memref<1x80xi32, #tpu.memory_space<vmem>> -> memref<80xi32, #tpu.memory_space<vmem>>
      %dma_wait3A_250 = arith.constant 0 : i32
      %dma_wait3A_251 = arith.constant 0 : i32
      %dma_wait3A_252 = tpu.memref_slice %arg5[%dma_wait3A_250, %dma_wait3A_251] : memref<100000x128xf32, #tpu.memory_space<hbm>> -> memref<100000x128xf32, #tpu.memory_space<hbm>>
      tpu.wait_indirect_dma semaphore(%arg15 : memref<!tpu.dma_semaphore, #tpu.memory_space<semaphore_mem>>) src(%dma_wait3A_252 : memref<100000x128xf32, #tpu.memory_space<hbm>>) dst(%dma_wait3A_246 : memref<80x128xf32, #tpu.memory_space<vmem>>)
      %add3A_253 = arith.constant 1 : i32
      %add3A_254 = arith.addi %mul3A_64, %add3A_253 : i32
      %scan3A_255 = arith.constant 0 : i32
      %scan3A_256 = arith.constant 0 : i32
      %scan3A_257 = arith.constant 16 : i32
      %scan3A_258 = arith.addi %scan3A_256, %scan3A_257 : i32
      %scan3A_259 = arith.constant 1 : i32
      %scan3A_260 = scf.for %scan3A_263 = %scan3A_256 to %scan3A_258 step %scan3A_259 iter_args(%scan3A_264 = %scan3A_255) -> (i32)  : i32 {
        %get3A = arith.index_cast %scan3A_263 : i32 to index
        %get3A_265 = arith.constant 0 : index
        %get3A_266 = tpu.vector_load %arg11[%get3A, %get3A_265] {strides = array<i32>} : memref<16x128xf32, #tpu.memory_space<vmem>>, vector<16xf32>,
        %get3A_267 = arith.index_cast %scan3A_263 : i32 to index
        %get3A_268 = arith.constant 16 : index
        %get3A_269 = tpu.vector_load %arg11[%get3A_267, %get3A_268] {strides = array<i32>} : memref<16x128xf32, #tpu.memory_space<vmem>>, vector<16xf32>,
        %get3A_270 = arith.index_cast %scan3A_263 : i32 to index
        %get3A_271 = arith.constant 32 : index
        %get3A_272 = tpu.vector_load %arg11[%get3A_270, %get3A_271] {strides = array<i32>} : memref<16x128xf32, #tpu.memory_space<vmem>>, vector<16xf32>,
        %get3A_273 = arith.index_cast %scan3A_263 : i32 to index
        %get3A_274 = arith.constant 48 : index
        %get3A_275 = tpu.vector_load %arg11[%get3A_273, %get3A_274] {strides = array<i32>} : memref<16x128xf32, #tpu.memory_space<vmem>>, vector<16xf32>,
        %get3A_276 = arith.index_cast %scan3A_263 : i32 to index
        %get3A_277 = arith.constant 64 : index
        %get3A_278 = tpu.vector_load %arg11[%get3A_276, %get3A_277] {strides = array<i32>} : memref<16x128xf32, #tpu.memory_space<vmem>>, vector<16xf32>,
        %get3A_279 = arith.index_cast %scan3A_263 : i32 to index
        %get3A_280 = arith.constant 80 : index
        %get3A_281 = tpu.vector_load %arg11[%get3A_279, %get3A_280] {strides = array<i32>} : memref<16x128xf32, #tpu.memory_space<vmem>>, vector<16xf32>,
        %get3A_282 = arith.index_cast %scan3A_263 : i32 to index
        %get3A_283 = arith.constant 96 : index
        %get3A_284 = tpu.vector_load %arg11[%get3A_282, %get3A_283] {strides = array<i32>} : memref<16x128xf32, #tpu.memory_space<vmem>>, vector<16xf32>,
        %get3A_285 = arith.index_cast %scan3A_263 : i32 to index
        %get3A_286 = arith.constant 112 : index
        %get3A_287 = tpu.vector_load %arg11[%get3A_285, %get3A_286] {strides = array<i32>} : memref<16x128xf32, #tpu.memory_space<vmem>>, vector<16xf32>,
        %broadcast_in_dim3A = arith.constant 0.000000e+00 : f32
        %broadcast_in_dim3A_288 = vector.broadcast %broadcast_in_dim3A : f32 to vector<16xf32>
        %broadcast_in_dim3A_289 = arith.constant 0.000000e+00 : f32
        %broadcast_in_dim3A_290 = vector.broadcast %broadcast_in_dim3A_289 : f32 to vector<16xf32>
        %mul3A_291 = arith.constant 20 : i32
        %mul3A_292 = arith.muli %scan3A_263, %mul3A_291 : i32
        %add3A_293 = arith.constant 0 : i32
        %add3A_294 = arith.addi %mul3A_292, %add3A_293 : i32
        %get3A_295 = arith.index_cast %add3A_294 : i32 to index
        %get3A_296 = arith.constant 0 : index
        %get3A_297 = tpu.vector_load %arg13[%get3A_295, %get3A_296] {strides = array<i32>} : memref<320x128xf32, #tpu.memory_space<vmem>>, vector<16xf32>,
        %mul3A_298 = arith.mulf %get3A_266, %get3A_297 : vector<16xf32>
        %get3A_299 = arith.index_cast %add3A_294 : i32 to index
        %get3A_300 = arith.constant 16 : index
        %get3A_301 = tpu.vector_load %arg13[%get3A_299, %get3A_300] {strides = array<i32>} : memref<320x128xf32, #tpu.memory_space<vmem>>, vector<16xf32>,
        %mul3A_302 = arith.mulf %get3A_269, %get3A_301 : vector<16xf32>
        %get3A_303 = arith.index_cast %add3A_294 : i32 to index
        %get3A_304 = arith.constant 32 : index
        %get3A_305 = tpu.vector_load %arg13[%get3A_303, %get3A_304] {strides = array<i32>} : memref<320x128xf32, #tpu.memory_space<vmem>>, vector<16xf32>,
        %mul3A_306 = arith.mulf %get3A_272, %get3A_305 : vector<16xf32>
        %get3A_307 = arith.index_cast %add3A_294 : i32 to index
        %get3A_308 = arith.constant 48 : index
        %get3A_309 = tpu.vector_load %arg13[%get3A_307, %get3A_308] {strides = array<i32>} : memref<320x128xf32, #tpu.memory_space<vmem>>, vector<16xf32>,
        %mul3A_310 = arith.mulf %get3A_275, %get3A_309 : vector<16xf32>
        %get3A_311 = arith.index_cast %add3A_294 : i32 to index
        %get3A_312 = arith.constant 64 : index
        %get3A_313 = tpu.vector_load %arg13[%get3A_311, %get3A_312] {strides = array<i32>} : memref<320x128xf32, #tpu.memory_space<vmem>>, vector<16xf32>,
        %mul3A_314 = arith.mulf %get3A_278, %get3A_313 : vector<16xf32>
        %get3A_315 = arith.index_cast %add3A_294 : i32 to index
        %get3A_316 = arith.constant 80 : index
        %get3A_317 = tpu.vector_load %arg13[%get3A_315, %get3A_316] {strides = array<i32>} : memref<320x128xf32, #tpu.memory_space<vmem>>, vector<16xf32>,
        %mul3A_318 = arith.mulf %get3A_281, %get3A_317 : vector<16xf32>
        %get3A_319 = arith.index_cast %add3A_294 : i32 to index
        %get3A_320 = arith.constant 96 : index
        %get3A_321 = tpu.vector_load %arg13[%get3A_319, %get3A_320] {strides = array<i32>} : memref<320x128xf32, #tpu.memory_space<vmem>>, vector<16xf32>,
        %mul3A_322 = arith.mulf %get3A_284, %get3A_321 : vector<16xf32>
        %get3A_323 = arith.index_cast %add3A_294 : i32 to index
        %get3A_324 = arith.constant 112 : index
        %get3A_325 = tpu.vector_load %arg13[%get3A_323, %get3A_324] {strides = array<i32>} : memref<320x128xf32, #tpu.memory_space<vmem>>, vector<16xf32>,
        %mul3A_326 = arith.mulf %get3A_287, %get3A_325 : vector<16xf32>
        %add3A_327 = arith.addf %mul3A_298, %mul3A_302 : vector<16xf32>
        %add3A_328 = arith.addf %mul3A_306, %mul3A_310 : vector<16xf32>
        %add3A_329 = arith.addf %mul3A_314, %mul3A_318 : vector<16xf32>
        %add3A_330 = arith.addf %mul3A_322, %mul3A_326 : vector<16xf32>
        %add3A_331 = arith.addf %add3A_327, %add3A_328 : vector<16xf32>
        %add3A_332 = arith.addf %add3A_329, %add3A_330 : vector<16xf32>
        %add3A_333 = arith.addf %add3A_331, %add3A_332 : vector<16xf32>
        %reduce_sum3A = arith.constant true
        %reduce_sum3A_334 = vector.broadcast %reduce_sum3A : i1 to vector<16xi1>
        %reduce_sum3A_335 = tpu.scan <sum>, %add3A_333 masked %reduce_sum3A_334 : vector<16xf32>, vector<16xi1> -> vector<16xf32>
        %reduce_sum3A_336 = vector.extract %reduce_sum3A_335[15] : f32 from vector<16xf32>
        %broadcast_in_dim3A_337 = vector.broadcast %reduce_sum3A_336 : f32 to vector<16xf32>
        %eq3A = arith.constant 0 : i32
        %eq3A_338 = vector.broadcast %eq3A : i32 to vector<16xi32>
        %eq3A_339 = arith.cmpi eq, %iota3A, %eq3A_338 : vector<16xi32>
        %select_n3A = arith.select %eq3A_339, %broadcast_in_dim3A_337, %broadcast_in_dim3A_288 : vector<16xi1>, vector<16xf32>
        %mul3A_340 = arith.constant 20 : i32
        %mul3A_341 = arith.muli %scan3A_263, %mul3A_340 : i32
        %add3A_342 = arith.constant 1 : i32
        %add3A_343 = arith.addi %mul3A_341, %add3A_342 : i32
        %get3A_344 = arith.index_cast %add3A_343 : i32 to index
        %get3A_345 = arith.constant 0 : index
        %get3A_346 = tpu.vector_load %arg13[%get3A_344, %get3A_345] {strides = array<i32>} : memref<320x128xf32, #tpu.memory_space<vmem>>, vector<16xf32>,
        %mul3A_347 = arith.mulf %get3A_266, %get3A_346 : vector<16xf32>
        %get3A_348 = arith.index_cast %add3A_343 : i32 to index
        %get3A_349 = arith.constant 16 : index
        %get3A_350 = tpu.vector_load %arg13[%get3A_348, %get3A_349] {strides = array<i32>} : memref<320x128xf32, #tpu.memory_space<vmem>>, vector<16xf32>,
        %mul3A_351 = arith.mulf %get3A_269, %get3A_350 : vector<16xf32>
        %get3A_352 = arith.index_cast %add3A_343 : i32 to index
        %get3A_353 = arith.constant 32 : index
        %get3A_354 = tpu.vector_load %arg13[%get3A_352, %get3A_353] {strides = array<i32>} : memref<320x128xf32, #tpu.memory_space<vmem>>, vector<16xf32>,
        %mul3A_355 = arith.mulf %get3A_272, %get3A_354 : vector<16xf32>
        %get3A_356 = arith.index_cast %add3A_343 : i32 to index
        %get3A_357 = arith.constant 48 : index
        %get3A_358 = tpu.vector_load %arg13[%get3A_356, %get3A_357] {strides = array<i32>} : memref<320x128xf32, #tpu.memory_space<vmem>>, vector<16xf32>,
        %mul3A_359 = arith.mulf %get3A_275, %get3A_358 : vector<16xf32>
        %get3A_360 = arith.index_cast %add3A_343 : i32 to index
        %get3A_361 = arith.constant 64 : index
        %get3A_362 = tpu.vector_load %arg13[%get3A_360, %get3A_361] {strides = array<i32>} : memref<320x128xf32, #tpu.memory_space<vmem>>, vector<16xf32>,
        %mul3A_363 = arith.mulf %get3A_278, %get3A_362 : vector<16xf32>
        %get3A_364 = arith.index_cast %add3A_343 : i32 to index
        %get3A_365 = arith.constant 80 : index
        %get3A_366 = tpu.vector_load %arg13[%get3A_364, %get3A_365] {strides = array<i32>} : memref<320x128xf32, #tpu.memory_space<vmem>>, vector<16xf32>,
        %mul3A_367 = arith.mulf %get3A_281, %get3A_366 : vector<16xf32>
        %get3A_368 = arith.index_cast %add3A_343 : i32 to index
        %get3A_369 = arith.constant 96 : index
        %get3A_370 = tpu.vector_load %arg13[%get3A_368, %get3A_369] {strides = array<i32>} : memref<320x128xf32, #tpu.memory_space<vmem>>, vector<16xf32>,
        %mul3A_371 = arith.mulf %get3A_284, %get3A_370 : vector<16xf32>
        %get3A_372 = arith.index_cast %add3A_343 : i32 to index
        %get3A_373 = arith.constant 112 : index
        %get3A_374 = tpu.vector_load %arg13[%get3A_372, %get3A_373] {strides = array<i32>} : memref<320x128xf32, #tpu.memory_space<vmem>>, vector<16xf32>,
        %mul3A_375 = arith.mulf %get3A_287, %get3A_374 : vector<16xf32>
        %add3A_376 = arith.addf %mul3A_347, %mul3A_351 : vector<16xf32>
        %add3A_377 = arith.addf %mul3A_355, %mul3A_359 : vector<16xf32>
        %add3A_378 = arith.addf %mul3A_363, %mul3A_367 : vector<16xf32>
        %add3A_379 = arith.addf %mul3A_371, %mul3A_375 : vector<16xf32>
        %add3A_380 = arith.addf %add3A_376, %add3A_377 : vector<16xf32>
        %add3A_381 = arith.addf %add3A_378, %add3A_379 : vector<16xf32>
        %add3A_382 = arith.addf %add3A_380, %add3A_381 : vector<16xf32>
        %reduce_sum3A_383 = arith.constant true
        %reduce_sum3A_384 = vector.broadcast %reduce_sum3A_383 : i1 to vector<16xi1>
        %reduce_sum3A_385 = tpu.scan <sum>, %add3A_382 masked %reduce_sum3A_384 : vector<16xf32>, vector<16xi1> -> vector<16xf32>
        %reduce_sum3A_386 = vector.extract %reduce_sum3A_385[15] : f32 from vector<16xf32>
        %broadcast_in_dim3A_387 = vector.broadcast %reduce_sum3A_386 : f32 to vector<16xf32>
        %eq3A_388 = arith.constant 1 : i32
        %eq3A_389 = vector.broadcast %eq3A_388 : i32 to vector<16xi32>
        %eq3A_390 = arith.cmpi eq, %iota3A, %eq3A_389 : vector<16xi32>
        %select_n3A_391 = arith.select %eq3A_390, %broadcast_in_dim3A_387, %select_n3A : vector<16xi1>, vector<16xf32>
        %mul3A_392 = arith.constant 20 : i32
        %mul3A_393 = arith.muli %scan3A_263, %mul3A_392 : i32
        %add3A_394 = arith.constant 2 : i32
        %add3A_395 = arith.addi %mul3A_393, %add3A_394 : i32
        %get3A_396 = arith.index_cast %add3A_395 : i32 to index
        %get3A_397 = arith.constant 0 : index
        %get3A_398 = tpu.vector_load %arg13[%get3A_396, %get3A_397] {strides = array<i32>} : memref<320x128xf32, #tpu.memory_space<vmem>>, vector<16xf32>,
        %mul3A_399 = arith.mulf %get3A_266, %get3A_398 : vector<16xf32>
        %get3A_400 = arith.index_cast %add3A_395 : i32 to index
        %get3A_401 = arith.constant 16 : index
        %get3A_402 = tpu.vector_load %arg13[%get3A_400, %get3A_401] {strides = array<i32>} : memref<320x128xf32, #tpu.memory_space<vmem>>, vector<16xf32>,
        %mul3A_403 = arith.mulf %get3A_269, %get3A_402 : vector<16xf32>
        %get3A_404 = arith.index_cast %add3A_395 : i32 to index
        %get3A_405 = arith.constant 32 : index
        %get3A_406 = tpu.vector_load %arg13[%get3A_404, %get3A_405] {strides = array<i32>} : memref<320x128xf32, #tpu.memory_space<vmem>>, vector<16xf32>,
        %mul3A_407 = arith.mulf %get3A_272, %get3A_406 : vector<16xf32>
        %get3A_408 = arith.index_cast %add3A_395 : i32 to index
        %get3A_409 = arith.constant 48 : index
        %get3A_410 = tpu.vector_load %arg13[%get3A_408, %get3A_409] {strides = array<i32>} : memref<320x128xf32, #tpu.memory_space<vmem>>, vector<16xf32>,
        %mul3A_411 = arith.mulf %get3A_275, %get3A_410 : vector<16xf32>
        %get3A_412 = arith.index_cast %add3A_395 : i32 to index
        %get3A_413 = arith.constant 64 : index
        %get3A_414 = tpu.vector_load %arg13[%get3A_412, %get3A_413] {strides = array<i32>} : memref<320x128xf32, #tpu.memory_space<vmem>>, vector<16xf32>,
        %mul3A_415 = arith.mulf %get3A_278, %get3A_414 : vector<16xf32>
        %get3A_416 = arith.index_cast %add3A_395 : i32 to index
        %get3A_417 = arith.constant 80 : index
        %get3A_418 = tpu.vector_load %arg13[%get3A_416, %get3A_417] {strides = array<i32>} : memref<320x128xf32, #tpu.memory_space<vmem>>, vector<16xf32>,
        %mul3A_419 = arith.mulf %get3A_281, %get3A_418 : vector<16xf32>
        %get3A_420 = arith.index_cast %add3A_395 : i32 to index
        %get3A_421 = arith.constant 96 : index
        %get3A_422 = tpu.vector_load %arg13[%get3A_420, %get3A_421] {strides = array<i32>} : memref<320x128xf32, #tpu.memory_space<vmem>>, vector<16xf32>,
        %mul3A_423 = arith.mulf %get3A_284, %get3A_422 : vector<16xf32>
        %get3A_424 = arith.index_cast %add3A_395 : i32 to index
        %get3A_425 = arith.constant 112 : index
        %get3A_426 = tpu.vector_load %arg13[%get3A_424, %get3A_425] {strides = array<i32>} : memref<320x128xf32, #tpu.memory_space<vmem>>, vector<16xf32>,
        %mul3A_427 = arith.mulf %get3A_287, %get3A_426 : vector<16xf32>
        %add3A_428 = arith.addf %mul3A_399, %mul3A_403 : vector<16xf32>
        %add3A_429 = arith.addf %mul3A_407, %mul3A_411 : vector<16xf32>
        %add3A_430 = arith.addf %mul3A_415, %mul3A_419 : vector<16xf32>
        %add3A_431 = arith.addf %mul3A_423, %mul3A_427 : vector<16xf32>
        %add3A_432 = arith.addf %add3A_428, %add3A_429 : vector<16xf32>
        %add3A_433 = arith.addf %add3A_430, %add3A_431 : vector<16xf32>
        %add3A_434 = arith.addf %add3A_432, %add3A_433 : vector<16xf32>
        %reduce_sum3A_435 = arith.constant true
        %reduce_sum3A_436 = vector.broadcast %reduce_sum3A_435 : i1 to vector<16xi1>
        %reduce_sum3A_437 = tpu.scan <sum>, %add3A_434 masked %reduce_sum3A_436 : vector<16xf32>, vector<16xi1> -> vector<16xf32>
        %reduce_sum3A_438 = vector.extract %reduce_sum3A_437[15] : f32 from vector<16xf32>
        %broadcast_in_dim3A_439 = vector.broadcast %reduce_sum3A_438 : f32 to vector<16xf32>
        %eq3A_440 = arith.constant 2 : i32
        %eq3A_441 = vector.broadcast %eq3A_440 : i32 to vector<16xi32>
        %eq3A_442 = arith.cmpi eq, %iota3A, %eq3A_441 : vector<16xi32>
        %select_n3A_443 = arith.select %eq3A_442, %broadcast_in_dim3A_439, %select_n3A_391 : vector<16xi1>, vector<16xf32>
        %mul3A_444 = arith.constant 20 : i32
        %mul3A_445 = arith.muli %scan3A_263, %mul3A_444 : i32
        %add3A_446 = arith.constant 3 : i32
        %add3A_447 = arith.addi %mul3A_445, %add3A_446 : i32
        %get3A_448 = arith.index_cast %add3A_447 : i32 to index
        %get3A_449 = arith.constant 0 : index
        %get3A_450 = tpu.vector_load %arg13[%get3A_448, %get3A_449] {strides = array<i32>} : memref<320x128xf32, #tpu.memory_space<vmem>>, vector<16xf32>,
        %mul3A_451 = arith.mulf %get3A_266, %get3A_450 : vector<16xf32>
        %get3A_452 = arith.index_cast %add3A_447 : i32 to index
        %get3A_453 = arith.constant 16 : index
        %get3A_454 = tpu.vector_load %arg13[%get3A_452, %get3A_453] {strides = array<i32>} : memref<320x128xf32, #tpu.memory_space<vmem>>, vector<16xf32>,
        %mul3A_455 = arith.mulf %get3A_269, %get3A_454 : vector<16xf32>
        %get3A_456 = arith.index_cast %add3A_447 : i32 to index
        %get3A_457 = arith.constant 32 : index
        %get3A_458 = tpu.vector_load %arg13[%get3A_456, %get3A_457] {strides = array<i32>} : memref<320x128xf32, #tpu.memory_space<vmem>>, vector<16xf32>,
        %mul3A_459 = arith.mulf %get3A_272, %get3A_458 : vector<16xf32>
        %get3A_460 = arith.index_cast %add3A_447 : i32 to index
        %get3A_461 = arith.constant 48 : index
        %get3A_462 = tpu.vector_load %arg13[%get3A_460, %get3A_461] {strides = array<i32>} : memref<320x128xf32, #tpu.memory_space<vmem>>, vector<16xf32>,
        %mul3A_463 = arith.mulf %get3A_275, %get3A_462 : vector<16xf32>
        %get3A_464 = arith.index_cast %add3A_447 : i32 to index
        %get3A_465 = arith.constant 64 : index
        %get3A_466 = tpu.vector_load %arg13[%get3A_464, %get3A_465] {strides = array<i32>} : memref<320x128xf32, #tpu.memory_space<vmem>>, vector<16xf32>,
        %mul3A_467 = arith.mulf %get3A_278, %get3A_466 : vector<16xf32>
        %get3A_468 = arith.index_cast %add3A_447 : i32 to index
        %get3A_469 = arith.constant 80 : index
        %get3A_470 = tpu.vector_load %arg13[%get3A_468, %get3A_469] {strides = array<i32>} : memref<320x128xf32, #tpu.memory_space<vmem>>, vector<16xf32>,
        %mul3A_471 = arith.mulf %get3A_281, %get3A_470 : vector<16xf32>
        %get3A_472 = arith.index_cast %add3A_447 : i32 to index
        %get3A_473 = arith.constant 96 : index
        %get3A_474 = tpu.vector_load %arg13[%get3A_472, %get3A_473] {strides = array<i32>} : memref<320x128xf32, #tpu.memory_space<vmem>>, vector<16xf32>,
        %mul3A_475 = arith.mulf %get3A_284, %get3A_474 : vector<16xf32>
        %get3A_476 = arith.index_cast %add3A_447 : i32 to index
        %get3A_477 = arith.constant 112 : index
        %get3A_478 = tpu.vector_load %arg13[%get3A_476, %get3A_477] {strides = array<i32>} : memref<320x128xf32, #tpu.memory_space<vmem>>, vector<16xf32>,
        %mul3A_479 = arith.mulf %get3A_287, %get3A_478 : vector<16xf32>
        %add3A_480 = arith.addf %mul3A_451, %mul3A_455 : vector<16xf32>
        %add3A_481 = arith.addf %mul3A_459, %mul3A_463 : vector<16xf32>
        %add3A_482 = arith.addf %mul3A_467, %mul3A_471 : vector<16xf32>
        %add3A_483 = arith.addf %mul3A_475, %mul3A_479 : vector<16xf32>
        %add3A_484 = arith.addf %add3A_480, %add3A_481 : vector<16xf32>
        %add3A_485 = arith.addf %add3A_482, %add3A_483 : vector<16xf32>
        %add3A_486 = arith.addf %add3A_484, %add3A_485 : vector<16xf32>
        %reduce_sum3A_487 = arith.constant true
        %reduce_sum3A_488 = vector.broadcast %reduce_sum3A_487 : i1 to vector<16xi1>
        %reduce_sum3A_489 = tpu.scan <sum>, %add3A_486 masked %reduce_sum3A_488 : vector<16xf32>, vector<16xi1> -> vector<16xf32>
        %reduce_sum3A_490 = vector.extract %reduce_sum3A_489[15] : f32 from vector<16xf32>
        %broadcast_in_dim3A_491 = vector.broadcast %reduce_sum3A_490 : f32 to vector<16xf32>
        %eq3A_492 = arith.constant 3 : i32
        %eq3A_493 = vector.broadcast %eq3A_492 : i32 to vector<16xi32>
        %eq3A_494 = arith.cmpi eq, %iota3A, %eq3A_493 : vector<16xi32>
        %select_n3A_495 = arith.select %eq3A_494, %broadcast_in_dim3A_491, %select_n3A_443 : vector<16xi1>, vector<16xf32>
        %mul3A_496 = arith.constant 20 : i32
        %mul3A_497 = arith.muli %scan3A_263, %mul3A_496 : i32
        %add3A_498 = arith.constant 4 : i32
        %add3A_499 = arith.addi %mul3A_497, %add3A_498 : i32
        %get3A_500 = arith.index_cast %add3A_499 : i32 to index
        %get3A_501 = arith.constant 0 : index
        %get3A_502 = tpu.vector_load %arg13[%get3A_500, %get3A_501] {strides = array<i32>} : memref<320x128xf32, #tpu.memory_space<vmem>>, vector<16xf32>,
        %mul3A_503 = arith.mulf %get3A_266, %get3A_502 : vector<16xf32>
        %get3A_504 = arith.index_cast %add3A_499 : i32 to index
        %get3A_505 = arith.constant 16 : index
        %get3A_506 = tpu.vector_load %arg13[%get3A_504, %get3A_505] {strides = array<i32>} : memref<320x128xf32, #tpu.memory_space<vmem>>, vector<16xf32>,
        %mul3A_507 = arith.mulf %get3A_269, %get3A_506 : vector<16xf32>
        %get3A_508 = arith.index_cast %add3A_499 : i32 to index
        %get3A_509 = arith.constant 32 : index
        %get3A_510 = tpu.vector_load %arg13[%get3A_508, %get3A_509] {strides = array<i32>} : memref<320x128xf32, #tpu.memory_space<vmem>>, vector<16xf32>,
        %mul3A_511 = arith.mulf %get3A_272, %get3A_510 : vector<16xf32>
        %get3A_512 = arith.index_cast %add3A_499 : i32 to index
        %get3A_513 = arith.constant 48 : index
        %get3A_514 = tpu.vector_load %arg13[%get3A_512, %get3A_513] {strides = array<i32>} : memref<320x128xf32, #tpu.memory_space<vmem>>, vector<16xf32>,
        %mul3A_515 = arith.mulf %get3A_275, %get3A_514 : vector<16xf32>
        %get3A_516 = arith.index_cast %add3A_499 : i32 to index
        %get3A_517 = arith.constant 64 : index
        %get3A_518 = tpu.vector_load %arg13[%get3A_516, %get3A_517] {strides = array<i32>} : memref<320x128xf32, #tpu.memory_space<vmem>>, vector<16xf32>,
        %mul3A_519 = arith.mulf %get3A_278, %get3A_518 : vector<16xf32>
        %get3A_520 = arith.index_cast %add3A_499 : i32 to index
        %get3A_521 = arith.constant 80 : index
        %get3A_522 = tpu.vector_load %arg13[%get3A_520, %get3A_521] {strides = array<i32>} : memref<320x128xf32, #tpu.memory_space<vmem>>, vector<16xf32>,
        %mul3A_523 = arith.mulf %get3A_281, %get3A_522 : vector<16xf32>
        %get3A_524 = arith.index_cast %add3A_499 : i32 to index
        %get3A_525 = arith.constant 96 : index
        %get3A_526 = tpu.vector_load %arg13[%get3A_524, %get3A_525] {strides = array<i32>} : memref<320x128xf32, #tpu.memory_space<vmem>>, vector<16xf32>,
        %mul3A_527 = arith.mulf %get3A_284, %get3A_526 : vector<16xf32>
        %get3A_528 = arith.index_cast %add3A_499 : i32 to index
        %get3A_529 = arith.constant 112 : index
        %get3A_530 = tpu.vector_load %arg13[%get3A_528, %get3A_529] {strides = array<i32>} : memref<320x128xf32, #tpu.memory_space<vmem>>, vector<16xf32>,
        %mul3A_531 = arith.mulf %get3A_287, %get3A_530 : vector<16xf32>
        %add3A_532 = arith.addf %mul3A_503, %mul3A_507 : vector<16xf32>
        %add3A_533 = arith.addf %mul3A_511, %mul3A_515 : vector<16xf32>
        %add3A_534 = arith.addf %mul3A_519, %mul3A_523 : vector<16xf32>
        %add3A_535 = arith.addf %mul3A_527, %mul3A_531 : vector<16xf32>
        %add3A_536 = arith.addf %add3A_532, %add3A_533 : vector<16xf32>
        %add3A_537 = arith.addf %add3A_534, %add3A_535 : vector<16xf32>
        %add3A_538 = arith.addf %add3A_536, %add3A_537 : vector<16xf32>
        %reduce_sum3A_539 = arith.constant true
        %reduce_sum3A_540 = vector.broadcast %reduce_sum3A_539 : i1 to vector<16xi1>
        %reduce_sum3A_541 = tpu.scan <sum>, %add3A_538 masked %reduce_sum3A_540 : vector<16xf32>, vector<16xi1> -> vector<16xf32>
        %reduce_sum3A_542 = vector.extract %reduce_sum3A_541[15] : f32 from vector<16xf32>
        %broadcast_in_dim3A_543 = vector.broadcast %reduce_sum3A_542 : f32 to vector<16xf32>
        %eq3A_544 = arith.constant 4 : i32
        %eq3A_545 = vector.broadcast %eq3A_544 : i32 to vector<16xi32>
        %eq3A_546 = arith.cmpi eq, %iota3A, %eq3A_545 : vector<16xi32>
        %select_n3A_547 = arith.select %eq3A_546, %broadcast_in_dim3A_543, %select_n3A_495 : vector<16xi1>, vector<16xf32>
        %mul3A_548 = arith.constant 20 : i32
        %mul3A_549 = arith.muli %scan3A_263, %mul3A_548 : i32
        %add3A_550 = arith.constant 5 : i32
        %add3A_551 = arith.addi %mul3A_549, %add3A_550 : i32
        %get3A_552 = arith.index_cast %add3A_551 : i32 to index
        %get3A_553 = arith.constant 0 : index
        %get3A_554 = tpu.vector_load %arg13[%get3A_552, %get3A_553] {strides = array<i32>} : memref<320x128xf32, #tpu.memory_space<vmem>>, vector<16xf32>,
        %mul3A_555 = arith.mulf %get3A_266, %get3A_554 : vector<16xf32>
        %get3A_556 = arith.index_cast %add3A_551 : i32 to index
        %get3A_557 = arith.constant 16 : index
        %get3A_558 = tpu.vector_load %arg13[%get3A_556, %get3A_557] {strides = array<i32>} : memref<320x128xf32, #tpu.memory_space<vmem>>, vector<16xf32>,
        %mul3A_559 = arith.mulf %get3A_269, %get3A_558 : vector<16xf32>
        %get3A_560 = arith.index_cast %add3A_551 : i32 to index
        %get3A_561 = arith.constant 32 : index
        %get3A_562 = tpu.vector_load %arg13[%get3A_560, %get3A_561] {strides = array<i32>} : memref<320x128xf32, #tpu.memory_space<vmem>>, vector<16xf32>,
        %mul3A_563 = arith.mulf %get3A_272, %get3A_562 : vector<16xf32>
        %get3A_564 = arith.index_cast %add3A_551 : i32 to index
        %get3A_565 = arith.constant 48 : index
        %get3A_566 = tpu.vector_load %arg13[%get3A_564, %get3A_565] {strides = array<i32>} : memref<320x128xf32, #tpu.memory_space<vmem>>, vector<16xf32>,
        %mul3A_567 = arith.mulf %get3A_275, %get3A_566 : vector<16xf32>
        %get3A_568 = arith.index_cast %add3A_551 : i32 to index
        %get3A_569 = arith.constant 64 : index
        %get3A_570 = tpu.vector_load %arg13[%get3A_568, %get3A_569] {strides = array<i32>} : memref<320x128xf32, #tpu.memory_space<vmem>>, vector<16xf32>,
        %mul3A_571 = arith.mulf %get3A_278, %get3A_570 : vector<16xf32>
        %get3A_572 = arith.index_cast %add3A_551 : i32 to index
        %get3A_573 = arith.constant 80 : index
        %get3A_574 = tpu.vector_load %arg13[%get3A_572, %get3A_573] {strides = array<i32>} : memref<320x128xf32, #tpu.memory_space<vmem>>, vector<16xf32>,
        %mul3A_575 = arith.mulf %get3A_281, %get3A_574 : vector<16xf32>
        %get3A_576 = arith.index_cast %add3A_551 : i32 to index
        %get3A_577 = arith.constant 96 : index
        %get3A_578 = tpu.vector_load %arg13[%get3A_576, %get3A_577] {strides = array<i32>} : memref<320x128xf32, #tpu.memory_space<vmem>>, vector<16xf32>,
        %mul3A_579 = arith.mulf %get3A_284, %get3A_578 : vector<16xf32>
        %get3A_580 = arith.index_cast %add3A_551 : i32 to index
        %get3A_581 = arith.constant 112 : index
        %get3A_582 = tpu.vector_load %arg13[%get3A_580, %get3A_581] {strides = array<i32>} : memref<320x128xf32, #tpu.memory_space<vmem>>, vector<16xf32>,
        %mul3A_583 = arith.mulf %get3A_287, %get3A_582 : vector<16xf32>
        %add3A_584 = arith.addf %mul3A_555, %mul3A_559 : vector<16xf32>
        %add3A_585 = arith.addf %mul3A_563, %mul3A_567 : vector<16xf32>
        %add3A_586 = arith.addf %mul3A_571, %mul3A_575 : vector<16xf32>
        %add3A_587 = arith.addf %mul3A_579, %mul3A_583 : vector<16xf32>
        %add3A_588 = arith.addf %add3A_584, %add3A_585 : vector<16xf32>
        %add3A_589 = arith.addf %add3A_586, %add3A_587 : vector<16xf32>
        %add3A_590 = arith.addf %add3A_588, %add3A_589 : vector<16xf32>
        %reduce_sum3A_591 = arith.constant true
        %reduce_sum3A_592 = vector.broadcast %reduce_sum3A_591 : i1 to vector<16xi1>
        %reduce_sum3A_593 = tpu.scan <sum>, %add3A_590 masked %reduce_sum3A_592 : vector<16xf32>, vector<16xi1> -> vector<16xf32>
        %reduce_sum3A_594 = vector.extract %reduce_sum3A_593[15] : f32 from vector<16xf32>
        %broadcast_in_dim3A_595 = vector.broadcast %reduce_sum3A_594 : f32 to vector<16xf32>
        %eq3A_596 = arith.constant 5 : i32
        %eq3A_597 = vector.broadcast %eq3A_596 : i32 to vector<16xi32>
        %eq3A_598 = arith.cmpi eq, %iota3A, %eq3A_597 : vector<16xi32>
        %select_n3A_599 = arith.select %eq3A_598, %broadcast_in_dim3A_595, %select_n3A_547 : vector<16xi1>, vector<16xf32>
        %mul3A_600 = arith.constant 20 : i32
        %mul3A_601 = arith.muli %scan3A_263, %mul3A_600 : i32
        %add3A_602 = arith.constant 6 : i32
        %add3A_603 = arith.addi %mul3A_601, %add3A_602 : i32
        %get3A_604 = arith.index_cast %add3A_603 : i32 to index
        %get3A_605 = arith.constant 0 : index
        %get3A_606 = tpu.vector_load %arg13[%get3A_604, %get3A_605] {strides = array<i32>} : memref<320x128xf32, #tpu.memory_space<vmem>>, vector<16xf32>,
        %mul3A_607 = arith.mulf %get3A_266, %get3A_606 : vector<16xf32>
        %get3A_608 = arith.index_cast %add3A_603 : i32 to index
        %get3A_609 = arith.constant 16 : index
        %get3A_610 = tpu.vector_load %arg13[%get3A_608, %get3A_609] {strides = array<i32>} : memref<320x128xf32, #tpu.memory_space<vmem>>, vector<16xf32>,
        %mul3A_611 = arith.mulf %get3A_269, %get3A_610 : vector<16xf32>
        %get3A_612 = arith.index_cast %add3A_603 : i32 to index
        %get3A_613 = arith.constant 32 : index
        %get3A_614 = tpu.vector_load %arg13[%get3A_612, %get3A_613] {strides = array<i32>} : memref<320x128xf32, #tpu.memory_space<vmem>>, vector<16xf32>,
        %mul3A_615 = arith.mulf %get3A_272, %get3A_614 : vector<16xf32>
        %get3A_616 = arith.index_cast %add3A_603 : i32 to index
        %get3A_617 = arith.constant 48 : index
        %get3A_618 = tpu.vector_load %arg13[%get3A_616, %get3A_617] {strides = array<i32>} : memref<320x128xf32, #tpu.memory_space<vmem>>, vector<16xf32>,
        %mul3A_619 = arith.mulf %get3A_275, %get3A_618 : vector<16xf32>
        %get3A_620 = arith.index_cast %add3A_603 : i32 to index
        %get3A_621 = arith.constant 64 : index
        %get3A_622 = tpu.vector_load %arg13[%get3A_620, %get3A_621] {strides = array<i32>} : memref<320x128xf32, #tpu.memory_space<vmem>>, vector<16xf32>,
        %mul3A_623 = arith.mulf %get3A_278, %get3A_622 : vector<16xf32>
        %get3A_624 = arith.index_cast %add3A_603 : i32 to index
        %get3A_625 = arith.constant 80 : index
        %get3A_626 = tpu.vector_load %arg13[%get3A_624, %get3A_625] {strides = array<i32>} : memref<320x128xf32, #tpu.memory_space<vmem>>, vector<16xf32>,
        %mul3A_627 = arith.mulf %get3A_281, %get3A_626 : vector<16xf32>
        %get3A_628 = arith.index_cast %add3A_603 : i32 to index
        %get3A_629 = arith.constant 96 : index
        %get3A_630 = tpu.vector_load %arg13[%get3A_628, %get3A_629] {strides = array<i32>} : memref<320x128xf32, #tpu.memory_space<vmem>>, vector<16xf32>,
        %mul3A_631 = arith.mulf %get3A_284, %get3A_630 : vector<16xf32>
        %get3A_632 = arith.index_cast %add3A_603 : i32 to index
        %get3A_633 = arith.constant 112 : index
        %get3A_634 = tpu.vector_load %arg13[%get3A_632, %get3A_633] {strides = array<i32>} : memref<320x128xf32, #tpu.memory_space<vmem>>, vector<16xf32>,
        %mul3A_635 = arith.mulf %get3A_287, %get3A_634 : vector<16xf32>
        %add3A_636 = arith.addf %mul3A_607, %mul3A_611 : vector<16xf32>
        %add3A_637 = arith.addf %mul3A_615, %mul3A_619 : vector<16xf32>
        %add3A_638 = arith.addf %mul3A_623, %mul3A_627 : vector<16xf32>
        %add3A_639 = arith.addf %mul3A_631, %mul3A_635 : vector<16xf32>
        %add3A_640 = arith.addf %add3A_636, %add3A_637 : vector<16xf32>
        %add3A_641 = arith.addf %add3A_638, %add3A_639 : vector<16xf32>
        %add3A_642 = arith.addf %add3A_640, %add3A_641 : vector<16xf32>
        %reduce_sum3A_643 = arith.constant true
        %reduce_sum3A_644 = vector.broadcast %reduce_sum3A_643 : i1 to vector<16xi1>
        %reduce_sum3A_645 = tpu.scan <sum>, %add3A_642 masked %reduce_sum3A_644 : vector<16xf32>, vector<16xi1> -> vector<16xf32>
        %reduce_sum3A_646 = vector.extract %reduce_sum3A_645[15] : f32 from vector<16xf32>
        %broadcast_in_dim3A_647 = vector.broadcast %reduce_sum3A_646 : f32 to vector<16xf32>
        %eq3A_648 = arith.constant 6 : i32
        %eq3A_649 = vector.broadcast %eq3A_648 : i32 to vector<16xi32>
        %eq3A_650 = arith.cmpi eq, %iota3A, %eq3A_649 : vector<16xi32>
        %select_n3A_651 = arith.select %eq3A_650, %broadcast_in_dim3A_647, %select_n3A_599 : vector<16xi1>, vector<16xf32>
        %mul3A_652 = arith.constant 20 : i32
        %mul3A_653 = arith.muli %scan3A_263, %mul3A_652 : i32
        %add3A_654 = arith.constant 7 : i32
        %add3A_655 = arith.addi %mul3A_653, %add3A_654 : i32
        %get3A_656 = arith.index_cast %add3A_655 : i32 to index
        %get3A_657 = arith.constant 0 : index
        %get3A_658 = tpu.vector_load %arg13[%get3A_656, %get3A_657] {strides = array<i32>} : memref<320x128xf32, #tpu.memory_space<vmem>>, vector<16xf32>,
        %mul3A_659 = arith.mulf %get3A_266, %get3A_658 : vector<16xf32>
        %get3A_660 = arith.index_cast %add3A_655 : i32 to index
        %get3A_661 = arith.constant 16 : index
        %get3A_662 = tpu.vector_load %arg13[%get3A_660, %get3A_661] {strides = array<i32>} : memref<320x128xf32, #tpu.memory_space<vmem>>, vector<16xf32>,
        %mul3A_663 = arith.mulf %get3A_269, %get3A_662 : vector<16xf32>
        %get3A_664 = arith.index_cast %add3A_655 : i32 to index
        %get3A_665 = arith.constant 32 : index
        %get3A_666 = tpu.vector_load %arg13[%get3A_664, %get3A_665] {strides = array<i32>} : memref<320x128xf32, #tpu.memory_space<vmem>>, vector<16xf32>,
        %mul3A_667 = arith.mulf %get3A_272, %get3A_666 : vector<16xf32>
        %get3A_668 = arith.index_cast %add3A_655 : i32 to index
        %get3A_669 = arith.constant 48 : index
        %get3A_670 = tpu.vector_load %arg13[%get3A_668, %get3A_669] {strides = array<i32>} : memref<320x128xf32, #tpu.memory_space<vmem>>, vector<16xf32>,
        %mul3A_671 = arith.mulf %get3A_275, %get3A_670 : vector<16xf32>
        %get3A_672 = arith.index_cast %add3A_655 : i32 to index
        %get3A_673 = arith.constant 64 : index
        %get3A_674 = tpu.vector_load %arg13[%get3A_672, %get3A_673] {strides = array<i32>} : memref<320x128xf32, #tpu.memory_space<vmem>>, vector<16xf32>,
        %mul3A_675 = arith.mulf %get3A_278, %get3A_674 : vector<16xf32>
        %get3A_676 = arith.index_cast %add3A_655 : i32 to index
        %get3A_677 = arith.constant 80 : index
        %get3A_678 = tpu.vector_load %arg13[%get3A_676, %get3A_677] {strides = array<i32>} : memref<320x128xf32, #tpu.memory_space<vmem>>, vector<16xf32>,
        %mul3A_679 = arith.mulf %get3A_281, %get3A_678 : vector<16xf32>
        %get3A_680 = arith.index_cast %add3A_655 : i32 to index
        %get3A_681 = arith.constant 96 : index
        %get3A_682 = tpu.vector_load %arg13[%get3A_680, %get3A_681] {strides = array<i32>} : memref<320x128xf32, #tpu.memory_space<vmem>>, vector<16xf32>,
        %mul3A_683 = arith.mulf %get3A_284, %get3A_682 : vector<16xf32>
        %get3A_684 = arith.index_cast %add3A_655 : i32 to index
        %get3A_685 = arith.constant 112 : index
        %get3A_686 = tpu.vector_load %arg13[%get3A_684, %get3A_685] {strides = array<i32>} : memref<320x128xf32, #tpu.memory_space<vmem>>, vector<16xf32>,
        %mul3A_687 = arith.mulf %get3A_287, %get3A_686 : vector<16xf32>
        %add3A_688 = arith.addf %mul3A_659, %mul3A_663 : vector<16xf32>
        %add3A_689 = arith.addf %mul3A_667, %mul3A_671 : vector<16xf32>
        %add3A_690 = arith.addf %mul3A_675, %mul3A_679 : vector<16xf32>
        %add3A_691 = arith.addf %mul3A_683, %mul3A_687 : vector<16xf32>
        %add3A_692 = arith.addf %add3A_688, %add3A_689 : vector<16xf32>
        %add3A_693 = arith.addf %add3A_690, %add3A_691 : vector<16xf32>
        %add3A_694 = arith.addf %add3A_692, %add3A_693 : vector<16xf32>
        %reduce_sum3A_695 = arith.constant true
        %reduce_sum3A_696 = vector.broadcast %reduce_sum3A_695 : i1 to vector<16xi1>
        %reduce_sum3A_697 = tpu.scan <sum>, %add3A_694 masked %reduce_sum3A_696 : vector<16xf32>, vector<16xi1> -> vector<16xf32>
        %reduce_sum3A_698 = vector.extract %reduce_sum3A_697[15] : f32 from vector<16xf32>
        %broadcast_in_dim3A_699 = vector.broadcast %reduce_sum3A_698 : f32 to vector<16xf32>
        %eq3A_700 = arith.constant 7 : i32
        %eq3A_701 = vector.broadcast %eq3A_700 : i32 to vector<16xi32>
        %eq3A_702 = arith.cmpi eq, %iota3A, %eq3A_701 : vector<16xi32>
        %select_n3A_703 = arith.select %eq3A_702, %broadcast_in_dim3A_699, %select_n3A_651 : vector<16xi1>, vector<16xf32>
        %mul3A_704 = arith.constant 20 : i32
        %mul3A_705 = arith.muli %scan3A_263, %mul3A_704 : i32
        %add3A_706 = arith.constant 8 : i32
        %add3A_707 = arith.addi %mul3A_705, %add3A_706 : i32
        %get3A_708 = arith.index_cast %add3A_707 : i32 to index
        %get3A_709 = arith.constant 0 : index
        %get3A_710 = tpu.vector_load %arg13[%get3A_708, %get3A_709] {strides = array<i32>} : memref<320x128xf32, #tpu.memory_space<vmem>>, vector<16xf32>,
        %mul3A_711 = arith.mulf %get3A_266, %get3A_710 : vector<16xf32>
        %get3A_712 = arith.index_cast %add3A_707 : i32 to index
        %get3A_713 = arith.constant 16 : index
        %get3A_714 = tpu.vector_load %arg13[%get3A_712, %get3A_713] {strides = array<i32>} : memref<320x128xf32, #tpu.memory_space<vmem>>, vector<16xf32>,
        %mul3A_715 = arith.mulf %get3A_269, %get3A_714 : vector<16xf32>
        %get3A_716 = arith.index_cast %add3A_707 : i32 to index
        %get3A_717 = arith.constant 32 : index
        %get3A_718 = tpu.vector_load %arg13[%get3A_716, %get3A_717] {strides = array<i32>} : memref<320x128xf32, #tpu.memory_space<vmem>>, vector<16xf32>,
        %mul3A_719 = arith.mulf %get3A_272, %get3A_718 : vector<16xf32>
        %get3A_720 = arith.index_cast %add3A_707 : i32 to index
        %get3A_721 = arith.constant 48 : index
        %get3A_722 = tpu.vector_load %arg13[%get3A_720, %get3A_721] {strides = array<i32>} : memref<320x128xf32, #tpu.memory_space<vmem>>, vector<16xf32>,
        %mul3A_723 = arith.mulf %get3A_275, %get3A_722 : vector<16xf32>
        %get3A_724 = arith.index_cast %add3A_707 : i32 to index
        %get3A_725 = arith.constant 64 : index
        %get3A_726 = tpu.vector_load %arg13[%get3A_724, %get3A_725] {strides = array<i32>} : memref<320x128xf32, #tpu.memory_space<vmem>>, vector<16xf32>,
        %mul3A_727 = arith.mulf %get3A_278, %get3A_726 : vector<16xf32>
        %get3A_728 = arith.index_cast %add3A_707 : i32 to index
        %get3A_729 = arith.constant 80 : index
        %get3A_730 = tpu.vector_load %arg13[%get3A_728, %get3A_729] {strides = array<i32>} : memref<320x128xf32, #tpu.memory_space<vmem>>, vector<16xf32>,
        %mul3A_731 = arith.mulf %get3A_281, %get3A_730 : vector<16xf32>
        %get3A_732 = arith.index_cast %add3A_707 : i32 to index
        %get3A_733 = arith.constant 96 : index
        %get3A_734 = tpu.vector_load %arg13[%get3A_732, %get3A_733] {strides = array<i32>} : memref<320x128xf32, #tpu.memory_space<vmem>>, vector<16xf32>,
        %mul3A_735 = arith.mulf %get3A_284, %get3A_734 : vector<16xf32>
        %get3A_736 = arith.index_cast %add3A_707 : i32 to index
        %get3A_737 = arith.constant 112 : index
        %get3A_738 = tpu.vector_load %arg13[%get3A_736, %get3A_737] {strides = array<i32>} : memref<320x128xf32, #tpu.memory_space<vmem>>, vector<16xf32>,
        %mul3A_739 = arith.mulf %get3A_287, %get3A_738 : vector<16xf32>
        %add3A_740 = arith.addf %mul3A_711, %mul3A_715 : vector<16xf32>
        %add3A_741 = arith.addf %mul3A_719, %mul3A_723 : vector<16xf32>
        %add3A_742 = arith.addf %mul3A_727, %mul3A_731 : vector<16xf32>
        %add3A_743 = arith.addf %mul3A_735, %mul3A_739 : vector<16xf32>
        %add3A_744 = arith.addf %add3A_740, %add3A_741 : vector<16xf32>
        %add3A_745 = arith.addf %add3A_742, %add3A_743 : vector<16xf32>
        %add3A_746 = arith.addf %add3A_744, %add3A_745 : vector<16xf32>
        %reduce_sum3A_747 = arith.constant true
        %reduce_sum3A_748 = vector.broadcast %reduce_sum3A_747 : i1 to vector<16xi1>
        %reduce_sum3A_749 = tpu.scan <sum>, %add3A_746 masked %reduce_sum3A_748 : vector<16xf32>, vector<16xi1> -> vector<16xf32>
        %reduce_sum3A_750 = vector.extract %reduce_sum3A_749[15] : f32 from vector<16xf32>
        %broadcast_in_dim3A_751 = vector.broadcast %reduce_sum3A_750 : f32 to vector<16xf32>
        %eq3A_752 = arith.constant 8 : i32
        %eq3A_753 = vector.broadcast %eq3A_752 : i32 to vector<16xi32>
        %eq3A_754 = arith.cmpi eq, %iota3A, %eq3A_753 : vector<16xi32>
        %select_n3A_755 = arith.select %eq3A_754, %broadcast_in_dim3A_751, %select_n3A_703 : vector<16xi1>, vector<16xf32>
        %mul3A_756 = arith.constant 20 : i32
        %mul3A_757 = arith.muli %scan3A_263, %mul3A_756 : i32
        %add3A_758 = arith.constant 9 : i32
        %add3A_759 = arith.addi %mul3A_757, %add3A_758 : i32
        %get3A_760 = arith.index_cast %add3A_759 : i32 to index
        %get3A_761 = arith.constant 0 : index
        %get3A_762 = tpu.vector_load %arg13[%get3A_760, %get3A_761] {strides = array<i32>} : memref<320x128xf32, #tpu.memory_space<vmem>>, vector<16xf32>,
        %mul3A_763 = arith.mulf %get3A_266, %get3A_762 : vector<16xf32>
        %get3A_764 = arith.index_cast %add3A_759 : i32 to index
        %get3A_765 = arith.constant 16 : index
        %get3A_766 = tpu.vector_load %arg13[%get3A_764, %get3A_765] {strides = array<i32>} : memref<320x128xf32, #tpu.memory_space<vmem>>, vector<16xf32>,
        %mul3A_767 = arith.mulf %get3A_269, %get3A_766 : vector<16xf32>
        %get3A_768 = arith.index_cast %add3A_759 : i32 to index
        %get3A_769 = arith.constant 32 : index
        %get3A_770 = tpu.vector_load %arg13[%get3A_768, %get3A_769] {strides = array<i32>} : memref<320x128xf32, #tpu.memory_space<vmem>>, vector<16xf32>,
        %mul3A_771 = arith.mulf %get3A_272, %get3A_770 : vector<16xf32>
        %get3A_772 = arith.index_cast %add3A_759 : i32 to index
        %get3A_773 = arith.constant 48 : index
        %get3A_774 = tpu.vector_load %arg13[%get3A_772, %get3A_773] {strides = array<i32>} : memref<320x128xf32, #tpu.memory_space<vmem>>, vector<16xf32>,
        %mul3A_775 = arith.mulf %get3A_275, %get3A_774 : vector<16xf32>
        %get3A_776 = arith.index_cast %add3A_759 : i32 to index
        %get3A_777 = arith.constant 64 : index
        %get3A_778 = tpu.vector_load %arg13[%get3A_776, %get3A_777] {strides = array<i32>} : memref<320x128xf32, #tpu.memory_space<vmem>>, vector<16xf32>,
        %mul3A_779 = arith.mulf %get3A_278, %get3A_778 : vector<16xf32>
        %get3A_780 = arith.index_cast %add3A_759 : i32 to index
        %get3A_781 = arith.constant 80 : index
        %get3A_782 = tpu.vector_load %arg13[%get3A_780, %get3A_781] {strides = array<i32>} : memref<320x128xf32, #tpu.memory_space<vmem>>, vector<16xf32>,
        %mul3A_783 = arith.mulf %get3A_281, %get3A_782 : vector<16xf32>
        %get3A_784 = arith.index_cast %add3A_759 : i32 to index
        %get3A_785 = arith.constant 96 : index
        %get3A_786 = tpu.vector_load %arg13[%get3A_784, %get3A_785] {strides = array<i32>} : memref<320x128xf32, #tpu.memory_space<vmem>>, vector<16xf32>,
        %mul3A_787 = arith.mulf %get3A_284, %get3A_786 : vector<16xf32>
        %get3A_788 = arith.index_cast %add3A_759 : i32 to index
        %get3A_789 = arith.constant 112 : index
        %get3A_790 = tpu.vector_load %arg13[%get3A_788, %get3A_789] {strides = array<i32>} : memref<320x128xf32, #tpu.memory_space<vmem>>, vector<16xf32>,
        %mul3A_791 = arith.mulf %get3A_287, %get3A_790 : vector<16xf32>
        %add3A_792 = arith.addf %mul3A_763, %mul3A_767 : vector<16xf32>
        %add3A_793 = arith.addf %mul3A_771, %mul3A_775 : vector<16xf32>
        %add3A_794 = arith.addf %mul3A_779, %mul3A_783 : vector<16xf32>
        %add3A_795 = arith.addf %mul3A_787, %mul3A_791 : vector<16xf32>
        %add3A_796 = arith.addf %add3A_792, %add3A_793 : vector<16xf32>
        %add3A_797 = arith.addf %add3A_794, %add3A_795 : vector<16xf32>
        %add3A_798 = arith.addf %add3A_796, %add3A_797 : vector<16xf32>
        %reduce_sum3A_799 = arith.constant true
        %reduce_sum3A_800 = vector.broadcast %reduce_sum3A_799 : i1 to vector<16xi1>
        %reduce_sum3A_801 = tpu.scan <sum>, %add3A_798 masked %reduce_sum3A_800 : vector<16xf32>, vector<16xi1> -> vector<16xf32>
        %reduce_sum3A_802 = vector.extract %reduce_sum3A_801[15] : f32 from vector<16xf32>
        %broadcast_in_dim3A_803 = vector.broadcast %reduce_sum3A_802 : f32 to vector<16xf32>
        %eq3A_804 = arith.constant 9 : i32
        %eq3A_805 = vector.broadcast %eq3A_804 : i32 to vector<16xi32>
        %eq3A_806 = arith.cmpi eq, %iota3A, %eq3A_805 : vector<16xi32>
        %select_n3A_807 = arith.select %eq3A_806, %broadcast_in_dim3A_803, %select_n3A_755 : vector<16xi1>, vector<16xf32>
        %mul3A_808 = arith.constant 20 : i32
        %mul3A_809 = arith.muli %scan3A_263, %mul3A_808 : i32
        %add3A_810 = arith.constant 10 : i32
        %add3A_811 = arith.addi %mul3A_809, %add3A_810 : i32
        %get3A_812 = arith.index_cast %add3A_811 : i32 to index
        %get3A_813 = arith.constant 0 : index
        %get3A_814 = tpu.vector_load %arg13[%get3A_812, %get3A_813] {strides = array<i32>} : memref<320x128xf32, #tpu.memory_space<vmem>>, vector<16xf32>,
        %mul3A_815 = arith.mulf %get3A_266, %get3A_814 : vector<16xf32>
        %get3A_816 = arith.index_cast %add3A_811 : i32 to index
        %get3A_817 = arith.constant 16 : index
        %get3A_818 = tpu.vector_load %arg13[%get3A_816, %get3A_817] {strides = array<i32>} : memref<320x128xf32, #tpu.memory_space<vmem>>, vector<16xf32>,
        %mul3A_819 = arith.mulf %get3A_269, %get3A_818 : vector<16xf32>
        %get3A_820 = arith.index_cast %add3A_811 : i32 to index
        %get3A_821 = arith.constant 32 : index
        %get3A_822 = tpu.vector_load %arg13[%get3A_820, %get3A_821] {strides = array<i32>} : memref<320x128xf32, #tpu.memory_space<vmem>>, vector<16xf32>,
        %mul3A_823 = arith.mulf %get3A_272, %get3A_822 : vector<16xf32>
        %get3A_824 = arith.index_cast %add3A_811 : i32 to index
        %get3A_825 = arith.constant 48 : index
        %get3A_826 = tpu.vector_load %arg13[%get3A_824, %get3A_825] {strides = array<i32>} : memref<320x128xf32, #tpu.memory_space<vmem>>, vector<16xf32>,
        %mul3A_827 = arith.mulf %get3A_275, %get3A_826 : vector<16xf32>
        %get3A_828 = arith.index_cast %add3A_811 : i32 to index
        %get3A_829 = arith.constant 64 : index
        %get3A_830 = tpu.vector_load %arg13[%get3A_828, %get3A_829] {strides = array<i32>} : memref<320x128xf32, #tpu.memory_space<vmem>>, vector<16xf32>,
        %mul3A_831 = arith.mulf %get3A_278, %get3A_830 : vector<16xf32>
        %get3A_832 = arith.index_cast %add3A_811 : i32 to index
        %get3A_833 = arith.constant 80 : index
        %get3A_834 = tpu.vector_load %arg13[%get3A_832, %get3A_833] {strides = array<i32>} : memref<320x128xf32, #tpu.memory_space<vmem>>, vector<16xf32>,
        %mul3A_835 = arith.mulf %get3A_281, %get3A_834 : vector<16xf32>
        %get3A_836 = arith.index_cast %add3A_811 : i32 to index
        %get3A_837 = arith.constant 96 : index
        %get3A_838 = tpu.vector_load %arg13[%get3A_836, %get3A_837] {strides = array<i32>} : memref<320x128xf32, #tpu.memory_space<vmem>>, vector<16xf32>,
        %mul3A_839 = arith.mulf %get3A_284, %get3A_838 : vector<16xf32>
        %get3A_840 = arith.index_cast %add3A_811 : i32 to index
        %get3A_841 = arith.constant 112 : index
        %get3A_842 = tpu.vector_load %arg13[%get3A_840, %get3A_841] {strides = array<i32>} : memref<320x128xf32, #tpu.memory_space<vmem>>, vector<16xf32>,
        %mul3A_843 = arith.mulf %get3A_287, %get3A_842 : vector<16xf32>
        %add3A_844 = arith.addf %mul3A_815, %mul3A_819 : vector<16xf32>
        %add3A_845 = arith.addf %mul3A_823, %mul3A_827 : vector<16xf32>
        %add3A_846 = arith.addf %mul3A_831, %mul3A_835 : vector<16xf32>
        %add3A_847 = arith.addf %mul3A_839, %mul3A_843 : vector<16xf32>
        %add3A_848 = arith.addf %add3A_844, %add3A_845 : vector<16xf32>
        %add3A_849 = arith.addf %add3A_846, %add3A_847 : vector<16xf32>
        %add3A_850 = arith.addf %add3A_848, %add3A_849 : vector<16xf32>
        %reduce_sum3A_851 = arith.constant true
        %reduce_sum3A_852 = vector.broadcast %reduce_sum3A_851 : i1 to vector<16xi1>
        %reduce_sum3A_853 = tpu.scan <sum>, %add3A_850 masked %reduce_sum3A_852 : vector<16xf32>, vector<16xi1> -> vector<16xf32>
        %reduce_sum3A_854 = vector.extract %reduce_sum3A_853[15] : f32 from vector<16xf32>
        %broadcast_in_dim3A_855 = vector.broadcast %reduce_sum3A_854 : f32 to vector<16xf32>
        %eq3A_856 = arith.constant 10 : i32
        %eq3A_857 = vector.broadcast %eq3A_856 : i32 to vector<16xi32>
        %eq3A_858 = arith.cmpi eq, %iota3A, %eq3A_857 : vector<16xi32>
        %select_n3A_859 = arith.select %eq3A_858, %broadcast_in_dim3A_855, %select_n3A_807 : vector<16xi1>, vector<16xf32>
        %mul3A_860 = arith.constant 20 : i32
        %mul3A_861 = arith.muli %scan3A_263, %mul3A_860 : i32
        %add3A_862 = arith.constant 11 : i32
        %add3A_863 = arith.addi %mul3A_861, %add3A_862 : i32
        %get3A_864 = arith.index_cast %add3A_863 : i32 to index
        %get3A_865 = arith.constant 0 : index
        %get3A_866 = tpu.vector_load %arg13[%get3A_864, %get3A_865] {strides = array<i32>} : memref<320x128xf32, #tpu.memory_space<vmem>>, vector<16xf32>,
        %mul3A_867 = arith.mulf %get3A_266, %get3A_866 : vector<16xf32>
        %get3A_868 = arith.index_cast %add3A_863 : i32 to index
        %get3A_869 = arith.constant 16 : index
        %get3A_870 = tpu.vector_load %arg13[%get3A_868, %get3A_869] {strides = array<i32>} : memref<320x128xf32, #tpu.memory_space<vmem>>, vector<16xf32>,
        %mul3A_871 = arith.mulf %get3A_269, %get3A_870 : vector<16xf32>
        %get3A_872 = arith.index_cast %add3A_863 : i32 to index
        %get3A_873 = arith.constant 32 : index
        %get3A_874 = tpu.vector_load %arg13[%get3A_872, %get3A_873] {strides = array<i32>} : memref<320x128xf32, #tpu.memory_space<vmem>>, vector<16xf32>,
        %mul3A_875 = arith.mulf %get3A_272, %get3A_874 : vector<16xf32>
        %get3A_876 = arith.index_cast %add3A_863 : i32 to index
        %get3A_877 = arith.constant 48 : index
        %get3A_878 = tpu.vector_load %arg13[%get3A_876, %get3A_877] {strides = array<i32>} : memref<320x128xf32, #tpu.memory_space<vmem>>, vector<16xf32>,
        %mul3A_879 = arith.mulf %get3A_275, %get3A_878 : vector<16xf32>
        %get3A_880 = arith.index_cast %add3A_863 : i32 to index
        %get3A_881 = arith.constant 64 : index
        %get3A_882 = tpu.vector_load %arg13[%get3A_880, %get3A_881] {strides = array<i32>} : memref<320x128xf32, #tpu.memory_space<vmem>>, vector<16xf32>,
        %mul3A_883 = arith.mulf %get3A_278, %get3A_882 : vector<16xf32>
        %get3A_884 = arith.index_cast %add3A_863 : i32 to index
        %get3A_885 = arith.constant 80 : index
        %get3A_886 = tpu.vector_load %arg13[%get3A_884, %get3A_885] {strides = array<i32>} : memref<320x128xf32, #tpu.memory_space<vmem>>, vector<16xf32>,
        %mul3A_887 = arith.mulf %get3A_281, %get3A_886 : vector<16xf32>
        %get3A_888 = arith.index_cast %add3A_863 : i32 to index
        %get3A_889 = arith.constant 96 : index
        %get3A_890 = tpu.vector_load %arg13[%get3A_888, %get3A_889] {strides = array<i32>} : memref<320x128xf32, #tpu.memory_space<vmem>>, vector<16xf32>,
        %mul3A_891 = arith.mulf %get3A_284, %get3A_890 : vector<16xf32>
        %get3A_892 = arith.index_cast %add3A_863 : i32 to index
        %get3A_893 = arith.constant 112 : index
        %get3A_894 = tpu.vector_load %arg13[%get3A_892, %get3A_893] {strides = array<i32>} : memref<320x128xf32, #tpu.memory_space<vmem>>, vector<16xf32>,
        %mul3A_895 = arith.mulf %get3A_287, %get3A_894 : vector<16xf32>
        %add3A_896 = arith.addf %mul3A_867, %mul3A_871 : vector<16xf32>
        %add3A_897 = arith.addf %mul3A_875, %mul3A_879 : vector<16xf32>
        %add3A_898 = arith.addf %mul3A_883, %mul3A_887 : vector<16xf32>
        %add3A_899 = arith.addf %mul3A_891, %mul3A_895 : vector<16xf32>
        %add3A_900 = arith.addf %add3A_896, %add3A_897 : vector<16xf32>
        %add3A_901 = arith.addf %add3A_898, %add3A_899 : vector<16xf32>
        %add3A_902 = arith.addf %add3A_900, %add3A_901 : vector<16xf32>
        %reduce_sum3A_903 = arith.constant true
        %reduce_sum3A_904 = vector.broadcast %reduce_sum3A_903 : i1 to vector<16xi1>
        %reduce_sum3A_905 = tpu.scan <sum>, %add3A_902 masked %reduce_sum3A_904 : vector<16xf32>, vector<16xi1> -> vector<16xf32>
        %reduce_sum3A_906 = vector.extract %reduce_sum3A_905[15] : f32 from vector<16xf32>
        %broadcast_in_dim3A_907 = vector.broadcast %reduce_sum3A_906 : f32 to vector<16xf32>
        %eq3A_908 = arith.constant 11 : i32
        %eq3A_909 = vector.broadcast %eq3A_908 : i32 to vector<16xi32>
        %eq3A_910 = arith.cmpi eq, %iota3A, %eq3A_909 : vector<16xi32>
        %select_n3A_911 = arith.select %eq3A_910, %broadcast_in_dim3A_907, %select_n3A_859 : vector<16xi1>, vector<16xf32>
        %mul3A_912 = arith.constant 20 : i32
        %mul3A_913 = arith.muli %scan3A_263, %mul3A_912 : i32
        %add3A_914 = arith.constant 12 : i32
        %add3A_915 = arith.addi %mul3A_913, %add3A_914 : i32
        %get3A_916 = arith.index_cast %add3A_915 : i32 to index
        %get3A_917 = arith.constant 0 : index
        %get3A_918 = tpu.vector_load %arg13[%get3A_916, %get3A_917] {strides = array<i32>} : memref<320x128xf32, #tpu.memory_space<vmem>>, vector<16xf32>,
        %mul3A_919 = arith.mulf %get3A_266, %get3A_918 : vector<16xf32>
        %get3A_920 = arith.index_cast %add3A_915 : i32 to index
        %get3A_921 = arith.constant 16 : index
        %get3A_922 = tpu.vector_load %arg13[%get3A_920, %get3A_921] {strides = array<i32>} : memref<320x128xf32, #tpu.memory_space<vmem>>, vector<16xf32>,
        %mul3A_923 = arith.mulf %get3A_269, %get3A_922 : vector<16xf32>
        %get3A_924 = arith.index_cast %add3A_915 : i32 to index
        %get3A_925 = arith.constant 32 : index
        %get3A_926 = tpu.vector_load %arg13[%get3A_924, %get3A_925] {strides = array<i32>} : memref<320x128xf32, #tpu.memory_space<vmem>>, vector<16xf32>,
        %mul3A_927 = arith.mulf %get3A_272, %get3A_926 : vector<16xf32>
        %get3A_928 = arith.index_cast %add3A_915 : i32 to index
        %get3A_929 = arith.constant 48 : index
        %get3A_930 = tpu.vector_load %arg13[%get3A_928, %get3A_929] {strides = array<i32>} : memref<320x128xf32, #tpu.memory_space<vmem>>, vector<16xf32>,
        %mul3A_931 = arith.mulf %get3A_275, %get3A_930 : vector<16xf32>
        %get3A_932 = arith.index_cast %add3A_915 : i32 to index
        %get3A_933 = arith.constant 64 : index
        %get3A_934 = tpu.vector_load %arg13[%get3A_932, %get3A_933] {strides = array<i32>} : memref<320x128xf32, #tpu.memory_space<vmem>>, vector<16xf32>,
        %mul3A_935 = arith.mulf %get3A_278, %get3A_934 : vector<16xf32>
        %get3A_936 = arith.index_cast %add3A_915 : i32 to index
        %get3A_937 = arith.constant 80 : index
        %get3A_938 = tpu.vector_load %arg13[%get3A_936, %get3A_937] {strides = array<i32>} : memref<320x128xf32, #tpu.memory_space<vmem>>, vector<16xf32>,
        %mul3A_939 = arith.mulf %get3A_281, %get3A_938 : vector<16xf32>
        %get3A_940 = arith.index_cast %add3A_915 : i32 to index
        %get3A_941 = arith.constant 96 : index
        %get3A_942 = tpu.vector_load %arg13[%get3A_940, %get3A_941] {strides = array<i32>} : memref<320x128xf32, #tpu.memory_space<vmem>>, vector<16xf32>,
        %mul3A_943 = arith.mulf %get3A_284, %get3A_942 : vector<16xf32>
        %get3A_944 = arith.index_cast %add3A_915 : i32 to index
        %get3A_945 = arith.constant 112 : index
        %get3A_946 = tpu.vector_load %arg13[%get3A_944, %get3A_945] {strides = array<i32>} : memref<320x128xf32, #tpu.memory_space<vmem>>, vector<16xf32>,
        %mul3A_947 = arith.mulf %get3A_287, %get3A_946 : vector<16xf32>
        %add3A_948 = arith.addf %mul3A_919, %mul3A_923 : vector<16xf32>
        %add3A_949 = arith.addf %mul3A_927, %mul3A_931 : vector<16xf32>
        %add3A_950 = arith.addf %mul3A_935, %mul3A_939 : vector<16xf32>
        %add3A_951 = arith.addf %mul3A_943, %mul3A_947 : vector<16xf32>
        %add3A_952 = arith.addf %add3A_948, %add3A_949 : vector<16xf32>
        %add3A_953 = arith.addf %add3A_950, %add3A_951 : vector<16xf32>
        %add3A_954 = arith.addf %add3A_952, %add3A_953 : vector<16xf32>
        %reduce_sum3A_955 = arith.constant true
        %reduce_sum3A_956 = vector.broadcast %reduce_sum3A_955 : i1 to vector<16xi1>
        %reduce_sum3A_957 = tpu.scan <sum>, %add3A_954 masked %reduce_sum3A_956 : vector<16xf32>, vector<16xi1> -> vector<16xf32>
        %reduce_sum3A_958 = vector.extract %reduce_sum3A_957[15] : f32 from vector<16xf32>
        %broadcast_in_dim3A_959 = vector.broadcast %reduce_sum3A_958 : f32 to vector<16xf32>
        %eq3A_960 = arith.constant 12 : i32
        %eq3A_961 = vector.broadcast %eq3A_960 : i32 to vector<16xi32>
        %eq3A_962 = arith.cmpi eq, %iota3A, %eq3A_961 : vector<16xi32>
        %select_n3A_963 = arith.select %eq3A_962, %broadcast_in_dim3A_959, %select_n3A_911 : vector<16xi1>, vector<16xf32>
        %mul3A_964 = arith.constant 20 : i32
        %mul3A_965 = arith.muli %scan3A_263, %mul3A_964 : i32
        %add3A_966 = arith.constant 13 : i32
        %add3A_967 = arith.addi %mul3A_965, %add3A_966 : i32
        %get3A_968 = arith.index_cast %add3A_967 : i32 to index
        %get3A_969 = arith.constant 0 : index
        %get3A_970 = tpu.vector_load %arg13[%get3A_968, %get3A_969] {strides = array<i32>} : memref<320x128xf32, #tpu.memory_space<vmem>>, vector<16xf32>,
        %mul3A_971 = arith.mulf %get3A_266, %get3A_970 : vector<16xf32>
        %get3A_972 = arith.index_cast %add3A_967 : i32 to index
        %get3A_973 = arith.constant 16 : index
        %get3A_974 = tpu.vector_load %arg13[%get3A_972, %get3A_973] {strides = array<i32>} : memref<320x128xf32, #tpu.memory_space<vmem>>, vector<16xf32>,
        %mul3A_975 = arith.mulf %get3A_269, %get3A_974 : vector<16xf32>
        %get3A_976 = arith.index_cast %add3A_967 : i32 to index
        %get3A_977 = arith.constant 32 : index
        %get3A_978 = tpu.vector_load %arg13[%get3A_976, %get3A_977] {strides = array<i32>} : memref<320x128xf32, #tpu.memory_space<vmem>>, vector<16xf32>,
        %mul3A_979 = arith.mulf %get3A_272, %get3A_978 : vector<16xf32>
        %get3A_980 = arith.index_cast %add3A_967 : i32 to index
        %get3A_981 = arith.constant 48 : index
        %get3A_982 = tpu.vector_load %arg13[%get3A_980, %get3A_981] {strides = array<i32>} : memref<320x128xf32, #tpu.memory_space<vmem>>, vector<16xf32>,
        %mul3A_983 = arith.mulf %get3A_275, %get3A_982 : vector<16xf32>
        %get3A_984 = arith.index_cast %add3A_967 : i32 to index
        %get3A_985 = arith.constant 64 : index
        %get3A_986 = tpu.vector_load %arg13[%get3A_984, %get3A_985] {strides = array<i32>} : memref<320x128xf32, #tpu.memory_space<vmem>>, vector<16xf32>,
        %mul3A_987 = arith.mulf %get3A_278, %get3A_986 : vector<16xf32>
        %get3A_988 = arith.index_cast %add3A_967 : i32 to index
        %get3A_989 = arith.constant 80 : index
        %get3A_990 = tpu.vector_load %arg13[%get3A_988, %get3A_989] {strides = array<i32>} : memref<320x128xf32, #tpu.memory_space<vmem>>, vector<16xf32>,
        %mul3A_991 = arith.mulf %get3A_281, %get3A_990 : vector<16xf32>
        %get3A_992 = arith.index_cast %add3A_967 : i32 to index
        %get3A_993 = arith.constant 96 : index
        %get3A_994 = tpu.vector_load %arg13[%get3A_992, %get3A_993] {strides = array<i32>} : memref<320x128xf32, #tpu.memory_space<vmem>>, vector<16xf32>,
        %mul3A_995 = arith.mulf %get3A_284, %get3A_994 : vector<16xf32>
        %get3A_996 = arith.index_cast %add3A_967 : i32 to index
        %get3A_997 = arith.constant 112 : index
        %get3A_998 = tpu.vector_load %arg13[%get3A_996, %get3A_997] {strides = array<i32>} : memref<320x128xf32, #tpu.memory_space<vmem>>, vector<16xf32>,
        %mul3A_999 = arith.mulf %get3A_287, %get3A_998 : vector<16xf32>
        %add3A_1000 = arith.addf %mul3A_971, %mul3A_975 : vector<16xf32>
        %add3A_1001 = arith.addf %mul3A_979, %mul3A_983 : vector<16xf32>
        %add3A_1002 = arith.addf %mul3A_987, %mul3A_991 : vector<16xf32>
        %add3A_1003 = arith.addf %mul3A_995, %mul3A_999 : vector<16xf32>
        %add3A_1004 = arith.addf %add3A_1000, %add3A_1001 : vector<16xf32>
        %add3A_1005 = arith.addf %add3A_1002, %add3A_1003 : vector<16xf32>
        %add3A_1006 = arith.addf %add3A_1004, %add3A_1005 : vector<16xf32>
        %reduce_sum3A_1007 = arith.constant true
        %reduce_sum3A_1008 = vector.broadcast %reduce_sum3A_1007 : i1 to vector<16xi1>
        %reduce_sum3A_1009 = tpu.scan <sum>, %add3A_1006 masked %reduce_sum3A_1008 : vector<16xf32>, vector<16xi1> -> vector<16xf32>
        %reduce_sum3A_1010 = vector.extract %reduce_sum3A_1009[15] : f32 from vector<16xf32>
        %broadcast_in_dim3A_1011 = vector.broadcast %reduce_sum3A_1010 : f32 to vector<16xf32>
        %eq3A_1012 = arith.constant 13 : i32
        %eq3A_1013 = vector.broadcast %eq3A_1012 : i32 to vector<16xi32>
        %eq3A_1014 = arith.cmpi eq, %iota3A, %eq3A_1013 : vector<16xi32>
        %select_n3A_1015 = arith.select %eq3A_1014, %broadcast_in_dim3A_1011, %select_n3A_963 : vector<16xi1>, vector<16xf32>
        %mul3A_1016 = arith.constant 20 : i32
        %mul3A_1017 = arith.muli %scan3A_263, %mul3A_1016 : i32
        %add3A_1018 = arith.constant 14 : i32
        %add3A_1019 = arith.addi %mul3A_1017, %add3A_1018 : i32
        %get3A_1020 = arith.index_cast %add3A_1019 : i32 to index
        %get3A_1021 = arith.constant 0 : index
        %get3A_1022 = tpu.vector_load %arg13[%get3A_1020, %get3A_1021] {strides = array<i32>} : memref<320x128xf32, #tpu.memory_space<vmem>>, vector<16xf32>,
        %mul3A_1023 = arith.mulf %get3A_266, %get3A_1022 : vector<16xf32>
        %get3A_1024 = arith.index_cast %add3A_1019 : i32 to index
        %get3A_1025 = arith.constant 16 : index
        %get3A_1026 = tpu.vector_load %arg13[%get3A_1024, %get3A_1025] {strides = array<i32>} : memref<320x128xf32, #tpu.memory_space<vmem>>, vector<16xf32>,
        %mul3A_1027 = arith.mulf %get3A_269, %get3A_1026 : vector<16xf32>
        %get3A_1028 = arith.index_cast %add3A_1019 : i32 to index
        %get3A_1029 = arith.constant 32 : index
        %get3A_1030 = tpu.vector_load %arg13[%get3A_1028, %get3A_1029] {strides = array<i32>} : memref<320x128xf32, #tpu.memory_space<vmem>>, vector<16xf32>,
        %mul3A_1031 = arith.mulf %get3A_272, %get3A_1030 : vector<16xf32>
        %get3A_1032 = arith.index_cast %add3A_1019 : i32 to index
        %get3A_1033 = arith.constant 48 : index
        %get3A_1034 = tpu.vector_load %arg13[%get3A_1032, %get3A_1033] {strides = array<i32>} : memref<320x128xf32, #tpu.memory_space<vmem>>, vector<16xf32>,
        %mul3A_1035 = arith.mulf %get3A_275, %get3A_1034 : vector<16xf32>
        %get3A_1036 = arith.index_cast %add3A_1019 : i32 to index
        %get3A_1037 = arith.constant 64 : index
        %get3A_1038 = tpu.vector_load %arg13[%get3A_1036, %get3A_1037] {strides = array<i32>} : memref<320x128xf32, #tpu.memory_space<vmem>>, vector<16xf32>,
        %mul3A_1039 = arith.mulf %get3A_278, %get3A_1038 : vector<16xf32>
        %get3A_1040 = arith.index_cast %add3A_1019 : i32 to index
        %get3A_1041 = arith.constant 80 : index
        %get3A_1042 = tpu.vector_load %arg13[%get3A_1040, %get3A_1041] {strides = array<i32>} : memref<320x128xf32, #tpu.memory_space<vmem>>, vector<16xf32>,
        %mul3A_1043 = arith.mulf %get3A_281, %get3A_1042 : vector<16xf32>
        %get3A_1044 = arith.index_cast %add3A_1019 : i32 to index
        %get3A_1045 = arith.constant 96 : index
        %get3A_1046 = tpu.vector_load %arg13[%get3A_1044, %get3A_1045] {strides = array<i32>} : memref<320x128xf32, #tpu.memory_space<vmem>>, vector<16xf32>,
        %mul3A_1047 = arith.mulf %get3A_284, %get3A_1046 : vector<16xf32>
        %get3A_1048 = arith.index_cast %add3A_1019 : i32 to index
        %get3A_1049 = arith.constant 112 : index
        %get3A_1050 = tpu.vector_load %arg13[%get3A_1048, %get3A_1049] {strides = array<i32>} : memref<320x128xf32, #tpu.memory_space<vmem>>, vector<16xf32>,
        %mul3A_1051 = arith.mulf %get3A_287, %get3A_1050 : vector<16xf32>
        %add3A_1052 = arith.addf %mul3A_1023, %mul3A_1027 : vector<16xf32>
        %add3A_1053 = arith.addf %mul3A_1031, %mul3A_1035 : vector<16xf32>
        %add3A_1054 = arith.addf %mul3A_1039, %mul3A_1043 : vector<16xf32>
        %add3A_1055 = arith.addf %mul3A_1047, %mul3A_1051 : vector<16xf32>
        %add3A_1056 = arith.addf %add3A_1052, %add3A_1053 : vector<16xf32>
        %add3A_1057 = arith.addf %add3A_1054, %add3A_1055 : vector<16xf32>
        %add3A_1058 = arith.addf %add3A_1056, %add3A_1057 : vector<16xf32>
        %reduce_sum3A_1059 = arith.constant true
        %reduce_sum3A_1060 = vector.broadcast %reduce_sum3A_1059 : i1 to vector<16xi1>
        %reduce_sum3A_1061 = tpu.scan <sum>, %add3A_1058 masked %reduce_sum3A_1060 : vector<16xf32>, vector<16xi1> -> vector<16xf32>
        %reduce_sum3A_1062 = vector.extract %reduce_sum3A_1061[15] : f32 from vector<16xf32>
        %broadcast_in_dim3A_1063 = vector.broadcast %reduce_sum3A_1062 : f32 to vector<16xf32>
        %eq3A_1064 = arith.constant 14 : i32
        %eq3A_1065 = vector.broadcast %eq3A_1064 : i32 to vector<16xi32>
        %eq3A_1066 = arith.cmpi eq, %iota3A, %eq3A_1065 : vector<16xi32>
        %select_n3A_1067 = arith.select %eq3A_1066, %broadcast_in_dim3A_1063, %select_n3A_1015 : vector<16xi1>, vector<16xf32>
        %mul3A_1068 = arith.constant 20 : i32
        %mul3A_1069 = arith.muli %scan3A_263, %mul3A_1068 : i32
        %add3A_1070 = arith.constant 15 : i32
        %add3A_1071 = arith.addi %mul3A_1069, %add3A_1070 : i32
        %get3A_1072 = arith.index_cast %add3A_1071 : i32 to index
        %get3A_1073 = arith.constant 0 : index
        %get3A_1074 = tpu.vector_load %arg13[%get3A_1072, %get3A_1073] {strides = array<i32>} : memref<320x128xf32, #tpu.memory_space<vmem>>, vector<16xf32>,
        %mul3A_1075 = arith.mulf %get3A_266, %get3A_1074 : vector<16xf32>
        %get3A_1076 = arith.index_cast %add3A_1071 : i32 to index
        %get3A_1077 = arith.constant 16 : index
        %get3A_1078 = tpu.vector_load %arg13[%get3A_1076, %get3A_1077] {strides = array<i32>} : memref<320x128xf32, #tpu.memory_space<vmem>>, vector<16xf32>,
        %mul3A_1079 = arith.mulf %get3A_269, %get3A_1078 : vector<16xf32>
        %get3A_1080 = arith.index_cast %add3A_1071 : i32 to index
        %get3A_1081 = arith.constant 32 : index
        %get3A_1082 = tpu.vector_load %arg13[%get3A_1080, %get3A_1081] {strides = array<i32>} : memref<320x128xf32, #tpu.memory_space<vmem>>, vector<16xf32>,
        %mul3A_1083 = arith.mulf %get3A_272, %get3A_1082 : vector<16xf32>
        %get3A_1084 = arith.index_cast %add3A_1071 : i32 to index
        %get3A_1085 = arith.constant 48 : index
        %get3A_1086 = tpu.vector_load %arg13[%get3A_1084, %get3A_1085] {strides = array<i32>} : memref<320x128xf32, #tpu.memory_space<vmem>>, vector<16xf32>,
        %mul3A_1087 = arith.mulf %get3A_275, %get3A_1086 : vector<16xf32>
        %get3A_1088 = arith.index_cast %add3A_1071 : i32 to index
        %get3A_1089 = arith.constant 64 : index
        %get3A_1090 = tpu.vector_load %arg13[%get3A_1088, %get3A_1089] {strides = array<i32>} : memref<320x128xf32, #tpu.memory_space<vmem>>, vector<16xf32>,
        %mul3A_1091 = arith.mulf %get3A_278, %get3A_1090 : vector<16xf32>
        %get3A_1092 = arith.index_cast %add3A_1071 : i32 to index
        %get3A_1093 = arith.constant 80 : index
        %get3A_1094 = tpu.vector_load %arg13[%get3A_1092, %get3A_1093] {strides = array<i32>} : memref<320x128xf32, #tpu.memory_space<vmem>>, vector<16xf32>,
        %mul3A_1095 = arith.mulf %get3A_281, %get3A_1094 : vector<16xf32>
        %get3A_1096 = arith.index_cast %add3A_1071 : i32 to index
        %get3A_1097 = arith.constant 96 : index
        %get3A_1098 = tpu.vector_load %arg13[%get3A_1096, %get3A_1097] {strides = array<i32>} : memref<320x128xf32, #tpu.memory_space<vmem>>, vector<16xf32>,
        %mul3A_1099 = arith.mulf %get3A_284, %get3A_1098 : vector<16xf32>
        %get3A_1100 = arith.index_cast %add3A_1071 : i32 to index
        %get3A_1101 = arith.constant 112 : index
        %get3A_1102 = tpu.vector_load %arg13[%get3A_1100, %get3A_1101] {strides = array<i32>} : memref<320x128xf32, #tpu.memory_space<vmem>>, vector<16xf32>,
        %mul3A_1103 = arith.mulf %get3A_287, %get3A_1102 : vector<16xf32>
        %add3A_1104 = arith.addf %mul3A_1075, %mul3A_1079 : vector<16xf32>
        %add3A_1105 = arith.addf %mul3A_1083, %mul3A_1087 : vector<16xf32>
        %add3A_1106 = arith.addf %mul3A_1091, %mul3A_1095 : vector<16xf32>
        %add3A_1107 = arith.addf %mul3A_1099, %mul3A_1103 : vector<16xf32>
        %add3A_1108 = arith.addf %add3A_1104, %add3A_1105 : vector<16xf32>
        %add3A_1109 = arith.addf %add3A_1106, %add3A_1107 : vector<16xf32>
        %add3A_1110 = arith.addf %add3A_1108, %add3A_1109 : vector<16xf32>
        %reduce_sum3A_1111 = arith.constant true
        %reduce_sum3A_1112 = vector.broadcast %reduce_sum3A_1111 : i1 to vector<16xi1>
        %reduce_sum3A_1113 = tpu.scan <sum>, %add3A_1110 masked %reduce_sum3A_1112 : vector<16xf32>, vector<16xi1> -> vector<16xf32>
        %reduce_sum3A_1114 = vector.extract %reduce_sum3A_1113[15] : f32 from vector<16xf32>
        %broadcast_in_dim3A_1115 = vector.broadcast %reduce_sum3A_1114 : f32 to vector<16xf32>
        %eq3A_1116 = arith.constant 15 : i32
        %eq3A_1117 = vector.broadcast %eq3A_1116 : i32 to vector<16xi32>
        %eq3A_1118 = arith.cmpi eq, %iota3A, %eq3A_1117 : vector<16xi32>
        %select_n3A_1119 = arith.select %eq3A_1118, %broadcast_in_dim3A_1115, %select_n3A_1067 : vector<16xi1>, vector<16xf32>
        %mul3A_1120 = arith.constant 20 : i32
        %mul3A_1121 = arith.muli %scan3A_263, %mul3A_1120 : i32
        %add3A_1122 = arith.constant 16 : i32
        %add3A_1123 = arith.addi %mul3A_1121, %add3A_1122 : i32
        %get3A_1124 = arith.index_cast %add3A_1123 : i32 to index
        %get3A_1125 = arith.constant 0 : index
        %get3A_1126 = tpu.vector_load %arg13[%get3A_1124, %get3A_1125] {strides = array<i32>} : memref<320x128xf32, #tpu.memory_space<vmem>>, vector<16xf32>,
        %mul3A_1127 = arith.mulf %get3A_266, %get3A_1126 : vector<16xf32>
        %get3A_1128 = arith.index_cast %add3A_1123 : i32 to index
        %get3A_1129 = arith.constant 16 : index
        %get3A_1130 = tpu.vector_load %arg13[%get3A_1128, %get3A_1129] {strides = array<i32>} : memref<320x128xf32, #tpu.memory_space<vmem>>, vector<16xf32>,
        %mul3A_1131 = arith.mulf %get3A_269, %get3A_1130 : vector<16xf32>
        %get3A_1132 = arith.index_cast %add3A_1123 : i32 to index
        %get3A_1133 = arith.constant 32 : index
        %get3A_1134 = tpu.vector_load %arg13[%get3A_1132, %get3A_1133] {strides = array<i32>} : memref<320x128xf32, #tpu.memory_space<vmem>>, vector<16xf32>,
        %mul3A_1135 = arith.mulf %get3A_272, %get3A_1134 : vector<16xf32>
        %get3A_1136 = arith.index_cast %add3A_1123 : i32 to index
        %get3A_1137 = arith.constant 48 : index
        %get3A_1138 = tpu.vector_load %arg13[%get3A_1136, %get3A_1137] {strides = array<i32>} : memref<320x128xf32, #tpu.memory_space<vmem>>, vector<16xf32>,
        %mul3A_1139 = arith.mulf %get3A_275, %get3A_1138 : vector<16xf32>
        %get3A_1140 = arith.index_cast %add3A_1123 : i32 to index
        %get3A_1141 = arith.constant 64 : index
        %get3A_1142 = tpu.vector_load %arg13[%get3A_1140, %get3A_1141] {strides = array<i32>} : memref<320x128xf32, #tpu.memory_space<vmem>>, vector<16xf32>,
        %mul3A_1143 = arith.mulf %get3A_278, %get3A_1142 : vector<16xf32>
        %get3A_1144 = arith.index_cast %add3A_1123 : i32 to index
        %get3A_1145 = arith.constant 80 : index
        %get3A_1146 = tpu.vector_load %arg13[%get3A_1144, %get3A_1145] {strides = array<i32>} : memref<320x128xf32, #tpu.memory_space<vmem>>, vector<16xf32>,
        %mul3A_1147 = arith.mulf %get3A_281, %get3A_1146 : vector<16xf32>
        %get3A_1148 = arith.index_cast %add3A_1123 : i32 to index
        %get3A_1149 = arith.constant 96 : index
        %get3A_1150 = tpu.vector_load %arg13[%get3A_1148, %get3A_1149] {strides = array<i32>} : memref<320x128xf32, #tpu.memory_space<vmem>>, vector<16xf32>,
        %mul3A_1151 = arith.mulf %get3A_284, %get3A_1150 : vector<16xf32>
        %get3A_1152 = arith.index_cast %add3A_1123 : i32 to index
        %get3A_1153 = arith.constant 112 : index
        %get3A_1154 = tpu.vector_load %arg13[%get3A_1152, %get3A_1153] {strides = array<i32>} : memref<320x128xf32, #tpu.memory_space<vmem>>, vector<16xf32>,
        %mul3A_1155 = arith.mulf %get3A_287, %get3A_1154 : vector<16xf32>
        %add3A_1156 = arith.addf %mul3A_1127, %mul3A_1131 : vector<16xf32>
        %add3A_1157 = arith.addf %mul3A_1135, %mul3A_1139 : vector<16xf32>
        %add3A_1158 = arith.addf %mul3A_1143, %mul3A_1147 : vector<16xf32>
        %add3A_1159 = arith.addf %mul3A_1151, %mul3A_1155 : vector<16xf32>
        %add3A_1160 = arith.addf %add3A_1156, %add3A_1157 : vector<16xf32>
        %add3A_1161 = arith.addf %add3A_1158, %add3A_1159 : vector<16xf32>
        %add3A_1162 = arith.addf %add3A_1160, %add3A_1161 : vector<16xf32>
        %reduce_sum3A_1163 = arith.constant true
        %reduce_sum3A_1164 = vector.broadcast %reduce_sum3A_1163 : i1 to vector<16xi1>
        %reduce_sum3A_1165 = tpu.scan <sum>, %add3A_1162 masked %reduce_sum3A_1164 : vector<16xf32>, vector<16xi1> -> vector<16xf32>
        %reduce_sum3A_1166 = vector.extract %reduce_sum3A_1165[15] : f32 from vector<16xf32>
        %broadcast_in_dim3A_1167 = vector.broadcast %reduce_sum3A_1166 : f32 to vector<16xf32>
        %eq3A_1168 = arith.constant 0 : i32
        %eq3A_1169 = vector.broadcast %eq3A_1168 : i32 to vector<16xi32>
        %eq3A_1170 = arith.cmpi eq, %iota3A, %eq3A_1169 : vector<16xi32>
        %select_n3A_1171 = arith.select %eq3A_1170, %broadcast_in_dim3A_1167, %broadcast_in_dim3A_290 : vector<16xi1>, vector<16xf32>
        %mul3A_1172 = arith.constant 20 : i32
        %mul3A_1173 = arith.muli %scan3A_263, %mul3A_1172 : i32
        %add3A_1174 = arith.constant 17 : i32
        %add3A_1175 = arith.addi %mul3A_1173, %add3A_1174 : i32
        %get3A_1176 = arith.index_cast %add3A_1175 : i32 to index
        %get3A_1177 = arith.constant 0 : index
        %get3A_1178 = tpu.vector_load %arg13[%get3A_1176, %get3A_1177] {strides = array<i32>} : memref<320x128xf32, #tpu.memory_space<vmem>>, vector<16xf32>,
        %mul3A_1179 = arith.mulf %get3A_266, %get3A_1178 : vector<16xf32>
        %get3A_1180 = arith.index_cast %add3A_1175 : i32 to index
        %get3A_1181 = arith.constant 16 : index
        %get3A_1182 = tpu.vector_load %arg13[%get3A_1180, %get3A_1181] {strides = array<i32>} : memref<320x128xf32, #tpu.memory_space<vmem>>, vector<16xf32>,
        %mul3A_1183 = arith.mulf %get3A_269, %get3A_1182 : vector<16xf32>
        %get3A_1184 = arith.index_cast %add3A_1175 : i32 to index
        %get3A_1185 = arith.constant 32 : index
        %get3A_1186 = tpu.vector_load %arg13[%get3A_1184, %get3A_1185] {strides = array<i32>} : memref<320x128xf32, #tpu.memory_space<vmem>>, vector<16xf32>,
        %mul3A_1187 = arith.mulf %get3A_272, %get3A_1186 : vector<16xf32>
        %get3A_1188 = arith.index_cast %add3A_1175 : i32 to index
        %get3A_1189 = arith.constant 48 : index
        %get3A_1190 = tpu.vector_load %arg13[%get3A_1188, %get3A_1189] {strides = array<i32>} : memref<320x128xf32, #tpu.memory_space<vmem>>, vector<16xf32>,
        %mul3A_1191 = arith.mulf %get3A_275, %get3A_1190 : vector<16xf32>
        %get3A_1192 = arith.index_cast %add3A_1175 : i32 to index
        %get3A_1193 = arith.constant 64 : index
        %get3A_1194 = tpu.vector_load %arg13[%get3A_1192, %get3A_1193] {strides = array<i32>} : memref<320x128xf32, #tpu.memory_space<vmem>>, vector<16xf32>,
        %mul3A_1195 = arith.mulf %get3A_278, %get3A_1194 : vector<16xf32>
        %get3A_1196 = arith.index_cast %add3A_1175 : i32 to index
        %get3A_1197 = arith.constant 80 : index
        %get3A_1198 = tpu.vector_load %arg13[%get3A_1196, %get3A_1197] {strides = array<i32>} : memref<320x128xf32, #tpu.memory_space<vmem>>, vector<16xf32>,
        %mul3A_1199 = arith.mulf %get3A_281, %get3A_1198 : vector<16xf32>
        %get3A_1200 = arith.index_cast %add3A_1175 : i32 to index
        %get3A_1201 = arith.constant 96 : index
        %get3A_1202 = tpu.vector_load %arg13[%get3A_1200, %get3A_1201] {strides = array<i32>} : memref<320x128xf32, #tpu.memory_space<vmem>>, vector<16xf32>,
        %mul3A_1203 = arith.mulf %get3A_284, %get3A_1202 : vector<16xf32>
        %get3A_1204 = arith.index_cast %add3A_1175 : i32 to index
        %get3A_1205 = arith.constant 112 : index
        %get3A_1206 = tpu.vector_load %arg13[%get3A_1204, %get3A_1205] {strides = array<i32>} : memref<320x128xf32, #tpu.memory_space<vmem>>, vector<16xf32>,
        %mul3A_1207 = arith.mulf %get3A_287, %get3A_1206 : vector<16xf32>
        %add3A_1208 = arith.addf %mul3A_1179, %mul3A_1183 : vector<16xf32>
        %add3A_1209 = arith.addf %mul3A_1187, %mul3A_1191 : vector<16xf32>
        %add3A_1210 = arith.addf %mul3A_1195, %mul3A_1199 : vector<16xf32>
        %add3A_1211 = arith.addf %mul3A_1203, %mul3A_1207 : vector<16xf32>
        %add3A_1212 = arith.addf %add3A_1208, %add3A_1209 : vector<16xf32>
        %add3A_1213 = arith.addf %add3A_1210, %add3A_1211 : vector<16xf32>
        %add3A_1214 = arith.addf %add3A_1212, %add3A_1213 : vector<16xf32>
        %reduce_sum3A_1215 = arith.constant true
        %reduce_sum3A_1216 = vector.broadcast %reduce_sum3A_1215 : i1 to vector<16xi1>
        %reduce_sum3A_1217 = tpu.scan <sum>, %add3A_1214 masked %reduce_sum3A_1216 : vector<16xf32>, vector<16xi1> -> vector<16xf32>
        %reduce_sum3A_1218 = vector.extract %reduce_sum3A_1217[15] : f32 from vector<16xf32>
        %broadcast_in_dim3A_1219 = vector.broadcast %reduce_sum3A_1218 : f32 to vector<16xf32>
        %eq3A_1220 = arith.constant 1 : i32
        %eq3A_1221 = vector.broadcast %eq3A_1220 : i32 to vector<16xi32>
        %eq3A_1222 = arith.cmpi eq, %iota3A, %eq3A_1221 : vector<16xi32>
        %select_n3A_1223 = arith.select %eq3A_1222, %broadcast_in_dim3A_1219, %select_n3A_1171 : vector<16xi1>, vector<16xf32>
        %mul3A_1224 = arith.constant 20 : i32
        %mul3A_1225 = arith.muli %scan3A_263, %mul3A_1224 : i32
        %add3A_1226 = arith.constant 18 : i32
        %add3A_1227 = arith.addi %mul3A_1225, %add3A_1226 : i32
        %get3A_1228 = arith.index_cast %add3A_1227 : i32 to index
        %get3A_1229 = arith.constant 0 : index
        %get3A_1230 = tpu.vector_load %arg13[%get3A_1228, %get3A_1229] {strides = array<i32>} : memref<320x128xf32, #tpu.memory_space<vmem>>, vector<16xf32>,
        %mul3A_1231 = arith.mulf %get3A_266, %get3A_1230 : vector<16xf32>
        %get3A_1232 = arith.index_cast %add3A_1227 : i32 to index
        %get3A_1233 = arith.constant 16 : index
        %get3A_1234 = tpu.vector_load %arg13[%get3A_1232, %get3A_1233] {strides = array<i32>} : memref<320x128xf32, #tpu.memory_space<vmem>>, vector<16xf32>,
        %mul3A_1235 = arith.mulf %get3A_269, %get3A_1234 : vector<16xf32>
        %get3A_1236 = arith.index_cast %add3A_1227 : i32 to index
        %get3A_1237 = arith.constant 32 : index
        %get3A_1238 = tpu.vector_load %arg13[%get3A_1236, %get3A_1237] {strides = array<i32>} : memref<320x128xf32, #tpu.memory_space<vmem>>, vector<16xf32>,
        %mul3A_1239 = arith.mulf %get3A_272, %get3A_1238 : vector<16xf32>
        %get3A_1240 = arith.index_cast %add3A_1227 : i32 to index
        %get3A_1241 = arith.constant 48 : index
        %get3A_1242 = tpu.vector_load %arg13[%get3A_1240, %get3A_1241] {strides = array<i32>} : memref<320x128xf32, #tpu.memory_space<vmem>>, vector<16xf32>,
        %mul3A_1243 = arith.mulf %get3A_275, %get3A_1242 : vector<16xf32>
        %get3A_1244 = arith.index_cast %add3A_1227 : i32 to index
        %get3A_1245 = arith.constant 64 : index
        %get3A_1246 = tpu.vector_load %arg13[%get3A_1244, %get3A_1245] {strides = array<i32>} : memref<320x128xf32, #tpu.memory_space<vmem>>, vector<16xf32>,
        %mul3A_1247 = arith.mulf %get3A_278, %get3A_1246 : vector<16xf32>
        %get3A_1248 = arith.index_cast %add3A_1227 : i32 to index
        %get3A_1249 = arith.constant 80 : index
        %get3A_1250 = tpu.vector_load %arg13[%get3A_1248, %get3A_1249] {strides = array<i32>} : memref<320x128xf32, #tpu.memory_space<vmem>>, vector<16xf32>,
        %mul3A_1251 = arith.mulf %get3A_281, %get3A_1250 : vector<16xf32>
        %get3A_1252 = arith.index_cast %add3A_1227 : i32 to index
        %get3A_1253 = arith.constant 96 : index
        %get3A_1254 = tpu.vector_load %arg13[%get3A_1252, %get3A_1253] {strides = array<i32>} : memref<320x128xf32, #tpu.memory_space<vmem>>, vector<16xf32>,
        %mul3A_1255 = arith.mulf %get3A_284, %get3A_1254 : vector<16xf32>
        %get3A_1256 = arith.index_cast %add3A_1227 : i32 to index
        %get3A_1257 = arith.constant 112 : index
        %get3A_1258 = tpu.vector_load %arg13[%get3A_1256, %get3A_1257] {strides = array<i32>} : memref<320x128xf32, #tpu.memory_space<vmem>>, vector<16xf32>,
        %mul3A_1259 = arith.mulf %get3A_287, %get3A_1258 : vector<16xf32>
        %add3A_1260 = arith.addf %mul3A_1231, %mul3A_1235 : vector<16xf32>
        %add3A_1261 = arith.addf %mul3A_1239, %mul3A_1243 : vector<16xf32>
        %add3A_1262 = arith.addf %mul3A_1247, %mul3A_1251 : vector<16xf32>
        %add3A_1263 = arith.addf %mul3A_1255, %mul3A_1259 : vector<16xf32>
        %add3A_1264 = arith.addf %add3A_1260, %add3A_1261 : vector<16xf32>
        %add3A_1265 = arith.addf %add3A_1262, %add3A_1263 : vector<16xf32>
        %add3A_1266 = arith.addf %add3A_1264, %add3A_1265 : vector<16xf32>
        %reduce_sum3A_1267 = arith.constant true
        %reduce_sum3A_1268 = vector.broadcast %reduce_sum3A_1267 : i1 to vector<16xi1>
        %reduce_sum3A_1269 = tpu.scan <sum>, %add3A_1266 masked %reduce_sum3A_1268 : vector<16xf32>, vector<16xi1> -> vector<16xf32>
        %reduce_sum3A_1270 = vector.extract %reduce_sum3A_1269[15] : f32 from vector<16xf32>
        %broadcast_in_dim3A_1271 = vector.broadcast %reduce_sum3A_1270 : f32 to vector<16xf32>
        %eq3A_1272 = arith.constant 2 : i32
        %eq3A_1273 = vector.broadcast %eq3A_1272 : i32 to vector<16xi32>
        %eq3A_1274 = arith.cmpi eq, %iota3A, %eq3A_1273 : vector<16xi32>
        %select_n3A_1275 = arith.select %eq3A_1274, %broadcast_in_dim3A_1271, %select_n3A_1223 : vector<16xi1>, vector<16xf32>
        %mul3A_1276 = arith.constant 20 : i32
        %mul3A_1277 = arith.muli %scan3A_263, %mul3A_1276 : i32
        %add3A_1278 = arith.constant 19 : i32
        %add3A_1279 = arith.addi %mul3A_1277, %add3A_1278 : i32
        %get3A_1280 = arith.index_cast %add3A_1279 : i32 to index
        %get3A_1281 = arith.constant 0 : index
        %get3A_1282 = tpu.vector_load %arg13[%get3A_1280, %get3A_1281] {strides = array<i32>} : memref<320x128xf32, #tpu.memory_space<vmem>>, vector<16xf32>,
        %mul3A_1283 = arith.mulf %get3A_266, %get3A_1282 : vector<16xf32>
        %get3A_1284 = arith.index_cast %add3A_1279 : i32 to index
        %get3A_1285 = arith.constant 16 : index
        %get3A_1286 = tpu.vector_load %arg13[%get3A_1284, %get3A_1285] {strides = array<i32>} : memref<320x128xf32, #tpu.memory_space<vmem>>, vector<16xf32>,
        %mul3A_1287 = arith.mulf %get3A_269, %get3A_1286 : vector<16xf32>
        %get3A_1288 = arith.index_cast %add3A_1279 : i32 to index
        %get3A_1289 = arith.constant 32 : index
        %get3A_1290 = tpu.vector_load %arg13[%get3A_1288, %get3A_1289] {strides = array<i32>} : memref<320x128xf32, #tpu.memory_space<vmem>>, vector<16xf32>,
        %mul3A_1291 = arith.mulf %get3A_272, %get3A_1290 : vector<16xf32>
        %get3A_1292 = arith.index_cast %add3A_1279 : i32 to index
        %get3A_1293 = arith.constant 48 : index
        %get3A_1294 = tpu.vector_load %arg13[%get3A_1292, %get3A_1293] {strides = array<i32>} : memref<320x128xf32, #tpu.memory_space<vmem>>, vector<16xf32>,
        %mul3A_1295 = arith.mulf %get3A_275, %get3A_1294 : vector<16xf32>
        %get3A_1296 = arith.index_cast %add3A_1279 : i32 to index
        %get3A_1297 = arith.constant 64 : index
        %get3A_1298 = tpu.vector_load %arg13[%get3A_1296, %get3A_1297] {strides = array<i32>} : memref<320x128xf32, #tpu.memory_space<vmem>>, vector<16xf32>,
        %mul3A_1299 = arith.mulf %get3A_278, %get3A_1298 : vector<16xf32>
        %get3A_1300 = arith.index_cast %add3A_1279 : i32 to index
        %get3A_1301 = arith.constant 80 : index
        %get3A_1302 = tpu.vector_load %arg13[%get3A_1300, %get3A_1301] {strides = array<i32>} : memref<320x128xf32, #tpu.memory_space<vmem>>, vector<16xf32>,
        %mul3A_1303 = arith.mulf %get3A_281, %get3A_1302 : vector<16xf32>
        %get3A_1304 = arith.index_cast %add3A_1279 : i32 to index
        %get3A_1305 = arith.constant 96 : index
        %get3A_1306 = tpu.vector_load %arg13[%get3A_1304, %get3A_1305] {strides = array<i32>} : memref<320x128xf32, #tpu.memory_space<vmem>>, vector<16xf32>,
        %mul3A_1307 = arith.mulf %get3A_284, %get3A_1306 : vector<16xf32>
        %get3A_1308 = arith.index_cast %add3A_1279 : i32 to index
        %get3A_1309 = arith.constant 112 : index
        %get3A_1310 = tpu.vector_load %arg13[%get3A_1308, %get3A_1309] {strides = array<i32>} : memref<320x128xf32, #tpu.memory_space<vmem>>, vector<16xf32>,
        %mul3A_1311 = arith.mulf %get3A_287, %get3A_1310 : vector<16xf32>
        %add3A_1312 = arith.addf %mul3A_1283, %mul3A_1287 : vector<16xf32>
        %add3A_1313 = arith.addf %mul3A_1291, %mul3A_1295 : vector<16xf32>
        %add3A_1314 = arith.addf %mul3A_1299, %mul3A_1303 : vector<16xf32>
        %add3A_1315 = arith.addf %mul3A_1307, %mul3A_1311 : vector<16xf32>
        %add3A_1316 = arith.addf %add3A_1312, %add3A_1313 : vector<16xf32>
        %add3A_1317 = arith.addf %add3A_1314, %add3A_1315 : vector<16xf32>
        %add3A_1318 = arith.addf %add3A_1316, %add3A_1317 : vector<16xf32>
        %reduce_sum3A_1319 = arith.constant true
        %reduce_sum3A_1320 = vector.broadcast %reduce_sum3A_1319 : i1 to vector<16xi1>
        %reduce_sum3A_1321 = tpu.scan <sum>, %add3A_1318 masked %reduce_sum3A_1320 : vector<16xf32>, vector<16xi1> -> vector<16xf32>
        %reduce_sum3A_1322 = vector.extract %reduce_sum3A_1321[15] : f32 from vector<16xf32>
        %broadcast_in_dim3A_1323 = vector.broadcast %reduce_sum3A_1322 : f32 to vector<16xf32>
        %eq3A_1324 = arith.constant 3 : i32
        %eq3A_1325 = vector.broadcast %eq3A_1324 : i32 to vector<16xi32>
        %eq3A_1326 = arith.cmpi eq, %iota3A, %eq3A_1325 : vector<16xi32>
        %select_n3A_1327 = arith.select %eq3A_1326, %broadcast_in_dim3A_1323, %select_n3A_1275 : vector<16xi1>, vector<16xf32>
        %mul3A_1328 = arith.constant 16 : i32
        %mul3A_1329 = arith.muli %add3A_254, %mul3A_1328 : i32
        %add3A_1330 = arith.addi %mul3A_1329, %scan3A_263 : i32
        %mul3A_1331 = arith.constant 32 : i32
        %mul3A_1332 = arith.muli %add3A_1330, %mul3A_1331 : i32
        %swap3A = arith.index_cast %mul3A_1332 : i32 to index
        %swap3A_1333 = tpu.vector_load %arg9[%swap3A] {strides = array<i32>} : memref<16384xf32, #tpu.memory_space<vmem>>, vector<16xf32>,
        tpu.vector_store %arg9[%swap3A], %select_n3A_1119 {strides = array<i32>} : memref<16384xf32, #tpu.memory_space<vmem>>, vector<16xf32>,
        %add3A_1334 = arith.constant 16 : i32
        %add3A_1335 = arith.addi %mul3A_1332, %add3A_1334 : i32
        %swap3A_1336 = arith.index_cast %add3A_1335 : i32 to index
        %swap3A_1337 = tpu.vector_load %arg9[%swap3A_1336] {strides = array<i32>} : memref<16384xf32, #tpu.memory_space<vmem>>, vector<16xf32>,
        tpu.vector_store %arg9[%swap3A_1336], %select_n3A_1327 {strides = array<i32>} : memref<16384xf32, #tpu.memory_space<vmem>>, vector<16xf32>,
        %scan3A_1338 = arith.constant 0 : i32
        scf.yield %scan3A_1338 : i32
      }
      %scan3A_261 = arith.constant 16 : i32
      %scan3A_262 = arith.constant 0 : i32
      scf.yield %scan3A_262 : i32
    }
    %scan3A_56 = arith.constant 16 : i32
    %mul3A_57 = arith.constant 512 : i32
    %mul3A_58 = arith.muli %add3A, %mul3A_57 : i32
    %mul3A_59 = arith.constant 32 : i32
    %mul3A_60 = arith.muli %mul3A_58, %mul3A_59 : i32
    "tpu.region"() ({
      %run_scoped3A = tpu.sem_alloc : memref<!tpu.dma_semaphore, #tpu.memory_space<semaphore_mem>>
      %dma_start3A_61 = tpu.memref_slice %arg6[%mul3A_60] : memref<524288xf32, #tpu.memory_space<hbm>> -> memref<16384xf32, #tpu.memory_space<hbm>>
      %dma_start3A_62 = tpu.memref_slice %arg6[%mul3A_60] : memref<524288xf32, #tpu.memory_space<hbm>> -> memref<16384xf32, #tpu.memory_space<hbm>>
      tpu.enqueue_dma source(%arg9 : memref<16384xf32, #tpu.memory_space<vmem>>) target(%dma_start3A_62 : memref<16384xf32, #tpu.memory_space<hbm>>) target_semaphore(%run_scoped3A : memref<!tpu.dma_semaphore, #tpu.memory_space<semaphore_mem>>)
      %dma_wait3A = tpu.memref_slice %arg6[%mul3A_60] : memref<524288xf32, #tpu.memory_space<hbm>> -> memref<16384xf32, #tpu.memory_space<hbm>>
      %dma_wait3A_63 = tpu.memref_slice %arg6[%mul3A_60] : memref<524288xf32, #tpu.memory_space<hbm>> -> memref<16384xf32, #tpu.memory_space<hbm>>
      tpu.wait_dma2 semaphore(%run_scoped3A : memref<!tpu.dma_semaphore, #tpu.memory_space<semaphore_mem>>) src(%arg9 : memref<16384xf32, #tpu.memory_space<vmem>>) dst(%dma_wait3A_63 : memref<16384xf32, #tpu.memory_space<hbm>>)
      tpu.yield
    }) : () -> ()
    return
  }
}

</mosaic_0001>

<sc_bundles>
// kernel: kernel.3.cloned.1.call-start
scs
__scs_entry_jumppad:
0x0: {  	(pc) =	sbr.rel $0x88, $3  }
0x1: {  	(tag) =	ssettag $0x0;
	lr =	simm.s32 $0x1  }
0x2: {  	[smem:$0x3F9D] =	sst lr;
	_ =	strace $0xD0000000  }
0x3: {  	_ = 	snop  }
0x4: {  	_ = 	snop  }
0x5: {  	_ = 	snop  }
0x6: {  	_ = 	snop  }
0x7: {  	_ = 	snop  }
__scs_overlays_trampoline_lowered:
0x8: {  	[smem:$0x3FAC] =	sst s0  }
0x9: {  	[smem:$0x3FAD] =	sst s1  }
0xa: {  	[smem:$0x3FAE] =	sst s2  }
0xb: {  	[smem:$0x3FAF] =	sst s3  }
0xc: {  	[smem:$0x3FB0] =	sst s4  }
0xd: {  	[smem:$0x3FB1] =	sst s5  }
0xe: {  	[smem:$0x3FB2] =	sst s6  }
0xf: {  	[smem:$0x3FB3] =	sst s7  }
0x10: {  	[smem:$0x3FB4] =	sst s8  }
0x11: {  	[smem:$0x3FB5] =	sst s9;
	s0 =	simm.s32 @!p0 $0x0  }
0x12: {  	s1 =	sld [smem:$0x3F9B];
	s0 =	simm.s32 @p0 $0x1  }
0x13: {  	[smem:$0x3FB6] =	sst s0;
	s0 =	simm.s32 @!p1 $0x0  }
0x14: {  	s2 =	sld [smem:$0x3F9A];
	s0 =	simm.s32 @p1 $0x1  }
0x15: {  	[smem:$0x3FB7] =	sst s0;
	s0 =	simm.s32 @!p2 $0x0  }
0x16: {  	s3 =	sld [smem:$0x3FDB];
	s0 =	simm.s32 @p2 $0x1  }
0x17: {  	s4 =	simm.s32 $0x1BF5;
	[smem:$0x3FB9] =	sst s0  }
0x18: {  	s0 =	sld [smem:$0x3F9C];
	_ =	swait.ge [sflag:s4], $0x0  }
0x19: {  	s7 =	sld [smem:$0x3F9D]  }
0x1a: {  	s8 =	sadd.s32 $0xFFFFE003, lr  }
0x1b: {  	s9 =	sadd.s32 $0xFFFFFEF7, lr;
	s5 =	simm.s32 $0xFFFFFFFF;
	p2 =	slt.u32 s8, $0xFFFFF086  }
0x1c: {  	p1 =	slt.u32 s9, $0xF7A;
	s5 =	simm.s32 @!p2 $0x0  }
0x1d: {  	s5 =	simm.s32 @p1 $0x1;
	p0 =	seq.s32 s7, s2  }
0x1e: {  	s7 =	smul.u32 @!p0 $0xF7A, s2;
	p2 =	seq.s32 @!p0 s5, $0x0  }
0x1f: {  	s9 =	smul.u32 $0xF7A, s1;
	s8 =	simm.s32 @!p0 $0x1BF5;
	p2 =	por !p2, p0  }
0x20: {  	[sflag:s8] =	ssyncset.s32 @!p0 $0xFFFFF086;
	s6 =	sadd.s32 @!p0 s3, s7;
	s7 =	simm.s32 @!p0 $0x108  }
0x21: {  	s3 =	sadd.s32 s3, s9;
	s6 =	sadd.s32 @!p0 $0x88, s6;
	s7 =	simm.s32 @p2 $0x1082  }
0x22: {  	[simem:s7], [sflag:s8] =	dma.local @!p0 [hbm:s6], $0xF7A  }
0x23: {  	s9 =	sor.u32 $0xD0000000, s2;
	s6 =	simm.s32 $0x108;
	_ =	swait.ge @!p0 [sflag:s8], $0x0  }
0x24: {  	s3 =	sadd.s32 $0x88, s3;
	s6 =	simm.s32 @!p1 $0x1082;
	[sflag:s4] =	ssyncset.s32 $0xFFFFF086  }
0x25: {  	[simem:s6], [sflag:s4] =	dma.local [hbm:s3], $0xF7A  }
0x26: {  	[smem:$0x3F9D] =	sst s1;
	(tag) =	ssettag s2;
	_ =	strace s9  }
0x27: {  	s1 =	sld [smem:$0x3FAD]  }
0x28: {  	s2 =	sld [smem:$0x3FAE]  }
0x29: {  	s4 =	sld [smem:$0x3FB0]  }
0x2a: {  	p0 =	seq.s32 s5, $0x0;
	s5 =	sld [smem:$0x3FB1]  }
0x2b: {  	s6 =	sld [smem:$0x3FB2]  }
0x2c: {  	s7 =	sld [smem:$0x3FB3]  }
0x2d: {  	s3 =	simm.s32 $0x108;
	s8 =	sld [smem:$0x3FB4]  }
0x2e: {  	s3 =	simm.s32 @!p0 $0x1082;
	s9 =	sld [smem:$0x3FB5]  }
0x2f: {  	lr =	sadd.s32 s0, s3;
	s0 =	sld [smem:$0x3FAC]  }
0x30: {  	s3 =	sld [smem:$0x3FAF]  }
0x31: {  	[smem:$0x3FB8] =	sst s10  }
0x32: {  	s10 =	sld [smem:$0x3FB6];
	_ =	sdelay $0x3  }
0x33: {  	p0 =	seq.s32 s10, $0x1;
	s10 =	sld [smem:$0x3FB8];
	_ =	sdelay $0x3  }
0x34: {  	[smem:$0x3FB8] =	sst s10  }
0x35: {  	s10 =	sld [smem:$0x3FB7];
	_ =	sdelay $0x3  }
0x36: {  	p1 =	seq.s32 s10, $0x1;
	s10 =	sld [smem:$0x3FB8];
	_ =	sdelay $0x3  }
0x37: {  	[smem:$0x3FB8] =	sst s10  }
0x38: {  	s10 =	sld [smem:$0x3FB9]  }
0x39: {  	_ = 	snop;
	(pc) =	sbr.ind lr, $3  }
0x3a: {  	_ = 	snop  }
0x3b: {  	_ = 	snop  }
0x3c: {  	p2 =	seq.s32 s10, $0x1;
	s10 =	sld [smem:$0x3FB8]  }
0x3d: {  	_ =	shalt  }
0x3e: {  	_ =	shalt  }
0x3f: {  	_ =	shalt  }
0x40: {  	_ =	shalt  }
0x41: {  	_ =	shalt  }
0x42: {  	_ =	shalt  }
0x43: {  	_ =	shalt  }
0x44: {  	_ =	shalt  }
0x45: {  	_ =	shalt  }
0x46: {  	_ =	shalt  }
0x47: {  	_ =	shalt  }
0x48: {  	_ =	shalt  }
0x49: {  	_ =	shalt  }
0x4a: {  	_ =	shalt  }
0x4b: {  	_ =	shalt  }
0x4c: {  	_ =	shalt  }
0x4d: {  	_ =	shalt  }
0x4e: {  	_ =	shalt  }
0x4f: {  	_ =	shalt  }
0x50: {  	_ =	shalt  }
0x51: {  	_ =	shalt  }
0x52: {  	_ =	shalt  }
0x53: {  	_ =	shalt  }
0x54: {  	_ =	shalt  }
0x55: {  	_ =	shalt  }
0x56: {  	_ =	shalt  }
0x57: {  	_ =	shalt  }
0x58: {  	_ =	shalt  }
0x59: {  	_ =	shalt  }
0x5a: {  	_ =	shalt  }
0x5b: {  	_ =	shalt  }
0x5c: {  	_ =	shalt  }
0x5d: {  	_ =	shalt  }
0x5e: {  	_ =	shalt  }
0x5f: {  	_ =	shalt  }
0x60: {  	_ =	shalt  }
0x61: {  	_ =	shalt  }
0x62: {  	_ =	shalt  }
0x63: {  	_ =	shalt  }
0x64: {  	_ =	shalt  }
0x65: {  	_ =	shalt  }
0x66: {  	_ =	shalt  }
0x67: {  	_ =	shalt  }
0x68: {  	_ =	shalt  }
0x69: {  	_ =	shalt  }
0x6a: {  	_ =	shalt  }
0x6b: {  	_ =	shalt  }
0x6c: {  	_ =	shalt  }
0x6d: {  	_ =	shalt  }
0x6e: {  	_ =	shalt  }
0x6f: {  	_ =	shalt  }
0x70: {  	_ =	shalt  }
0x71: {  	_ =	shalt  }
0x72: {  	_ =	shalt  }
0x73: {  	_ =	shalt  }
0x74: {  	_ =	shalt  }
0x75: {  	_ =	shalt  }
0x76: {  	_ =	shalt  }
0x77: {  	_ =	shalt  }
0x78: {  	_ =	shalt  }
0x79: {  	_ =	shalt  }
0x7a: {  	_ =	shalt  }
0x7b: {  	_ =	shalt  }
0x7c: {  	_ =	shalt  }
0x7d: {  	_ =	shalt  }
0x7e: {  	_ =	shalt  }
0x7f: {  	_ =	shalt  }
0x80: {  	_ =	shalt  }
0x81: {  	_ =	shalt  }
0x82: {  	_ =	shalt  }
0x83: {  	_ =	shalt  }
0x84: {  	_ =	shalt  }
0x85: {  	_ =	shalt  }
0x86: {  	_ =	shalt  }
0x87: {  	_ =	shalt  }
.Lfunc_end0:
.L_simem_size_0:
called_computation_lowered:
.L_overlay_start_0:
0x88: {  	s2 =	sld [smem:$0x3FD9]  }
0x89: {  	s3 =	sld [smem:$0x3FFE];
	_ =	sdelay $0x1  }
0x8a: {  	s1 =	srdreg.scid  }
0x8b: {  	s0 =	sand.u32 $0x1, s1  }
0x8c: {  	s17 =	sshll.u32 s0, $0xA;
	s2 =	sadd.s32 s3, s2  }
0x8d: {  	s2 =	sadd.s32 s2, s17  }
0x8e: {  	[smem:$0x3FC4] =	sst s2  }
0x8f: {  	_ = 	snop  }
0x90: {  	s2 =	sld [smem:$0x3FC7]  }
0x91: {  	s18 =	sld [smem:$0x3FC6]  }
0x92: {  	s4 =	sld [smem:$0x3FD0];
	(tm) =	ssettm $0x1  }
0x93: {  	s5 =	sld [smem:$0x3FFB];
	_ =	sdelay $0x3  }
0x94: {  	_ =	strace s5  }
0x95: {  	s5 =	sld [smem:$0x3FFC];
	_ =	sdelay $0x3  }
0x96: {  	_ =	strace s5  }
0x97: {  	s5 =	sld [smem:$0x3FFD];
	_ =	sdelay $0x3  }
0x98: {  	_ =	strace s5  }
0x99: {  	_ =	strace $0x8FFFFFFF  }
0x9a: {  	s19 =	sld [smem:$0x3FDB];
	_ =	sdelay $0x1  }
0x9b: {  	s6 =	simm.s32 $_scs_section_size  }
0x9c: {  	s7 =	simm.s32 $_size__tile_overlayer_lowered;
	s8 =	simm.s32 $_tile_overlayer_lowered  }
0x9d: {  	s22 =	simm.s32 $0x1BFF;
	s21 =	sshll.u32 s8, $0x1;
	s5 =	sadd.s32 s6, s19  }
0x9e: {  	s9 =	simm.s32 $0x0;
	s20 =	sshll.u32 s7, $0x1;
	s7 =	sadd.s32 s21, s5  }
0x9f: {  	[timem:s9], [sflag:s22] =	dma.local [hbm:s7], s20  }
0xa0: {  	_ =	swait.ge [sflag:s22], s20  }
0xa1: {  	s6 =	ssub.s32 $0x0, s20;
	[sflag:s22] =	ssyncset.done $0x0  }
0xa2: {  	[sflag:s22] =	ssyncadd.s32 s6;
	_ =	sdelay $0x1  }
0xa3: {  	s23 =	simm.s32 $0x1B8B  }
0xa4: {  	_ =	swait.ge [sflag:s23], $0x1  }
0xa5: {  	[sflag:s23] =	ssyncset.done $0x0  }
0xa6: {  	s25 =	simm.s32 $0x1B8E;
	s24 =	sld [smem:$0x3FFE];
	[sflag:s23] =	ssyncadd.s32 $0xFFFFFFFF  }
0xa7: {  	s26 =	simm.s32 $execute0_lowered;
	[smem:$0x3FD2] =	sst s25  }
0xa8: {  	s7 =	sshll.u32 s26, $0x1;
	_ =	strace $0x80000046;
	[dreg:$0x1] =	wrdreg $0xFFFFFFFF  }
0xa9: {  	s28 =	simm.s32 $_size_execute0_lowered;
	s5 =	sadd.s32 s5, s7;
	[dreg:$0x0] =	wrdreg $0x0  }
0xaa: {  	s7 =	sshll.u32 s28, $0x1;
	[dreg:$0x2] =	wrdreg s5  }
0xab: {  	[dreg:$0x3] =	wrdreg s7  }
0xac: {  	[dreg:$0x4] =	wrdreg $0xC0  }
0xad: {  	_ =	task [dreg:s9], $0x5FFFF  }
0xae: {  	[dreg:$0x1] =	wrdreg $0xFFFFFFFF  }
0xaf: {  	[dreg:$0x0] =	wrdreg $0x60  }
0xb0: {  	[dreg:$0x2] =	wrdreg s4  }
0xb1: {  	[dreg:$0x3] =	wrdreg s24  }
0xb2: {  	[dreg:$0x4] =	wrdreg s2  }
0xb3: {  	[dreg:$0x5] =	wrdreg s18  }
0xb4: {  	[dreg:$0x6] =	wrdreg $0x9  }
0xb5: {  	_ =	task.clear_ibuf [dreg:s9], $0x7FFFF;
	_ =	strace $0x90000046  }
0xb6: {  	s29 =	simm.s32 $0x9;
	_ =	strace $0x80000048  }
0xb7: {  	_ =	swait.ge [sflag:s29], $0x1  }
0xb8: {  	[sflag:s29] =	ssyncadd.s32 $0xFFFFFFFF  }
0xb9: {  	_ =	strace $0x90000048  }
0xba: {  	_ =	sfence  }
0xbb: {  	s30 =	sld [smem:$0x0];
	_ =	sdelay $0x2  }
0xbc: {  	s31 =	sshll.u32 s1, $0xD;
	s1 =	sshrl.u32 s1, $0x2  }
0xbd: {  	s3 =	sand.u32 $0x4000, s31;
	s1 =	sadd.s32 s1, s30  }
0xbe: {  	s0 =	sor.u32 s3, s0;
	s1 =	sshll.u32 s1, $0x11  }
0xbf: {  	s0 =	sor.u32 s1, s0  }
0xc0: {  	s0 =	sadd.s32 $0x8F2B, s0  }
0xc1: {  	[sflag:s0] =	ssyncadd.remote.s32 $0x1  }
0xc2: {  	_ =	sfence.sel $0xFFFF  }
0xc3: {  	[dreg:$0x0] =	wrdreg $0xFFFFFFFF;
	(pc) =	sbr.abs _section_cstart, $3  }
0xc4: {  	[dreg:$0x1] =	wrdreg $0xFFFFFFFF  }
0xc5: {  	_ =	task.clear_ibuf [dreg:s9], $0x2FFFF;
	_ =	strace $0x9FFFFFFF  }
0xc6: {  	(tm) =	ssettm $0x7FFFFFFF  }
0xc7: {  	_ =	shalt  }
tec
execute0_lowered:
.L_overlay_start_1:
0x0: {  	(tag) =	ssettag $0x1  }
0x1: {  	s0 =	rddreg [dreg:$0x0]  }
0x2: {  	s2 =	rddreg [dreg:$0x1]  }
0x3: {  	s1 =	rddreg [dreg:$0x2];
	s4 =	simm.s32 $0x0;
	vm1 =	vmmov $0x3;
	v0 =	vimm.s32 $0x0  }
0x4: {  	v51 =	vimm.s32 $0x0;
	[smem:$0x7FF] =	sst s4;
	v0 =	vsel vm1, $0xFFFFFFFF, v0;
	vm1 =	vmmov $0x7  }
0x5: {  	s3 =	rddreg [dreg:$0x3];
	v52 =	vimm.s32 $0x0;
	_ =	strace $0x80000047;
	[tilespmem:$0x1FF20] =	vst v0;
	v0 =	vsel vm1, $0xFFFFFFFF, v51;
	vm1 =	vmmov $0xf  }
0x6: {  	v53 =	vimm.s32 $0x0;
	[tilespmem:$0x1FF30] =	vst v0;
	v0 =	vsel vm1, $0xFFFFFFFF, v52;
	vm1 =	vmmov $0x1f  }
0x7: {  	v54 =	vimm.s32 $0x0;
	[tilespmem:$0x1FF40] =	vst v0;
	v0 =	vsel vm1, $0xFFFFFFFF, v53;
	vm1 =	vmmov $0x3f  }
0x8: {  	v55 =	vimm.s32 $0x0;
	[tilespmem:$0x1FF50] =	vst v0;
	v0 =	vsel vm1, $0xFFFFFFFF, v54;
	vm1 =	vmmov $0x7f  }
0x9: {  	s5 =	srdreg.scid;
	s6 =	stileid.u32;
	s9 =	simm.s32 $0x3;
	v56 =	vimm.s32 $0x0;
	[tilespmem:$0x1FF60] =	vst v0;
	v0 =	vsel vm1, $0xFFFFFFFF, v55;
	vm1 =	vmmov $0xff  }
0xa: {  	s10 =	simm.s32 $0x1000;
	s11 =	simm.s32 $0x10;
	s13 =	simm.s32 $0x50;
	v57 =	vimm.s32 $0x0;
	[tilespmem:$0x1FF70] =	vst v0;
	v0 =	vsel vm1, $0xFFFFFFFF, v56;
	vm1 =	vmmov $0x1ff  }
0xb: {  	s19 =	simm.s32 $0x1180;
	s20 =	simm.s32 $0x11800;
	s21 =	simm.s32 $0x9800;
	v58 =	vimm.s32 $0x0;
	[tilespmem:$0x1FF80] =	vst v0;
	v0 =	vsel vm1, $0xFFFFFFFF, v57;
	vm1 =	vmmov $0x3ff  }
0xc: {  	s22 =	simm.s32 $0x14000;
	s23 =	simm.s32 $0x16800;
	v59 =	vimm.s32 $0x0;
	s24 =	simm.s32 $0x19000;
	[tilespmem:$0x1FF90] =	vst v0;
	v0 =	vsel vm1, $0xFFFFFFFF, v58;
	vm1 =	vmmov $0x7ff  }
0xd: {  	v60 =	vimm.s32 $0x0;
	s25 =	simm.s32 $0x1B800;
	s26 =	simm.s32 $0x1;
	s28 =	simm.s32 $0x2;
	[tilespmem:$0x1FFA0] =	vst v0;
	v0 =	vsel vm1, $0xFFFFFFFF, v59;
	vm1 =	vmmov $0xfff  }
0xe: {  	v61 =	vimm.s32 $0x0;
	s29 =	simm.s32 $0x5000;
	s5 =	sand.u32 $0x1, s5;
	s6 =	sshll.u32 s6, $0x1;
	[tilespmem:$0x1FFB0] =	vst v0;
	v0 =	vsel vm1, $0xFFFFFFFF, v60;
	vm1 =	vmmov $0x1fff  }
0xf: {  	v62 =	vimm.s32 $0x0;
	s30 =	simm.s32 $0x0;
	s6 =	sor.u32 s5, s6;
	s5 =	ssub.s32 $0x2, s5;
	[tilespmem:$0x1FFC0] =	vst v0;
	v0 =	vsel vm1, $0xFFFFFFFF, v61;
	vm1 =	vmmov $0x3fff  }
0x10: {  	v63 =	vimm.s32 $0x0;
	s7 =	sshll.u32 s6, $0xB;
	s8 =	sshrl.u32 s5, $0x1;
	s6 =	sshll.u32 s6, $0x9;
	[tilespmem:$0x1FFD0] =	vst v0;
	v0 =	vsel vm1, $0xFFFFFFFF, v62;
	vm1 =	vmmov $0x7fff  }
0x11: {  	s2 =	sadd.s32 s7, s2;
	s8 =	ssub.s32 s5, s8;
	s5 =	sadd.s32 s0, s6;
	[tilespmem:$0x1FFE0] =	vst v0;
	v0 =	vsel vm1, $0xFFFFFFFF, v63  }
0x12: {  	vm0 =	vmmov $0x1;
	s6 =	sadd.s32 $0x600, s2;
	s7 =	sadd.s32 $0x10600, s2;
	s8 =	smax.u32 s8, $0x1;
	[tilespmem:$0x1FFF0] =	vst v0  }
.LBB2_1:
0x13: {  	[tilespmem:s4], [sflag:$0x3] =	stream.linear.gather [hbm4b:s5+s4], $0x1000, $0x38;
	[tilespmem:$0x1E000] =	vst v63  }
0x14: {  	_ =	swait.ge [sflag:s9], $0x1000  }
0x15: {  	[sflag:s9] =	ssyncset.done $0x0  }
0x16: {  	[sflag:s9] =	ssyncadd.s32 $0xFFFFF000  }
0x17: {  	[tilespmem:s10], [sflag:$0x3] =	stream.linear.gather [hbm4b:s6+s4], $0x4000, $0x38;
	[tilespmem:$0x1E000] =	vst v63  }
0x18: {  	_ =	swait.ge [sflag:s9], $0x4000  }
0x19: {  	[sflag:s9] =	ssyncset.done $0x0  }
0x1a: {  	s0 =	simm.s32 $0x9000;
	[sflag:s9] =	ssyncadd.s32 $0xFFFFC000  }
0x1b: {  	[tilespmem:s0], [sflag:$0x1] =	stream.indirect.gather [hbm4b:s1+s11], $0x80, s4, s11, $0xb8;
	[tilespmem:$0x1E000] =	vst v63  }
0x1c: {  	s15 =	simm.s32 $0xA000  }
0x1d: {  	[tilespmem:s15], [sflag:$0x1] =	stream.indirect.gather [hbm4b:s3+s13], $0x80, s10, s13, $0xb8;
	[tilespmem:$0x1E000] =	vst v63  }
0x1e: {  	s16 =	simm.s32 $0x1080;
	s2 =	simm.s32 $0xC800  }
0x1f: {  	[tilespmem:s2], [sflag:$0x1] =	stream.indirect.gather [hbm4b:s3+s13], $0x80, s16, s13, $0xb8;
	[tilespmem:$0x1E000] =	vst v63  }
0x20: {  	s17 =	simm.s32 $0x1100;
	s18 =	simm.s32 $0xF000  }
0x21: {  	[tilespmem:s18], [sflag:$0x1] =	stream.indirect.gather [hbm4b:s3+s13], $0x80, s17, s13, $0xb8;
	[tilespmem:$0x1E000] =	vst v63  }
0x22: {  	s31 =	simm.s32 $0x0  }
0x23: {  	[tilespmem:s20], [sflag:$0x1] =	stream.indirect.gather [hbm4b:s3+s13], $0x80, s19, s13, $0xb8;
	[tilespmem:$0x1E000] =	vst v63  }
.LBB2_2:
0x24: {  	s2 =	sshll.u32 s31, $0xA  }
0x25: {  	s0 =	sor.u32 $0x200, s2  }
0x26: {  	s12 =	sshra.s32 s0, $0x2;
	s15 =	sand.u32 $0x3FFFFE00, s0  }
0x27: {  	[tilespmem:s21], [sflag:$0x2] =	stream.indirect.gather [hbm4b:s1+s11], $0x80, s12, s11, $0xb8;
	[tilespmem:$0x1E000] =	vst v63  }
0x28: {  	s14 =	sadd.s32 $0x1000, s15  }
0x29: {  	[tilespmem:s22], [sflag:$0x2] =	stream.indirect.gather [hbm4b:s3+s13], $0x80, s14, s13, $0xb8;
	[tilespmem:$0x1E000] =	vst v63  }
0x2a: {  	s16 =	sadd.s32 $0x1080, s15  }
0x2b: {  	[tilespmem:s23], [sflag:$0x2] =	stream.indirect.gather [hbm4b:s3+s13], $0x80, s16, s13, $0xb8;
	[tilespmem:$0x1E000] =	vst v63  }
0x2c: {  	s17 =	sadd.s32 $0x1100, s15  }
0x2d: {  	[tilespmem:s24], [sflag:$0x2] =	stream.indirect.gather [hbm4b:s3+s13], $0x80, s17, s13, $0xb8;
	[tilespmem:$0x1E000] =	vst v63  }
0x2e: {  	s12 =	sadd.s32 $0x1180, s15  }
0x2f: {  	[tilespmem:s25], [sflag:$0x2] =	stream.indirect.gather [hbm4b:s3+s13], $0x80, s12, s13, $0xb8;
	[tilespmem:$0x1E000] =	vst v63  }
0x30: {  	_ =	swait.ge [sflag:s26], $0x800  }
0x31: {  	[sflag:s26] =	ssyncset.done $0x0  }
0x32: {  	[sflag:s26] =	ssyncadd.s32 $0xFFFFF800  }
0x33: {  	_ =	swait.ge [sflag:s26], $0x2800  }
0x34: {  	[sflag:s26] =	ssyncset.done $0x0  }
0x35: {  	[sflag:s26] =	ssyncadd.s32 $0xFFFFD800  }
0x36: {  	_ =	swait.ge [sflag:s26], $0x2800  }
0x37: {  	[sflag:s26] =	ssyncset.done $0x0  }
0x38: {  	[sflag:s26] =	ssyncadd.s32 $0xFFFFD800  }
0x39: {  	_ =	swait.ge [sflag:s26], $0x2800  }
0x3a: {  	[sflag:s26] =	ssyncset.done $0x0  }
0x3b: {  	[sflag:s26] =	ssyncadd.s32 $0xFFFFD800  }
0x3c: {  	_ =	swait.ge [sflag:s26], $0x2800  }
0x3d: {  	v0 =	vld [tilespmem:$0x1FF30]  }
0x3e: {  	v52 =	vld [tilespmem:$0x1FF40]  }
0x3f: {  	v53 =	vld [tilespmem:$0x1FF50]  }
0x40: {  	v54 =	vld [tilespmem:$0x1FF60]  }
0x41: {  	v55 =	vld [tilespmem:$0x1FF70]  }
0x42: {  	v56 =	vld [tilespmem:$0x1FF80]  }
0x43: {  	v57 =	vld [tilespmem:$0x1FF90]  }
0x44: {  	v58 =	vld [tilespmem:$0x1FFA0]  }
0x45: {  	v59 =	vld [tilespmem:$0x1FFB0]  }
0x46: {  	v60 =	vld [tilespmem:$0x1FFC0]  }
0x47: {  	v61 =	vld [tilespmem:$0x1FFD0]  }
0x48: {  	v62 =	vld [tilespmem:$0x1FFE0]  }
0x49: {  	v63 =	vld [tilespmem:$0x1FFF0]  }
0x4a: {  	vm15 =	vcmask $0xB10;
	vm3 =	vnez.u8 v0  }
0x4b: {  	vm4 =	vnez.u8 v52;
	vm5 =	vnez.u8 v53;
	vm6 =	vnez.u8 v54  }
0x4c: {  	s18 =	sand.u32 $0x3FFFFC00, s2;
	s2 =	sshll.u32 s31, $0x1;
	vm7 =	vnez.u8 v55;
	vm8 =	vnez.u8 v56;
	vm9 =	vnez.u8 v57  }
0x4d: {  	s15 =	simm.s32 $0xA500;
	s14 =	simm.s32 $0x0;
	[sflag:s26] =	ssyncset.done $0x0;
	vm10 =	vnez.u8 v58;
	vm11 =	vnez.u8 v59;
	vm12 =	vnez.u8 v60  }
0x4e: {  	s16 =	simm.s32 $0x9040;
	s12 =	sadd.s32 $0x5000, s18;
	[sflag:s26] =	ssyncadd.s32 $0xFFFFD800;
	vm13 =	vnez.u8 v61;
	vm14 =	vnez.u8 v62;
	vm2 =	vnez.u8 v63  }
.LBB2_3:
0x4f: {  	v7 =	vld [tilespmem:s16+$0xFFFFFFC0]  }
0x50: {  	v6 =	vld [tilespmem:s16+$0xFFFFFFD0]  }
0x51: {  	v5 =	vld [tilespmem:s16+$0xFFFFFFE0]  }
0x52: {  	v4 =	vld [tilespmem:s16+$0xFFFFFFF0]  }
0x53: {  	v2 =	vld [tilespmem:s16+$0x0]  }
0x54: {  	v3 =	vld [tilespmem:s16+$0x10]  }
0x55: {  	v8 =	vld [tilespmem:s16+$0x20]  }
0x56: {  	v1 =	vld [tilespmem:s16+$0x30]  }
0x57: {  	v0 =	vld [tilespmem:s15+$0xFFFFFB00]  }
0x58: {  	v9 =	vld [tilespmem:s15+$0xFFFFFB10]  }
0x59: {  	v10 =	vld [tilespmem:s15+$0xFFFFFB20]  }
0x5a: {  	v11 =	vld [tilespmem:s15+$0xFFFFFB30]  }
0x5b: {  	v14 =	vld [tilespmem:s15+$0xFFFFFB40]  }
0x5c: {  	v16 =	vld [tilespmem:s15+$0xFFFFFB50]  }
0x5d: {  	v21 =	vld [tilespmem:s15+$0xFFFFFB60]  }
0x5e: {  	v24 =	vld [tilespmem:s15+$0xFFFFFB70]  }
0x5f: {  	v26 =	vld [tilespmem:s15+$0xFFFFFB80]  }
0x60: {  	v30 =	vld [tilespmem:s15+$0xFFFFFB90]  }
0x61: {  	v32 =	vld [tilespmem:s15+$0xFFFFFBA0]  }
0x62: {  	v35 =	vld [tilespmem:s15+$0xFFFFFBB0]  }
0x63: {  	v36 =	vld [tilespmem:s15+$0xFFFFFBC0]  }
0x64: {  	v37 =	vld [tilespmem:s15+$0xFFFFFBD0]  }
0x65: {  	v38 =	vld [tilespmem:s15+$0xFFFFFBE0]  }
0x66: {  	v39 =	vld [tilespmem:s15+$0xFFFFFBF0]  }
0x67: {  	v40 =	vld [tilespmem:s15+$0xFFFFFC00]  }
0x68: {  	v41 =	vld [tilespmem:s15+$0xFFFFFC10]  }
0x69: {  	v42 =	vld [tilespmem:s15+$0xFFFFFC20]  }
0x6a: {  	v43 =	vld [tilespmem:s15+$0xFFFFFC30]  }
0x6b: {  	v44 =	vld [tilespmem:s15+$0xFFFFFC40]  }
0x6c: {  	v45 =	vld [tilespmem:s15+$0xFFFFFC50]  }
0x6d: {  	v46 =	vld [tilespmem:s15+$0xFFFFFC60]  }
0x6e: {  	v47 =	vld [tilespmem:s15+$0xFFFFFC70]  }
0x6f: {  	v48 =	vld [tilespmem:s15+$0xFFFFFC80]  }
0x70: {  	v49 =	vld [tilespmem:s15+$0xFFFFFC90]  }
0x71: {  	v50 =	vld [tilespmem:s15+$0xFFFFFCA0]  }
0x72: {  	v51 =	vld [tilespmem:s15+$0xFFFFFCB0]  }
0x73: {  	v52 =	vld [tilespmem:s15+$0xFFFFFCC0]  }
0x74: {  	v53 =	vld [tilespmem:s15+$0xFFFFFCD0]  }
0x75: {  	v54 =	vld [tilespmem:s15+$0xFFFFFCE0]  }
0x76: {  	v55 =	vld [tilespmem:s15+$0xFFFFFCF0]  }
0x77: {  	v56 =	vld [tilespmem:s15+$0xFFFFFD00]  }
0x78: {  	v57 =	vld [tilespmem:s15+$0xFFFFFD10]  }
0x79: {  	v58 =	vld [tilespmem:s15+$0xFFFFFD20]  }
0x7a: {  	v59 =	vld [tilespmem:s15+$0xFFFFFD30]  }
0x7b: {  	v60 =	vld [tilespmem:s15+$0xFFFFFD40]  }
0x7c: {  	v61 =	vld [tilespmem:s15+$0xFFFFFD50]  }
0x7d: {  	v62 =	vld [tilespmem:s15+$0xFFFFFD60]  }
0x7e: {  	v63 =	vld [tilespmem:s15+$0xFFFFFD70]  }
0x7f: {  	v12 =	vld [tilespmem:s15+$0xFFFFFD80]  }
0x80: {  	v13 =	vld [tilespmem:s15+$0xFFFFFD90]  }
0x81: {  	v15 =	vld [tilespmem:s15+$0xFFFFFDA0]  }
0x82: {  	v17 =	vld [tilespmem:s15+$0xFFFFFDB0]  }
0x83: {  	v18 =	vld [tilespmem:s15+$0xFFFFFDC0]  }
0x84: {  	v19 =	vld [tilespmem:s15+$0xFFFFFDD0]  }
0x85: {  	v28 =	vld [tilespmem:s15+$0xFFFFFE60]  }
0x86: {  	v20 =	vld [tilespmem:s15+$0xFFFFFDE0]  }
0x87: {  	v22 =	vld [tilespmem:s15+$0xFFFFFDF0]  }
0x88: {  	v33 =	vld [tilespmem:s15+$0xFFFFFE00]  }
0x89: {  	v34 =	vld [tilespmem:s15+$0xFFFFFE10]  }
0x8a: {  	[tilespmem:$0x1FEC0] =	vst v28;
	v28 =	vld [tilespmem:s15+$0xFFFFFE70]  }
0x8b: {  	v23 =	vld [tilespmem:s15+$0xFFFFFE20]  }
0x8c: {  	v29 =	vld [tilespmem:s15+$0xFFFFFE30]  }
0x8d: {  	v25 =	vld [tilespmem:s15+$0xFFFFFE40];
	v31 =	vmul.f32 v9, v6  }
0x8e: {  	v27 =	vld [tilespmem:s15+$0xFFFFFE50];
	v14 =	vmul.f32 v14, v2;
	v16 =	vmul.f32 v16, v3  }
0x8f: {  	v21 =	vmul.f32 v21, v8;
	v24 =	vmul.f32 v24, v1;
	[tilespmem:$0x1FED0] =	vst v28;
	v28 =	vld [tilespmem:s15+$0xFFFFFE80]  }
0x90: {  	v9 =	vld [tilespmem:s15+$0xFFFFFEB0];
	v26 =	vmul.f32 v26, v7;
	v30 =	vmul.f32 v30, v6  }
0x91: {  	v16 =	vadd.f32 v16, v14;
	v21 =	vadd.f32 v24, v21;
	v14 =	vld [tilespmem:s15+$0xFFFFFF00]  }
0x92: {  	v24 =	vmul.f32 v32, v5;
	v32 =	vmul.f32 v35, v4;
	v30 =	vadd.f32 v30, v26;
	v26 =	vld [tilespmem:s15+$0xFFFFFF40]  }
0x93: {  	v35 =	vmul.f32 v36, v2;
	v36 =	vmul.f32 v37, v3;
	v16 =	vadd.f32 v21, v16;
	v21 =	vld [tilespmem:s15+$0xFFFFFF20]  }
0x94: {  	v37 =	vmul.f32 v38, v8;
	v38 =	vmul.f32 v39, v1;
	[tilespmem:$0x1FEE0] =	vst v28;
	v28 =	vld [tilespmem:s15+$0xFFFFFE90]  }
0x95: {  	v32 =	vadd.f32 v32, v24;
	v24 =	vld [tilespmem:s15+$0xFFFFFF30];
	v35 =	vadd.f32 v36, v35  }
0x96: {  	v36 =	vadd.f32 v38, v37;
	v38 =	vmul.f32 v40, v7;
	v40 =	vmul.f32 v42, v5;
	v42 =	vld [tilespmem:s15+$0xFFFFFF70]  }
0x97: {  	[tilespmem:$0x1FF10] =	vst v9;
	v9 =	vld [tilespmem:s15+$0xFFFFFEC0]  }
0x98: {  	v37 =	vadd.f32 v32, v30;
	v30 =	vld [tilespmem:s15+$0xFFFFFF50]  }
0x99: {  	v11 =	vmul.f32 v11, v4;
	v39 =	vmul.f32 v41, v6;
	[tilespmem:$0x1FEF0] =	vst v28;
	v28 =	vld [tilespmem:s15+$0xFFFFFEA0]  }
0x9a: {  	v41 =	vmul.f32 v43, v4;
	v43 =	vmul.f32 v47, v1;
	v32 =	vld [tilespmem:s15+$0xFFFFFF60]  }
0x9b: {  	v35 =	vadd.f32 v36, v35;
	v38 =	vadd.f32 v39, v38;
	v39 =	vmul.f32 v48, v7;
	v48 =	vld [tilespmem:s15+$0xFFFFFFA0]  }
0x9c: {  	v47 =	vmul.f32 v51, v4;
	v40 =	vadd.f32 v41, v40;
	v41 =	vmul.f32 v50, v5;
	v50 =	vld [tilespmem:s15+$0xFFFFFFB0]  }
0x9d: {  	v12 =	vmul.f32 v12, v7;
	v35 =	vadd.f32 v35, v37;
	v37 =	vmul.f32 v46, v8;
	v46 =	vld [tilespmem:s15+$0xFFFFFF90]  }
0x9e: {  	v41 =	vadd.f32 v47, v41;
	[tilespmem:$0x1FF00] =	vst v28;
	v28 =	vmul.f32 v0, v7;
	v0 =	vmul.f32 v10, v5;
	v10 =	vld [tilespmem:s15+$0xFFFFFED0]  }
0x9f: {  	v51 =	vmul.f32 v55, v1;
	v47 =	vld [tilespmem:s15+$0xFFFFFFE0];
	v38 =	vadd.f32 v40, v38;
	v37 =	vadd.f32 v43, v37  }
0xa0: {  	v40 =	vld [tilespmem:s15+$0xFFFFFFF0];
	v43 =	vmul.f32 v54, v8;
	v28 =	vadd.f32 v31, v28;
	v11 =	vadd.f32 v11, v0  }
0xa1: {  	v13 =	vmul.f32 v13, v6;
	v15 =	vmul.f32 v15, v5;
	v54 =	vld [tilespmem:s15+$0x50]  }
0xa2: {  	v17 =	vmul.f32 v17, v4;
	v43 =	vadd.f32 v51, v43;
	v51 =	vld [tilespmem:s15+$0x20];
	v11 =	vadd.f32 v11, v28  }
0xa3: {  	v9 =	vmul.f32 v9, v2;
	v0 =	vld [tilespmem:s15+$0xFFFFFEE0];
	v10 =	vmul.f32 v10, v3  }
0xa4: {  	v31 =	vld [tilespmem:s15+$0xFFFFFEF0];
	v36 =	vadd.f32 v16, v11;
	v11 =	vmul.f32 v44, v2;
	v16 =	vmul.f32 v45, v3  }
0xa5: {  	v28 =	vld [tilespmem:s15+$0xFFFFFF10];
	v45 =	vmul.f32 v49, v6;
	v49 =	vmul.f32 v53, v3  }
0xa6: {  	v12 =	vadd.f32 v13, v12;
	v44 =	vld [tilespmem:s15+$0xFFFFFF80];
	v53 =	vmul.f32 v60, v2;
	v60 =	vmul.f32 v61, v3  }
0xa7: {  	v61 =	vmul.f32 v62, v8;
	v62 =	vmul.f32 v63, v1;
	v9 =	vadd.f32 v10, v9;
	v10 =	vld [tilespmem:s15+$0x140]  }
0xa8: {  	v63 =	vadd.f32 v17, v15;
	v11 =	vadd.f32 v16, v11;
	v16 =	vmul.f32 v52, v2;
	v52 =	vld [tilespmem:s15+$0xFFFFFFC0]  }
0xa9: {  	v0 =	vmul.f32 v0, v8;
	v39 =	vadd.f32 v45, v39;
	v45 =	vld [tilespmem:s15+$0xFFFFFFD0]  }
0xaa: {  	v31 =	vmul.f32 v31, v1;
	v12 =	vadd.f32 v63, v12;
	v63 =	vmul.f32 v29, v4;
	v29 =	vld [tilespmem:s15+$0xC0]  }
0xab: {  	v55 =	vadd.f32 v62, v61;
	v61 =	vmul.f32 v34, v6;
	v34 =	vld [tilespmem:$0x1FEC0]  }
0xac: {  	v0 =	vadd.f32 v31, v0;
	v31 =	vld [tilespmem:s15+$0x150]  }
0xad: {  	v53 =	vadd.f32 v60, v53;
	v39 =	vadd.f32 v41, v39;
	v41 =	vld [tilespmem:s15+$0x0]  }
0xae: {  	v16 =	vadd.f32 v49, v16;
	v49 =	vld [tilespmem:s15+$0x10]  }
0xaf: {  	v11 =	vadd.f32 v37, v11;
	v53 =	vadd.f32 v55, v53;
	v55 =	vld [tilespmem:s15+$0x80]  }
0xb0: {  	v57 =	vmul.f32 v57, v6;
	v18 =	vmul.f32 v18, v2;
	v0 =	vadd.f32 v0, v9;
	v9 =	vld [tilespmem:s15+$0x160]  }
0xb1: {  	v16 =	vadd.f32 v43, v16;
	v37 =	vadd.f32 v11, v38;
	v38 =	vmul.f32 v56, v7;
	v43 =	vld [tilespmem:s15+$0x30]  }
0xb2: {  	v19 =	vmul.f32 v19, v3;
	v20 =	vmul.f32 v20, v8;
	v56 =	vld [tilespmem:s15+$0x60]  }
0xb3: {  	v22 =	vmul.f32 v22, v1;
	v60 =	vmul.f32 v33, v7;
	v38 =	vadd.f32 v57, v38;
	v57 =	vld [tilespmem:s15+$0x90]  }
0xb4: {  	v11 =	vadd.f32 v16, v39;
	v16 =	vmul.f32 v58, v5;
	v58 =	vadd.f32 v19, v18;
	v18 =	vld [tilespmem:s15+$0xA0]  }
0xb5: {  	v39 =	vmul.f32 v59, v4;
	v59 =	vadd.f32 v22, v20;
	v22 =	vld [tilespmem:s15+$0xB0]  }
0xb6: {  	v19 =	vadd.f32 v61, v60;
	v60 =	vld [tilespmem:$0x1FF00]  }
0xb7: {  	v61 =	vld [tilespmem:$0x1FF10]  }
0xb8: {  	v16 =	vadd.f32 v39, v16;
	v39 =	vld [tilespmem:s15+$0x40]  }
0xb9: {  	v10 =	vmul.f32 v10, v2;
	v31 =	vmul.f32 v31, v3;
	v15 =	vadd.f32 v59, v58;
	v58 =	vld [tilespmem:$0x1FEE0]  }
0xba: {  	v59 =	vld [tilespmem:$0x1FEF0]  }
0xbb: {  	v10 =	vadd.f32 v31, v10;
	v31 =	vld [tilespmem:s15+$0x310];
	v16 =	vadd.f32 v16, v38  }
0xbc: {  	v38 =	vld [tilespmem:s15+$0x70]  }
0xbd: {  	v62 =	vmul.f32 v23, v5;
	v13 =	vadd.f32 v53, v16;
	v53 =	vld [tilespmem:$0x1FED0]  }
0xbe: {  	v12 =	vadd.f32 v15, v12;
	v15 =	vmul.f32 v34, v8;
	v34 =	vld [tilespmem:s15+$0xE0];
	v23 =	vmul.f32 v60, v5  }
0xbf: {  	v60 =	vld [tilespmem:s15+$0x100];
	v18 =	vmul.f32 v18, v5;
	v22 =	vmul.f32 v22, v4  }
0xc0: {  	v16 =	vmul.f32 v25, v2;
	v25 =	vmul.f32 v27, v3;
	v27 =	vld [tilespmem:s15+$0xD0]  }
0xc1: {  	v20 =	vmul.f32 v58, v7;
	v58 =	vld [tilespmem:s15+$0xF0]  }
0xc2: {  	v18 =	vadd.f32 v22, v18;
	v22 =	vld [tilespmem:s15+$0x290];
	v33 =	vmul.f32 v53, v1  }
0xc3: {  	v16 =	vadd.f32 v25, v16;
	v25 =	vld [tilespmem:s15+$0x110];
	v53 =	vmul.f32 v59, v6;
	v59 =	vmul.f32 v61, v4  }
0xc4: {  	v29 =	vmul.f32 v29, v2;
	v61 =	vmul.f32 v26, v2;
	v26 =	vld [tilespmem:s15+$0x190];
	v15 =	vadd.f32 v33, v15  }
0xc5: {  	v27 =	vmul.f32 v27, v3;
	v33 =	vld [tilespmem:s15+$0x120];
	v20 =	vadd.f32 v53, v20;
	v23 =	vadd.f32 v59, v23  }
0xc6: {  	v17 =	vadd.f32 v63, v62;
	v53 =	vld [tilespmem:s15+$0x130]  }
0xc7: {  	v27 =	vadd.f32 v27, v29;
	v29 =	vld [tilespmem:s15+$0x2D0];
	v62 =	vadd.f32 v23, v20  }
0xc8: {  	v28 =	vmul.f32 v28, v6;
	v63 =	vmul.f32 v14, v7;
	v17 =	vadd.f32 v17, v19;
	v20 =	vld [tilespmem:s15+$0x170]  }
0xc9: {  	v15 =	vadd.f32 v15, v16;
	v14 =	vadd.f32 v0, v62;
	v0 =	vmul.f32 v21, v5;
	v21 =	vld [tilespmem:s15+$0x180]  }
0xca: {  	v59 =	vmul.f32 v24, v4;
	v62 =	vmul.f32 v30, v3;
	v30 =	vld [tilespmem:s15+$0x1A0]  }
0xcb: {  	v15 =	vadd.f32 v15, v17;
	v17 =	vadd.f32 v28, v63;
	v63 =	vmul.f32 v32, v8;
	v32 =	vld [tilespmem:s15+$0x1B0]  }
0xcc: {  	v42 =	vmul.f32 v42, v1;
	v40 =	vmul.f32 v40, v1;
	v28 =	vld [tilespmem:s15+$0x1F0];
	v0 =	vadd.f32 v59, v0  }
0xcd: {  	v59 =	vadd.f32 v62, v61;
	v61 =	vmul.f32 v44, v7;
	v62 =	vmul.f32 v46, v6;
	v44 =	vld [tilespmem:s15+$0x1C0]  }
0xce: {  	v19 =	vadd.f32 v42, v63;
	v63 =	vmul.f32 v48, v5;
	v48 =	vmul.f32 v50, v4;
	v46 =	vld [tilespmem:s15+$0x1D0]  }
0xcf: {  	v50 =	vmul.f32 v52, v2;
	v52 =	vmul.f32 v47, v8;
	v47 =	vld [tilespmem:s15+$0x1E0]  }
0xd0: {  	v45 =	vmul.f32 v45, v3;
	v42 =	vld [tilespmem:s15+$0x210]  }
0xd1: {  	v54 =	vmul.f32 v54, v3;
	v16 =	vadd.f32 v19, v59;
	v19 =	vadd.f32 v40, v52;
	v40 =	vld [tilespmem:s15+$0x200]  }
0xd2: {  	v9 =	vmul.f32 v9, v8;
	v0 =	vadd.f32 v0, v17;
	v17 =	vadd.f32 v45, v50;
	v45 =	vld [tilespmem:s15+$0x220]  }
0xd3: {  	v43 =	vmul.f32 v43, v4;
	v38 =	vmul.f32 v38, v1;
	v59 =	vadd.f32 v48, v63;
	v48 =	vld [tilespmem:s15+$0x230]  }
0xd4: {  	v26 =	vmul.f32 v26, v6;
	v23 =	vadd.f32 v62, v61;
	v62 =	vmul.f32 v49, v6;
	v49 =	vld [tilespmem:s15+$0x240]  }
0xd5: {  	v61 =	vmul.f32 v41, v7;
	v63 =	vmul.f32 v39, v2;
	v39 =	vld [tilespmem:s15+$0x270]  }
0xd6: {  	v52 =	vld [tilespmem:s15+$0x280];
	v21 =	vmul.f32 v21, v7;
	v23 =	vadd.f32 v59, v23;
	v17 =	vadd.f32 v19, v17  }
0xd7: {  	v19 =	vmul.f32 v51, v5;
	v16 =	vadd.f32 v16, v0;
	v59 =	vmul.f32 v56, v8;
	v51 =	vld [tilespmem:s15+$0x250]  }
0xd8: {  	v24 =	vadd.f32 v62, v61;
	v61 =	vmul.f32 v55, v7;
	v56 =	vmul.f32 v33, v5;
	v33 =	vld [tilespmem:s15+$0x300]  }
0xd9: {  	v0 =	vadd.f32 v54, v63;
	v63 =	vmul.f32 v58, v1;
	v58 =	vmul.f32 v30, v5;
	v30 =	vld [tilespmem:s15+$0x3F0]  }
0xda: {  	v55 =	vmul.f32 v60, v7;
	v60 =	vmul.f32 v44, v2;
	v44 =	vld [tilespmem:s15+$0x330]  }
0xdb: {  	v34 =	vmul.f32 v34, v8;
	v20 =	vmul.f32 v20, v1;
	v21 =	vadd.f32 v26, v21;
	v26 =	vld [tilespmem:s15+$0x350]  }
0xdc: {  	v22 =	vmul.f32 v22, v6;
	v25 =	vmul.f32 v25, v6;
	v19 =	vadd.f32 v43, v19;
	v43 =	vld [tilespmem:s15+$0x260]  }
0xdd: {  	v9 =	vadd.f32 v20, v9;
	v28 =	vmul.f32 v28, v1;
	v50 =	vadd.f32 v63, v34;
	v34 =	vld [tilespmem:s15+$0x2A0]  }
0xde: {  	v62 =	vmul.f32 v57, v6;
	v17 =	vadd.f32 v17, v23;
	v23 =	vadd.f32 v38, v59;
	v38 =	vld [tilespmem:s15+$0x2E0]  }
0xdf: {  	v57 =	vmul.f32 v53, v4;
	v59 =	vmul.f32 v32, v4;
	v32 =	vld [tilespmem:s15+$0x320]  }
0xe0: {  	v9 =	vadd.f32 v9, v10;
	v41 =	vadd.f32 v62, v61;
	v61 =	vmul.f32 v46, v3;
	v46 =	vld [tilespmem:s15+$0x340]  }
0xe1: {  	v62 =	vmul.f32 v47, v8;
	v63 =	vmul.f32 v40, v7;
	v40 =	vld [tilespmem:s15+$0x370];
	v19 =	vadd.f32 v19, v24  }
0xe2: {  	v53 =	vmul.f32 v45, v5;
	v45 =	vld [tilespmem:s15+$0x4A0];
	v0 =	vadd.f32 v23, v0;
	v18 =	vadd.f32 v18, v41  }
0xe3: {  	v29 =	vmul.f32 v29, v3;
	v23 =	vld [tilespmem:s15+$0x2B0];
	v54 =	vadd.f32 v50, v27;
	v24 =	vadd.f32 v57, v56  }
0xe4: {  	v39 =	vmul.f32 v39, v1;
	v27 =	vld [tilespmem:s15+$0x2C0];
	v20 =	vadd.f32 v59, v58;
	v10 =	vadd.f32 v28, v62  }
0xe5: {  	v28 =	vld [tilespmem:s15+$0x360];
	v50 =	vmul.f32 v42, v6;
	v56 =	vmul.f32 v51, v3;
	v19 =	vadd.f32 v0, v19  }
0xe6: {  	v42 =	vld [tilespmem:s15+$0x380];
	v51 =	vmul.f32 v31, v6;
	v18 =	vadd.f32 v54, v18;
	v0 =	vadd.f32 v25, v55  }
0xe7: {  	v57 =	vld [tilespmem:s15+$0x390];
	v20 =	vadd.f32 v20, v21;
	v54 =	vmul.f32 v48, v4;
	v55 =	vmul.f32 v49, v2  }
0xe8: {  	v59 =	vld [tilespmem:s15+$0x3A0];
	v21 =	vadd.f32 v50, v63;
	v50 =	vmul.f32 v33, v7;
	v26 =	vmul.f32 v26, v3  }
0xe9: {  	v62 =	vld [tilespmem:s15+$0x3C0];
	v58 =	vmul.f32 v43, v8;
	v34 =	vmul.f32 v34, v5  }
0xea: {  	v31 =	vld [tilespmem:s15+$0x460];
	v38 =	vmul.f32 v38, v8;
	v0 =	vadd.f32 v24, v0;
	v24 =	vadd.f32 v61, v60  }
0xeb: {  	v25 =	vld [tilespmem:s15+$0x2F0];
	v60 =	vmul.f32 v52, v7;
	v52 =	vmul.f32 v32, v5  }
0xec: {  	v63 =	vld [tilespmem:s15+$0x3D0];
	v23 =	vmul.f32 v23, v4;
	v27 =	vmul.f32 v27, v2;
	v10 =	vadd.f32 v10, v24  }
0xed: {  	v61 =	vld [tilespmem:s15+$0x3B0];
	v28 =	vmul.f32 v28, v8;
	v0 =	vadd.f32 v9, v0;
	v24 =	vadd.f32 v54, v53  }
0xee: {  	v32 =	vld [tilespmem:s15+$0x440];
	v57 =	vmul.f32 v57, v6;
	v9 =	vadd.f32 v56, v55;
	v22 =	vadd.f32 v22, v60  }
0xef: {  	v54 =	vmul.f32 v46, v2;
	v55 =	vmul.f32 v40, v1;
	v40 =	vld [tilespmem:s15+$0x470];
	v23 =	vadd.f32 v23, v34  }
0xf0: {  	v56 =	vmul.f32 v42, v7;
	v60 =	vld [tilespmem:s15+$0x480];
	v27 =	vadd.f32 v29, v27;
	v10 =	vadd.f32 v10, v20  }
0xf1: {  	v46 =	vld [tilespmem:s15+$0x4B0];
	v25 =	vmul.f32 v25, v1;
	v20 =	vadd.f32 v39, v58;
	v21 =	vadd.f32 v24, v21  }
0xf2: {  	v53 =	vmul.f32 v44, v4;
	v29 =	vld [tilespmem:s15+$0x400];
	v26 =	vadd.f32 v26, v54;
	v28 =	vadd.f32 v55, v28  }
0xf3: {  	(xrf2) =	vadd.scan.msk.f32 $0xffff, v36;
	v39 =	vld [tilespmem:s15+$0x3E0];
	v58 =	vmul.f32 v59, v5;
	v33 =	vadd.f32 v57, v56;
	v25 =	vadd.f32 v25, v38  }
0xf4: {  	(xrf2) =	vadd.scan.msk.f32 $0xffff, v35;
	v24 =	vld [tilespmem:s15+$0x420];
	v22 =	vadd.f32 v23, v22;
	v23 =	vadd.f32 v53, v52;
	v59 =	vmul.f32 v61, v4  }
0xf5: {  	(xrf2) =	vadd.scan.msk.f32 $0xffff, v37;
	v56 =	vld [tilespmem:s15+$0x4F0];
	v61 =	vmul.f32 v62, v2;
	v62 =	vmul.f32 v63, v3;
	v9 =	vadd.f32 v20, v9  }
0xf6: {  	(xrf2) =	vadd.scan.msk.f32 $0xffff, v11;
	v63 =	vld [tilespmem:s15+$0x490];
	v26 =	vadd.f32 v28, v26;
	v49 =	vadd.f32 v25, v27  }
0xf7: {  	(xrf2) =	vadd.scan.msk.f32 $0xffff, v13;
	v30 =	vmul.f32 v30, v1;
	v53 =	vld [tilespmem:s15+$0x4E0];
	v34 =	vadd.f32 v59, v58;
	v47 =	vadd.f32 v62, v61  }
0xf8: {  	(xrf2) =	vadd.scan.msk.f32 $0xffff, v12;
	v20 =	vld [tilespmem:s15+$0x410];
	v58 =	vmul.f32 v32, v2;
	v61 =	vmul.f32 v40, v1;
	v9 =	vadd.f32 v9, v21  }
0xf9: {  	(xrf2) =	vadd.scan.msk.f32 $0xffff, v15;
	v27 =	vld [tilespmem:s15+$0x430];
	v21 =	vadd.f32 v51, v50;
	v29 =	vmul.f32 v29, v7;
	v7 =	vmul.f32 v60, v7  }
0xfa: {  	(xrf2) =	vadd.scan.msk.f32 $0xffff, v14;
	v25 =	vld [tilespmem:s15+$0x450];
	v60 =	vmul.f32 v31, v8;
	v22 =	vadd.f32 v49, v22;
	v44 =	vmul.f32 v39, v8  }
0xfb: {  	(xrf2) =	vadd.scan.msk.f32 $0xffff, v16;
	v51 =	vld [tilespmem:s15+$0x4D0];
	v50 =	vadd.f32 v34, v33;
	v55 =	vmul.f32 v24, v5;
	v5 =	vmul.f32 v45, v5  }
0xfc: {  	(xrf2) =	vadd.scan.msk.f32 $0xffff, v17;
	v49 =	vld [tilespmem:s15+$0x4C0];
	v1 =	vmul.f32 v56, v1;
	v21 =	vadd.f32 v23, v21;
	v17 =	vadd.f32 v61, v60  }
0xfd: {  	v8 =	vmul.f32 v53, v8;
	v48 =	vadd.f32 v30, v44;
	v52 =	vmul.f32 v20, v6  }
0xfe: {  	v6 =	vmul.f32 v63, v6;
	v54 =	vadd.f32 v26, v21;
	v57 =	vmul.f32 v27, v4  }
0xff: {  	v62, _, _ =	vpop (xrf2);
	(xrf2) =	vadd.scan.msk.f32 $0xffff, v19;
	v59 =	vmul.f32 v25, v3;
	v4 =	vmul.f32 v46, v4;
	v1 =	vadd.f32 v1, v8  }
0x100: {  	v63, _, _ =	vpop (xrf2);
	(xrf2) =	vadd.scan.msk.f32 $0xffff, v18;
	v11 =	vadd.f32 v48, v47;
	v12 =	vadd.f32 v52, v29;
	v3 =	vmul.f32 v51, v3  }
0x101: {  	v37 =	vld [tilespmem:$0x1FF20];
	v25, _, _ =	vpop (xrf2);
	(xrf2) =	vadd.scan.msk.f32 $0xffff, v0;
	v26 =	vadd.f32 v6, v7;
	v13 =	vadd.f32 v57, v55;
	v2 =	vmul.f32 v49, v2  }
0x102: {  	v27, _, _ =	vpop (xrf2);
	(xrf2) =	vadd.scan.msk.f32 $0xffff, v10;
	v14 =	vadd.f32 v59, v58;
	v4 =	vadd.f32 v4, v5  }
0x103: {  	v29, _, _ =	vpop (xrf2);
	(xrf2) =	vadd.scan.msk.f32 $0xffff, v9;
	v11 =	vadd.f32 v11, v50;
	v2 =	vadd.f32 v3, v2  }
0x104: {  	v28 =	vbroadcast v62, $0xF;
	v33, _, _ =	vpop (xrf2);
	(xrf2) =	vadd.scan.msk.f32 $0xffff, v22;
	v30 =	vadd.f32 v13, v12;
	v31 =	vadd.f32 v17, v14  }
0x105: {  	v32 =	vbroadcast v63, $0xF;
	v0 =	vadd.f32 v4, v26;
	v35, _, _ =	vpop (xrf2);
	(xrf2) =	vadd.scan.msk.f32 $0xffff, v54;
	v1 =	vadd.f32 v1, v2  }
0x106: {  	vm1 =	vnez.u8 v37;
	v34 =	vbroadcast v25, $0xF;
	v36, _, _ =	vpop (xrf2);
	(xrf2) =	vadd.scan.msk.f32 $0xffff, v11;
	v7 =	vadd.f32 v31, v30  }
0x107: {  	v5 =	vbroadcast v27, $0xF;
	v3 =	vsel vm0, v28, v32;
	v39, _, _ =	vpop (xrf2);
	v0 =	vadd.f32 v1, v0  }
0x108: {  	v38 =	vbroadcast v29, $0xF;
	v41, _, _ =	vpop (xrf2);
	v1 =	vsel vm1, v3, v34;
	(xrf2) =	vadd.scan.msk.f32 $0xffff, v7  }
0x109: {  	v40 =	vbroadcast v33, $0xF;
	v42, _, _ =	vpop (xrf2);
	v1 =	vsel vm3, v1, v5;
	(xrf2) =	vadd.scan.msk.f32 $0xffff, v0  }
0x10a: {  	v43 =	vbroadcast v35, $0xF;
	v44, _, _ =	vpop (xrf2);
	v1 =	vsel vm4, v1, v38  }
0x10b: {  	v45 =	vbroadcast v36, $0xF;
	v46, _, _ =	vpop (xrf2);
	v1 =	vsel vm5, v1, v40  }
0x10c: {  	v47 =	vbroadcast v39, $0xF;
	v48, _, _ =	vpop (xrf2);
	v1 =	vsel vm6, v1, v43  }
0x10d: {  	v49 =	vbroadcast v41, $0xF;
	v50, _, _ =	vpop (xrf2);
	v1 =	vsel vm7, v1, v45  }
0x10e: {  	vm1 =	vmmov vm15;
	v0 =	vbroadcast v42, $0xF;
	v51, _, _ =	vpop (xrf2);
	v1 =	vsel vm8, v1, v47  }
0x10f: {  	vm15 =	vcmask $0x310;
	v4 =	vbroadcast v44, $0xF;
	v52, _, _ =	vpop (xrf2);
	v1 =	vsel vm9, v1, v49  }
0x110: {  	v53 =	vbroadcast v46, $0xF;
	v54, _, _ =	vpop (xrf2);
	v55 =	vbroadcast v52, $0xF;
	v0 =	vsel vm10, v1, v0  }
0x111: {  	v3 =	vbroadcast v48, $0xF;
	v58 =	vbroadcast v54, $0xF;
	v0 =	vsel vm11, v0, v4  }
0x112: {  	p0 =	sne.s32 s14, $0x1E0;
	v57 =	vbroadcast v50, $0xF;
	v59 =	vnsel vm0, $0x0, v55;
	v56, _, _ =	vpop (xrf2);
	v0 =	vsel vm12, v0, v53  }
.Ltmp0:
0x113: {  	s17 =	sand.u32 $0x180, s14;
	v62 =	vsel vm15, v59, v58;
	v0 =	vsel vm13, v0, v3;
	v60 =	vbroadcast v56, $0xF;
	v61, _, _ =	vpop (xrf2);
	(pc) =	sbr.rel @p0 .LBB2_3-.Ltmp0, $4  }
0x114: {  	s18 =	sand.u32 $0x60, s14;
	s17 =	sadd.s32 s17, s12;
	vm15 =	vcmask $0x710;
	v0 =	vsel vm14, v0, v57;
	v63 =	vbroadcast v61, $0xF  }
0x115: {  	s17 =	sadd.s32 s18, s17;
	v0 =	vsel vm2, v0, v51;
	v1 =	vsel vm15, v62, v60  }
0x116: {  	[tilespmem:s17+$0x0] =	vst v0;
	v1 =	vsel vm1, v1, v63  }
0x117: {  	s16 =	sadd.s32 $0x80, s16;
	s14 =	sadd.s32 $0x20, s14;
	s15 =	sadd.s32 $0xA00, s15;
	vm15 =	vmmov vm1;
	[tilespmem:s17+$0x10] =	vst v1  }
0x118: {  	p0 =	seq.s32 s31, $0xF  }
0x119: {  	s2 =	sshll.u32 @!p0 s2, $0x9  }
0x11a: {  	s14 =	simm.s32 @!p0 $0x10;
	s2 =	sadd.s32 @!p0 $0x400, s2  }
0x11b: {  	s15 =	simm.s32 @!p0 $0x9000;
	s12 =	sshra.s32 @!p0 s2, $0x2;
	s2 =	sand.u32 @!p0 $0x3FFFFE00, s2  }
0x11c: {  	[tilespmem:s15], [sflag:$0x1] =	stream.indirect.gather @!p0 [hbm4b:s1+s14], $0x80, s12, s14, $0xb8;
	[tilespmem:$0x1E000] =	vst v63  }
0x11d: {  	s12 =	sadd.s32 @!p0 $0x1000, s2;
	s14 =	simm.s32 @!p0 $0x50;
	s15 =	simm.s32 @!p0 $0xA000  }
0x11e: {  	[tilespmem:s15], [sflag:$0x1] =	stream.indirect.gather @!p0 [hbm4b:s3+s14], $0x80, s12, s14, $0xb8;
	[tilespmem:$0x1E000] =	vst v63  }
0x11f: {  	s12 =	sadd.s32 @!p0 $0x1080, s2;
	s15 =	simm.s32 @!p0 $0xC800  }
0x120: {  	[tilespmem:s15], [sflag:$0x1] =	stream.indirect.gather @!p0 [hbm4b:s3+s14], $0x80, s12, s14, $0xb8;
	[tilespmem:$0x1E000] =	vst v63  }
0x121: {  	s12 =	sadd.s32 @!p0 $0x1100, s2;
	s15 =	simm.s32 @!p0 $0xF000  }
0x122: {  	[tilespmem:s15], [sflag:$0x1] =	stream.indirect.gather @!p0 [hbm4b:s3+s14], $0x80, s12, s14, $0xb8;
	[tilespmem:$0x1E000] =	vst v63  }
0x123: {  	s2 =	sadd.s32 @!p0 $0x1180, s2;
	s12 =	simm.s32 @!p0 $0x11800  }
0x124: {  	[tilespmem:s12], [sflag:$0x1] =	stream.indirect.gather @!p0 [hbm4b:s3+s14], $0x80, s2, s14, $0xb8;
	[tilespmem:$0x1E000] =	vst v63  }
0x125: {  	_ =	swait.ge [sflag:s28], $0x800  }
0x126: {  	[sflag:s28] =	ssyncset.done $0x0  }
0x127: {  	[sflag:s28] =	ssyncadd.s32 $0xFFFFF800  }
0x128: {  	_ =	swait.ge [sflag:s28], $0x2800  }
0x129: {  	[sflag:s28] =	ssyncset.done $0x0  }
0x12a: {  	[sflag:s28] =	ssyncadd.s32 $0xFFFFD800  }
0x12b: {  	_ =	swait.ge [sflag:s28], $0x2800  }
0x12c: {  	[sflag:s28] =	ssyncset.done $0x0  }
0x12d: {  	[sflag:s28] =	ssyncadd.s32 $0xFFFFD800  }
0x12e: {  	_ =	swait.ge [sflag:s28], $0x2800  }
0x12f: {  	[sflag:s28] =	ssyncset.done $0x0  }
0x130: {  	[sflag:s28] =	ssyncadd.s32 $0xFFFFD800  }
0x131: {  	_ =	swait.ge [sflag:s28], $0x2800  }
0x132: {  	s0 =	sadd.s32 $0x5000, s0;
	s2 =	simm.s32 $0x0;
	[sflag:s28] =	ssyncset.done $0x0  }
0x133: {  	s12 =	simm.s32 $0x14500;
	s14 =	simm.s32 $0x9840;
	[sflag:s28] =	ssyncadd.s32 $0xFFFFD800  }
.LBB2_5:
0x134: {  	v7 =	vld [tilespmem:s14+$0xFFFFFFC0]  }
0x135: {  	v6 =	vld [tilespmem:s14+$0xFFFFFFD0]  }
0x136: {  	v5 =	vld [tilespmem:s14+$0xFFFFFFE0]  }
0x137: {  	v4 =	vld [tilespmem:s14+$0xFFFFFFF0]  }
0x138: {  	v2 =	vld [tilespmem:s14+$0x0]  }
0x139: {  	v3 =	vld [tilespmem:s14+$0x10]  }
0x13a: {  	v8 =	vld [tilespmem:s14+$0x20]  }
0x13b: {  	v1 =	vld [tilespmem:s14+$0x30]  }
0x13c: {  	v0 =	vld [tilespmem:s12+$0xFFFFFB00]  }
0x13d: {  	v9 =	vld [tilespmem:s12+$0xFFFFFB10]  }
0x13e: {  	v10 =	vld [tilespmem:s12+$0xFFFFFB20]  }
0x13f: {  	v11 =	vld [tilespmem:s12+$0xFFFFFB30]  }
0x140: {  	v14 =	vld [tilespmem:s12+$0xFFFFFB40]  }
0x141: {  	v16 =	vld [tilespmem:s12+$0xFFFFFB50]  }
0x142: {  	v21 =	vld [tilespmem:s12+$0xFFFFFB60]  }
0x143: {  	v24 =	vld [tilespmem:s12+$0xFFFFFB70]  }
0x144: {  	v26 =	vld [tilespmem:s12+$0xFFFFFB80]  }
0x145: {  	v30 =	vld [tilespmem:s12+$0xFFFFFB90]  }
0x146: {  	v32 =	vld [tilespmem:s12+$0xFFFFFBA0]  }
0x147: {  	v35 =	vld [tilespmem:s12+$0xFFFFFBB0]  }
0x148: {  	v36 =	vld [tilespmem:s12+$0xFFFFFBC0]  }
0x149: {  	v37 =	vld [tilespmem:s12+$0xFFFFFBD0]  }
0x14a: {  	v38 =	vld [tilespmem:s12+$0xFFFFFBE0]  }
0x14b: {  	v39 =	vld [tilespmem:s12+$0xFFFFFBF0]  }
0x14c: {  	v40 =	vld [tilespmem:s12+$0xFFFFFC00]  }
0x14d: {  	v41 =	vld [tilespmem:s12+$0xFFFFFC10]  }
0x14e: {  	v42 =	vld [tilespmem:s12+$0xFFFFFC20]  }
0x14f: {  	v43 =	vld [tilespmem:s12+$0xFFFFFC30]  }
0x150: {  	v44 =	vld [tilespmem:s12+$0xFFFFFC40]  }
0x151: {  	v45 =	vld [tilespmem:s12+$0xFFFFFC50]  }
0x152: {  	v46 =	vld [tilespmem:s12+$0xFFFFFC60]  }
0x153: {  	v47 =	vld [tilespmem:s12+$0xFFFFFC70]  }
0x154: {  	v48 =	vld [tilespmem:s12+$0xFFFFFC80]  }
0x155: {  	v49 =	vld [tilespmem:s12+$0xFFFFFC90]  }
0x156: {  	v50 =	vld [tilespmem:s12+$0xFFFFFCA0]  }
0x157: {  	v51 =	vld [tilespmem:s12+$0xFFFFFCB0]  }
0x158: {  	v52 =	vld [tilespmem:s12+$0xFFFFFCC0]  }
0x159: {  	v53 =	vld [tilespmem:s12+$0xFFFFFCD0]  }
0x15a: {  	v54 =	vld [tilespmem:s12+$0xFFFFFCE0]  }
0x15b: {  	v55 =	vld [tilespmem:s12+$0xFFFFFCF0]  }
0x15c: {  	v56 =	vld [tilespmem:s12+$0xFFFFFD00]  }
0x15d: {  	v57 =	vld [tilespmem:s12+$0xFFFFFD10]  }
0x15e: {  	v58 =	vld [tilespmem:s12+$0xFFFFFD20]  }
0x15f: {  	v59 =	vld [tilespmem:s12+$0xFFFFFD30]  }
0x160: {  	v60 =	vld [tilespmem:s12+$0xFFFFFD40]  }
0x161: {  	v61 =	vld [tilespmem:s12+$0xFFFFFD50]  }
0x162: {  	v62 =	vld [tilespmem:s12+$0xFFFFFD60]  }
0x163: {  	v63 =	vld [tilespmem:s12+$0xFFFFFD70]  }
0x164: {  	v12 =	vld [tilespmem:s12+$0xFFFFFD80]  }
0x165: {  	v13 =	vld [tilespmem:s12+$0xFFFFFD90]  }
0x166: {  	v15 =	vld [tilespmem:s12+$0xFFFFFDA0]  }
0x167: {  	v17 =	vld [tilespmem:s12+$0xFFFFFDB0]  }
0x168: {  	v18 =	vld [tilespmem:s12+$0xFFFFFDC0]  }
0x169: {  	v19 =	vld [tilespmem:s12+$0xFFFFFDD0]  }
0x16a: {  	v28 =	vld [tilespmem:s12+$0xFFFFFE60]  }
0x16b: {  	v20 =	vld [tilespmem:s12+$0xFFFFFDE0]  }
0x16c: {  	v22 =	vld [tilespmem:s12+$0xFFFFFDF0]  }
0x16d: {  	v33 =	vld [tilespmem:s12+$0xFFFFFE00]  }
0x16e: {  	v34 =	vld [tilespmem:s12+$0xFFFFFE10]  }
0x16f: {  	[tilespmem:$0x1FE60] =	vst v28;
	v28 =	vld [tilespmem:s12+$0xFFFFFE70]  }
0x170: {  	v23 =	vld [tilespmem:s12+$0xFFFFFE20]  }
0x171: {  	v29 =	vld [tilespmem:s12+$0xFFFFFE30]  }
0x172: {  	v25 =	vld [tilespmem:s12+$0xFFFFFE40];
	v31 =	vmul.f32 v9, v6  }
0x173: {  	v27 =	vld [tilespmem:s12+$0xFFFFFE50];
	v14 =	vmul.f32 v14, v2;
	v16 =	vmul.f32 v16, v3  }
0x174: {  	v21 =	vmul.f32 v21, v8;
	v24 =	vmul.f32 v24, v1;
	[tilespmem:$0x1FE70] =	vst v28;
	v28 =	vld [tilespmem:s12+$0xFFFFFE80]  }
0x175: {  	v9 =	vld [tilespmem:s12+$0xFFFFFEB0];
	v26 =	vmul.f32 v26, v7;
	v30 =	vmul.f32 v30, v6  }
0x176: {  	v16 =	vadd.f32 v16, v14;
	v21 =	vadd.f32 v24, v21;
	v14 =	vld [tilespmem:s12+$0xFFFFFF00]  }
0x177: {  	v24 =	vmul.f32 v32, v5;
	v32 =	vmul.f32 v35, v4;
	v30 =	vadd.f32 v30, v26;
	v26 =	vld [tilespmem:s12+$0xFFFFFF40]  }
0x178: {  	v35 =	vmul.f32 v36, v2;
	v36 =	vmul.f32 v37, v3;
	v16 =	vadd.f32 v21, v16;
	v21 =	vld [tilespmem:s12+$0xFFFFFF20]  }
0x179: {  	v37 =	vmul.f32 v38, v8;
	v38 =	vmul.f32 v39, v1;
	[tilespmem:$0x1FE80] =	vst v28;
	v28 =	vld [tilespmem:s12+$0xFFFFFE90]  }
0x17a: {  	v32 =	vadd.f32 v32, v24;
	v24 =	vld [tilespmem:s12+$0xFFFFFF30];
	v35 =	vadd.f32 v36, v35  }
0x17b: {  	v36 =	vadd.f32 v38, v37;
	v38 =	vmul.f32 v40, v7;
	v40 =	vmul.f32 v42, v5;
	v42 =	vld [tilespmem:s12+$0xFFFFFF70]  }
0x17c: {  	[tilespmem:$0x1FEB0] =	vst v9;
	v9 =	vld [tilespmem:s12+$0xFFFFFEC0]  }
0x17d: {  	v37 =	vadd.f32 v32, v30;
	v30 =	vld [tilespmem:s12+$0xFFFFFF50]  }
0x17e: {  	v11 =	vmul.f32 v11, v4;
	v39 =	vmul.f32 v41, v6;
	[tilespmem:$0x1FE90] =	vst v28;
	v28 =	vld [tilespmem:s12+$0xFFFFFEA0]  }
0x17f: {  	v41 =	vmul.f32 v43, v4;
	v43 =	vmul.f32 v47, v1;
	v32 =	vld [tilespmem:s12+$0xFFFFFF60]  }
0x180: {  	v35 =	vadd.f32 v36, v35;
	v38 =	vadd.f32 v39, v38;
	v39 =	vmul.f32 v48, v7;
	v48 =	vld [tilespmem:s12+$0xFFFFFFA0]  }
0x181: {  	v47 =	vmul.f32 v51, v4;
	v40 =	vadd.f32 v41, v40;
	v41 =	vmul.f32 v50, v5;
	v50 =	vld [tilespmem:s12+$0xFFFFFFB0]  }
0x182: {  	v12 =	vmul.f32 v12, v7;
	v35 =	vadd.f32 v35, v37;
	v37 =	vmul.f32 v46, v8;
	v46 =	vld [tilespmem:s12+$0xFFFFFF90]  }
0x183: {  	v41 =	vadd.f32 v47, v41;
	[tilespmem:$0x1FEA0] =	vst v28;
	v28 =	vmul.f32 v0, v7;
	v0 =	vmul.f32 v10, v5;
	v10 =	vld [tilespmem:s12+$0xFFFFFED0]  }
0x184: {  	v51 =	vmul.f32 v55, v1;
	v47 =	vld [tilespmem:s12+$0xFFFFFFE0];
	v38 =	vadd.f32 v40, v38;
	v37 =	vadd.f32 v43, v37  }
0x185: {  	v40 =	vld [tilespmem:s12+$0xFFFFFFF0];
	v43 =	vmul.f32 v54, v8;
	v28 =	vadd.f32 v31, v28;
	v11 =	vadd.f32 v11, v0  }
0x186: {  	v13 =	vmul.f32 v13, v6;
	v15 =	vmul.f32 v15, v5;
	v54 =	vld [tilespmem:s12+$0x50]  }
0x187: {  	v17 =	vmul.f32 v17, v4;
	v43 =	vadd.f32 v51, v43;
	v51 =	vld [tilespmem:s12+$0x20];
	v11 =	vadd.f32 v11, v28  }
0x188: {  	v9 =	vmul.f32 v9, v2;
	v0 =	vld [tilespmem:s12+$0xFFFFFEE0];
	v10 =	vmul.f32 v10, v3  }
0x189: {  	v31 =	vld [tilespmem:s12+$0xFFFFFEF0];
	v36 =	vadd.f32 v16, v11;
	v11 =	vmul.f32 v44, v2;
	v16 =	vmul.f32 v45, v3  }
0x18a: {  	v28 =	vld [tilespmem:s12+$0xFFFFFF10];
	v45 =	vmul.f32 v49, v6;
	v49 =	vmul.f32 v53, v3  }
0x18b: {  	v12 =	vadd.f32 v13, v12;
	v44 =	vld [tilespmem:s12+$0xFFFFFF80];
	v53 =	vmul.f32 v60, v2;
	v60 =	vmul.f32 v61, v3  }
0x18c: {  	v61 =	vmul.f32 v62, v8;
	v62 =	vmul.f32 v63, v1;
	v9 =	vadd.f32 v10, v9;
	v10 =	vld [tilespmem:s12+$0x140]  }
0x18d: {  	v63 =	vadd.f32 v17, v15;
	v11 =	vadd.f32 v16, v11;
	v16 =	vmul.f32 v52, v2;
	v52 =	vld [tilespmem:s12+$0xFFFFFFC0]  }
0x18e: {  	v0 =	vmul.f32 v0, v8;
	v39 =	vadd.f32 v45, v39;
	v45 =	vld [tilespmem:s12+$0xFFFFFFD0]  }
0x18f: {  	v31 =	vmul.f32 v31, v1;
	v12 =	vadd.f32 v63, v12;
	v63 =	vmul.f32 v29, v4;
	v29 =	vld [tilespmem:s12+$0xC0]  }
0x190: {  	v55 =	vadd.f32 v62, v61;
	v61 =	vmul.f32 v34, v6;
	v34 =	vld [tilespmem:$0x1FE60]  }
0x191: {  	v0 =	vadd.f32 v31, v0;
	v31 =	vld [tilespmem:s12+$0x150]  }
0x192: {  	v53 =	vadd.f32 v60, v53;
	v39 =	vadd.f32 v41, v39;
	v41 =	vld [tilespmem:s12+$0x0]  }
0x193: {  	v16 =	vadd.f32 v49, v16;
	v49 =	vld [tilespmem:s12+$0x10]  }
0x194: {  	v11 =	vadd.f32 v37, v11;
	v53 =	vadd.f32 v55, v53;
	v55 =	vld [tilespmem:s12+$0x80]  }
0x195: {  	v57 =	vmul.f32 v57, v6;
	v18 =	vmul.f32 v18, v2;
	v0 =	vadd.f32 v0, v9;
	v9 =	vld [tilespmem:s12+$0x160]  }
0x196: {  	v16 =	vadd.f32 v43, v16;
	v37 =	vadd.f32 v11, v38;
	v38 =	vmul.f32 v56, v7;
	v43 =	vld [tilespmem:s12+$0x30]  }
0x197: {  	v19 =	vmul.f32 v19, v3;
	v20 =	vmul.f32 v20, v8;
	v56 =	vld [tilespmem:s12+$0x60]  }
0x198: {  	v22 =	vmul.f32 v22, v1;
	v60 =	vmul.f32 v33, v7;
	v38 =	vadd.f32 v57, v38;
	v57 =	vld [tilespmem:s12+$0x90]  }
0x199: {  	v11 =	vadd.f32 v16, v39;
	v16 =	vmul.f32 v58, v5;
	v58 =	vadd.f32 v19, v18;
	v18 =	vld [tilespmem:s12+$0xA0]  }
0x19a: {  	v39 =	vmul.f32 v59, v4;
	v59 =	vadd.f32 v22, v20;
	v22 =	vld [tilespmem:s12+$0xB0]  }
0x19b: {  	v19 =	vadd.f32 v61, v60;
	v60 =	vld [tilespmem:$0x1FEA0]  }
0x19c: {  	v61 =	vld [tilespmem:$0x1FEB0]  }
0x19d: {  	v16 =	vadd.f32 v39, v16;
	v39 =	vld [tilespmem:s12+$0x40]  }
0x19e: {  	v10 =	vmul.f32 v10, v2;
	v31 =	vmul.f32 v31, v3;
	v15 =	vadd.f32 v59, v58;
	v58 =	vld [tilespmem:$0x1FE80]  }
0x19f: {  	v59 =	vld [tilespmem:$0x1FE90]  }
0x1a0: {  	v10 =	vadd.f32 v31, v10;
	v31 =	vld [tilespmem:s12+$0x310];
	v16 =	vadd.f32 v16, v38  }
0x1a1: {  	v38 =	vld [tilespmem:s12+$0x70]  }
0x1a2: {  	v62 =	vmul.f32 v23, v5;
	v13 =	vadd.f32 v53, v16;
	v53 =	vld [tilespmem:$0x1FE70]  }
0x1a3: {  	v12 =	vadd.f32 v15, v12;
	v15 =	vmul.f32 v34, v8;
	v34 =	vld [tilespmem:s12+$0xE0];
	v23 =	vmul.f32 v60, v5  }
0x1a4: {  	v60 =	vld [tilespmem:s12+$0x100];
	v18 =	vmul.f32 v18, v5;
	v22 =	vmul.f32 v22, v4  }
0x1a5: {  	v16 =	vmul.f32 v25, v2;
	v25 =	vmul.f32 v27, v3;
	v27 =	vld [tilespmem:s12+$0xD0]  }
0x1a6: {  	v20 =	vmul.f32 v58, v7;
	v58 =	vld [tilespmem:s12+$0xF0]  }
0x1a7: {  	v18 =	vadd.f32 v22, v18;
	v22 =	vld [tilespmem:s12+$0x290];
	v33 =	vmul.f32 v53, v1  }
0x1a8: {  	v16 =	vadd.f32 v25, v16;
	v25 =	vld [tilespmem:s12+$0x110];
	v53 =	vmul.f32 v59, v6;
	v59 =	vmul.f32 v61, v4  }
0x1a9: {  	v29 =	vmul.f32 v29, v2;
	v61 =	vmul.f32 v26, v2;
	v26 =	vld [tilespmem:s12+$0x190];
	v15 =	vadd.f32 v33, v15  }
0x1aa: {  	v27 =	vmul.f32 v27, v3;
	v33 =	vld [tilespmem:s12+$0x120];
	v20 =	vadd.f32 v53, v20;
	v23 =	vadd.f32 v59, v23  }
0x1ab: {  	v17 =	vadd.f32 v63, v62;
	v53 =	vld [tilespmem:s12+$0x130]  }
0x1ac: {  	v27 =	vadd.f32 v27, v29;
	v29 =	vld [tilespmem:s12+$0x2D0];
	v62 =	vadd.f32 v23, v20  }
0x1ad: {  	v28 =	vmul.f32 v28, v6;
	v63 =	vmul.f32 v14, v7;
	v17 =	vadd.f32 v17, v19;
	v20 =	vld [tilespmem:s12+$0x170]  }
0x1ae: {  	v15 =	vadd.f32 v15, v16;
	v14 =	vadd.f32 v0, v62;
	v0 =	vmul.f32 v21, v5;
	v21 =	vld [tilespmem:s12+$0x180]  }
0x1af: {  	v59 =	vmul.f32 v24, v4;
	v62 =	vmul.f32 v30, v3;
	v30 =	vld [tilespmem:s12+$0x1A0]  }
0x1b0: {  	v15 =	vadd.f32 v15, v17;
	v17 =	vadd.f32 v28, v63;
	v63 =	vmul.f32 v32, v8;
	v32 =	vld [tilespmem:s12+$0x1B0]  }
0x1b1: {  	v42 =	vmul.f32 v42, v1;
	v40 =	vmul.f32 v40, v1;
	v28 =	vld [tilespmem:s12+$0x1F0];
	v0 =	vadd.f32 v59, v0  }
0x1b2: {  	v59 =	vadd.f32 v62, v61;
	v61 =	vmul.f32 v44, v7;
	v62 =	vmul.f32 v46, v6;
	v44 =	vld [tilespmem:s12+$0x1C0]  }
0x1b3: {  	v19 =	vadd.f32 v42, v63;
	v63 =	vmul.f32 v48, v5;
	v48 =	vmul.f32 v50, v4;
	v46 =	vld [tilespmem:s12+$0x1D0]  }
0x1b4: {  	v50 =	vmul.f32 v52, v2;
	v52 =	vmul.f32 v47, v8;
	v47 =	vld [tilespmem:s12+$0x1E0]  }
0x1b5: {  	v45 =	vmul.f32 v45, v3;
	v42 =	vld [tilespmem:s12+$0x210]  }
0x1b6: {  	v54 =	vmul.f32 v54, v3;
	v16 =	vadd.f32 v19, v59;
	v19 =	vadd.f32 v40, v52;
	v40 =	vld [tilespmem:s12+$0x200]  }
0x1b7: {  	v9 =	vmul.f32 v9, v8;
	v0 =	vadd.f32 v0, v17;
	v17 =	vadd.f32 v45, v50;
	v45 =	vld [tilespmem:s12+$0x220]  }
0x1b8: {  	v43 =	vmul.f32 v43, v4;
	v38 =	vmul.f32 v38, v1;
	v59 =	vadd.f32 v48, v63;
	v48 =	vld [tilespmem:s12+$0x230]  }
0x1b9: {  	v26 =	vmul.f32 v26, v6;
	v23 =	vadd.f32 v62, v61;
	v62 =	vmul.f32 v49, v6;
	v49 =	vld [tilespmem:s12+$0x240]  }
0x1ba: {  	v61 =	vmul.f32 v41, v7;
	v63 =	vmul.f32 v39, v2;
	v39 =	vld [tilespmem:s12+$0x270]  }
0x1bb: {  	v52 =	vld [tilespmem:s12+$0x280];
	v21 =	vmul.f32 v21, v7;
	v23 =	vadd.f32 v59, v23;
	v17 =	vadd.f32 v19, v17  }
0x1bc: {  	v19 =	vmul.f32 v51, v5;
	v16 =	vadd.f32 v16, v0;
	v59 =	vmul.f32 v56, v8;
	v51 =	vld [tilespmem:s12+$0x250]  }
0x1bd: {  	v24 =	vadd.f32 v62, v61;
	v61 =	vmul.f32 v55, v7;
	v56 =	vmul.f32 v33, v5;
	v33 =	vld [tilespmem:s12+$0x300]  }
0x1be: {  	v0 =	vadd.f32 v54, v63;
	v63 =	vmul.f32 v58, v1;
	v58 =	vmul.f32 v30, v5;
	v30 =	vld [tilespmem:s12+$0x3F0]  }
0x1bf: {  	v55 =	vmul.f32 v60, v7;
	v60 =	vmul.f32 v44, v2;
	v44 =	vld [tilespmem:s12+$0x330]  }
0x1c0: {  	v34 =	vmul.f32 v34, v8;
	v20 =	vmul.f32 v20, v1;
	v21 =	vadd.f32 v26, v21;
	v26 =	vld [tilespmem:s12+$0x350]  }
0x1c1: {  	v22 =	vmul.f32 v22, v6;
	v25 =	vmul.f32 v25, v6;
	v19 =	vadd.f32 v43, v19;
	v43 =	vld [tilespmem:s12+$0x260]  }
0x1c2: {  	v9 =	vadd.f32 v20, v9;
	v28 =	vmul.f32 v28, v1;
	v50 =	vadd.f32 v63, v34;
	v34 =	vld [tilespmem:s12+$0x2A0]  }
0x1c3: {  	v62 =	vmul.f32 v57, v6;
	v17 =	vadd.f32 v17, v23;
	v23 =	vadd.f32 v38, v59;
	v38 =	vld [tilespmem:s12+$0x2E0]  }
0x1c4: {  	v57 =	vmul.f32 v53, v4;
	v59 =	vmul.f32 v32, v4;
	v32 =	vld [tilespmem:s12+$0x320]  }
0x1c5: {  	v9 =	vadd.f32 v9, v10;
	v41 =	vadd.f32 v62, v61;
	v61 =	vmul.f32 v46, v3;
	v46 =	vld [tilespmem:s12+$0x340]  }
0x1c6: {  	v62 =	vmul.f32 v47, v8;
	v63 =	vmul.f32 v40, v7;
	v40 =	vld [tilespmem:s12+$0x370];
	v19 =	vadd.f32 v19, v24  }
0x1c7: {  	v53 =	vmul.f32 v45, v5;
	v45 =	vld [tilespmem:s12+$0x4A0];
	v0 =	vadd.f32 v23, v0;
	v18 =	vadd.f32 v18, v41  }
0x1c8: {  	v29 =	vmul.f32 v29, v3;
	v23 =	vld [tilespmem:s12+$0x2B0];
	v54 =	vadd.f32 v50, v27;
	v24 =	vadd.f32 v57, v56  }
0x1c9: {  	v39 =	vmul.f32 v39, v1;
	v27 =	vld [tilespmem:s12+$0x2C0];
	v20 =	vadd.f32 v59, v58;
	v10 =	vadd.f32 v28, v62  }
0x1ca: {  	v28 =	vld [tilespmem:s12+$0x360];
	v50 =	vmul.f32 v42, v6;
	v56 =	vmul.f32 v51, v3;
	v19 =	vadd.f32 v0, v19  }
0x1cb: {  	v42 =	vld [tilespmem:s12+$0x380];
	v51 =	vmul.f32 v31, v6;
	v18 =	vadd.f32 v54, v18;
	v0 =	vadd.f32 v25, v55  }
0x1cc: {  	v57 =	vld [tilespmem:s12+$0x390];
	v20 =	vadd.f32 v20, v21;
	v54 =	vmul.f32 v48, v4;
	v55 =	vmul.f32 v49, v2  }
0x1cd: {  	v59 =	vld [tilespmem:s12+$0x3A0];
	v21 =	vadd.f32 v50, v63;
	v50 =	vmul.f32 v33, v7;
	v26 =	vmul.f32 v26, v3  }
0x1ce: {  	v62 =	vld [tilespmem:s12+$0x3C0];
	v58 =	vmul.f32 v43, v8;
	v34 =	vmul.f32 v34, v5  }
0x1cf: {  	v31 =	vld [tilespmem:s12+$0x460];
	v38 =	vmul.f32 v38, v8;
	v0 =	vadd.f32 v24, v0;
	v24 =	vadd.f32 v61, v60  }
0x1d0: {  	v25 =	vld [tilespmem:s12+$0x2F0];
	v60 =	vmul.f32 v52, v7;
	v52 =	vmul.f32 v32, v5  }
0x1d1: {  	v63 =	vld [tilespmem:s12+$0x3D0];
	v23 =	vmul.f32 v23, v4;
	v27 =	vmul.f32 v27, v2;
	v10 =	vadd.f32 v10, v24  }
0x1d2: {  	v61 =	vld [tilespmem:s12+$0x3B0];
	v28 =	vmul.f32 v28, v8;
	v0 =	vadd.f32 v9, v0;
	v24 =	vadd.f32 v54, v53  }
0x1d3: {  	v32 =	vld [tilespmem:s12+$0x440];
	v57 =	vmul.f32 v57, v6;
	v9 =	vadd.f32 v56, v55;
	v22 =	vadd.f32 v22, v60  }
0x1d4: {  	v54 =	vmul.f32 v46, v2;
	v55 =	vmul.f32 v40, v1;
	v40 =	vld [tilespmem:s12+$0x470];
	v23 =	vadd.f32 v23, v34  }
0x1d5: {  	v56 =	vmul.f32 v42, v7;
	v60 =	vld [tilespmem:s12+$0x480];
	v27 =	vadd.f32 v29, v27;
	v10 =	vadd.f32 v10, v20  }
0x1d6: {  	v46 =	vld [tilespmem:s12+$0x4B0];
	v25 =	vmul.f32 v25, v1;
	v20 =	vadd.f32 v39, v58;
	v21 =	vadd.f32 v24, v21  }
0x1d7: {  	v53 =	vmul.f32 v44, v4;
	v29 =	vld [tilespmem:s12+$0x400];
	v26 =	vadd.f32 v26, v54;
	v28 =	vadd.f32 v55, v28  }
0x1d8: {  	(xrf2) =	vadd.scan.msk.f32 $0xffff, v36;
	v39 =	vld [tilespmem:s12+$0x3E0];
	v58 =	vmul.f32 v59, v5;
	v33 =	vadd.f32 v57, v56;
	v25 =	vadd.f32 v25, v38  }
0x1d9: {  	(xrf2) =	vadd.scan.msk.f32 $0xffff, v35;
	v24 =	vld [tilespmem:s12+$0x420];
	v22 =	vadd.f32 v23, v22;
	v23 =	vadd.f32 v53, v52;
	v59 =	vmul.f32 v61, v4  }
0x1da: {  	(xrf2) =	vadd.scan.msk.f32 $0xffff, v37;
	v56 =	vld [tilespmem:s12+$0x4F0];
	v61 =	vmul.f32 v62, v2;
	v62 =	vmul.f32 v63, v3;
	v9 =	vadd.f32 v20, v9  }
0x1db: {  	(xrf2) =	vadd.scan.msk.f32 $0xffff, v11;
	v63 =	vld [tilespmem:s12+$0x490];
	v26 =	vadd.f32 v28, v26;
	v49 =	vadd.f32 v25, v27  }
0x1dc: {  	(xrf2) =	vadd.scan.msk.f32 $0xffff, v13;
	v30 =	vmul.f32 v30, v1;
	v53 =	vld [tilespmem:s12+$0x4E0];
	v34 =	vadd.f32 v59, v58;
	v47 =	vadd.f32 v62, v61  }
0x1dd: {  	(xrf2) =	vadd.scan.msk.f32 $0xffff, v12;
	v20 =	vld [tilespmem:s12+$0x410];
	v58 =	vmul.f32 v32, v2;
	v61 =	vmul.f32 v40, v1;
	v9 =	vadd.f32 v9, v21  }
0x1de: {  	(xrf2) =	vadd.scan.msk.f32 $0xffff, v15;
	v27 =	vld [tilespmem:s12+$0x430];
	v21 =	vadd.f32 v51, v50;
	v29 =	vmul.f32 v29, v7;
	v7 =	vmul.f32 v60, v7  }
0x1df: {  	(xrf2) =	vadd.scan.msk.f32 $0xffff, v14;
	v25 =	vld [tilespmem:s12+$0x450];
	v60 =	vmul.f32 v31, v8;
	v22 =	vadd.f32 v49, v22;
	v44 =	vmul.f32 v39, v8  }
0x1e0: {  	(xrf2) =	vadd.scan.msk.f32 $0xffff, v16;
	v51 =	vld [tilespmem:s12+$0x4D0];
	v50 =	vadd.f32 v34, v33;
	v55 =	vmul.f32 v24, v5;
	v5 =	vmul.f32 v45, v5  }
0x1e1: {  	(xrf2) =	vadd.scan.msk.f32 $0xffff, v17;
	v49 =	vld [tilespmem:s12+$0x4C0];
	v1 =	vmul.f32 v56, v1;
	v21 =	vadd.f32 v23, v21;
	v17 =	vadd.f32 v61, v60  }
0x1e2: {  	v8 =	vmul.f32 v53, v8;
	v48 =	vadd.f32 v30, v44;
	v52 =	vmul.f32 v20, v6  }
0x1e3: {  	v6 =	vmul.f32 v63, v6;
	v54 =	vadd.f32 v26, v21;
	v57 =	vmul.f32 v27, v4  }
0x1e4: {  	v62, _, _ =	vpop (xrf2);
	(xrf2) =	vadd.scan.msk.f32 $0xffff, v19;
	v59 =	vmul.f32 v25, v3;
	v4 =	vmul.f32 v46, v4;
	v1 =	vadd.f32 v1, v8  }
0x1e5: {  	v63, _, _ =	vpop (xrf2);
	(xrf2) =	vadd.scan.msk.f32 $0xffff, v18;
	v11 =	vadd.f32 v48, v47;
	v12 =	vadd.f32 v52, v29;
	v3 =	vmul.f32 v51, v3  }
0x1e6: {  	v37 =	vld [tilespmem:$0x1FF20];
	v25, _, _ =	vpop (xrf2);
	(xrf2) =	vadd.scan.msk.f32 $0xffff, v0;
	v26 =	vadd.f32 v6, v7;
	v13 =	vadd.f32 v57, v55;
	v2 =	vmul.f32 v49, v2  }
0x1e7: {  	v27, _, _ =	vpop (xrf2);
	(xrf2) =	vadd.scan.msk.f32 $0xffff, v10;
	v14 =	vadd.f32 v59, v58;
	v4 =	vadd.f32 v4, v5  }
0x1e8: {  	v29, _, _ =	vpop (xrf2);
	(xrf2) =	vadd.scan.msk.f32 $0xffff, v9;
	v11 =	vadd.f32 v11, v50;
	v2 =	vadd.f32 v3, v2  }
0x1e9: {  	v28 =	vbroadcast v62, $0xF;
	v33, _, _ =	vpop (xrf2);
	(xrf2) =	vadd.scan.msk.f32 $0xffff, v22;
	v30 =	vadd.f32 v13, v12;
	v31 =	vadd.f32 v17, v14  }
0x1ea: {  	v32 =	vbroadcast v63, $0xF;
	v0 =	vadd.f32 v4, v26;
	v35, _, _ =	vpop (xrf2);
	(xrf2) =	vadd.scan.msk.f32 $0xffff, v54;
	v1 =	vadd.f32 v1, v2  }
0x1eb: {  	vm15 =	vnez.u8 v37;
	v34 =	vbroadcast v25, $0xF;
	v36, _, _ =	vpop (xrf2);
	(xrf2) =	vadd.scan.msk.f32 $0xffff, v11;
	v7 =	vadd.f32 v31, v30  }
0x1ec: {  	v5 =	vbroadcast v27, $0xF;
	v3 =	vsel vm0, v28, v32;
	v39, _, _ =	vpop (xrf2);
	v0 =	vadd.f32 v1, v0  }
0x1ed: {  	v38 =	vbroadcast v29, $0xF;
	v41, _, _ =	vpop (xrf2);
	v1 =	vsel vm15, v3, v34;
	(xrf2) =	vadd.scan.msk.f32 $0xffff, v7  }
0x1ee: {  	v40 =	vbroadcast v33, $0xF;
	v42, _, _ =	vpop (xrf2);
	v1 =	vsel vm3, v1, v5;
	(xrf2) =	vadd.scan.msk.f32 $0xffff, v0  }
0x1ef: {  	v43 =	vbroadcast v35, $0xF;
	v44, _, _ =	vpop (xrf2);
	v1 =	vsel vm4, v1, v38  }
0x1f0: {  	v45 =	vbroadcast v36, $0xF;
	v46, _, _ =	vpop (xrf2);
	v1 =	vsel vm5, v1, v40  }
0x1f1: {  	v47 =	vbroadcast v39, $0xF;
	v48, _, _ =	vpop (xrf2);
	v1 =	vsel vm6, v1, v43  }
0x1f2: {  	v49 =	vbroadcast v41, $0xF;
	v50, _, _ =	vpop (xrf2);
	v1 =	vsel vm7, v1, v45  }
0x1f3: {  	v0 =	vbroadcast v42, $0xF;
	v51, _, _ =	vpop (xrf2);
	v1 =	vsel vm8, v1, v47  }
0x1f4: {  	vm15 =	vcmask $0x310;
	v4 =	vbroadcast v44, $0xF;
	v52, _, _ =	vpop (xrf2);
	v1 =	vsel vm9, v1, v49  }
0x1f5: {  	v53 =	vbroadcast v46, $0xF;
	v54, _, _ =	vpop (xrf2);
	v55 =	vbroadcast v52, $0xF;
	v0 =	vsel vm10, v1, v0  }
0x1f6: {  	v3 =	vbroadcast v48, $0xF;
	v58 =	vbroadcast v54, $0xF;
	v0 =	vsel vm11, v0, v4  }
0x1f7: {  	p0 =	sne.s32 s2, $0x1E0;
	v57 =	vbroadcast v50, $0xF;
	v59 =	vnsel vm0, $0x0, v55;
	v56, _, _ =	vpop (xrf2);
	v0 =	vsel vm12, v0, v53  }
.Ltmp1:
0x1f8: {  	s15 =	sand.u32 $0x180, s2;
	v62 =	vsel vm15, v59, v58;
	v0 =	vsel vm13, v0, v3;
	v60 =	vbroadcast v56, $0xF;
	v61, _, _ =	vpop (xrf2);
	(pc) =	sbr.rel @p0 .LBB2_5-.Ltmp1, $4  }
0x1f9: {  	s16 =	sand.u32 $0x60, s2;
	s15 =	sadd.s32 s15, s0;
	vm15 =	vcmask $0x710;
	v0 =	vsel vm14, v0, v57;
	v63 =	vbroadcast v61, $0xF  }
0x1fa: {  	s15 =	sadd.s32 s16, s15;
	v0 =	vsel vm2, v0, v51;
	v1 =	vsel vm15, v62, v60  }
0x1fb: {  	[tilespmem:s15+$0x0] =	vst v0;
	v1 =	vsel vm1, v1, v63  }
0x1fc: {  	s14 =	sadd.s32 $0x80, s14;
	s2 =	sadd.s32 $0x20, s2;
	s12 =	sadd.s32 $0xA00, s12;
	[tilespmem:s15+$0x10] =	vst v1  }
0x1fd: {  	s31 =	sadd.s32 $0x1, s31  }
0x1fe: {  	p0 =	sne.s32 s31, $0x10  }
.Ltmp2:
0x1ff: {  	_ = 	snop;
	(pc) =	sbr.rel @p0 .LBB2_2-.Ltmp2, $1  }
0x200: {  	_ =	sdelay $0x3  }
0x201: {  	s30 =	sadd.s32 $0x1, s30  }
0x202: {  	p0 =	sne.s32 s30, s8  }
.Ltmp3:
0x203: {  	_ = 	snop;
	(pc) =	sbr.rel @p0 .LBB2_1-.Ltmp3, $4  }
0x204: {  	[hbm4b:s7+s4] =	stream.linear.scatter [tilespmem:s29], [sflag:$0x3], $0x4000, $0x38;
	[tilespmem:$0x1E000] =	vst v63  }
0x205: {  	_ =	swait.ge [sflag:s9], $0x4000  }
0x206: {  	[sflag:s9] =	ssyncset.done $0x0  }
0x207: {  	[sflag:s9] =	ssyncadd.s32 $0xFFFFC000  }
0x208: {  	_ =	sfence.sel $0x180000  }
0x209: {  	[bflag:$0x0] =	sbarrier.arrive $0xFFFF  }
0x20a: {  	_ =	strace $0x90000047  }
0x20b: {  	s0 =	stileid.u32;
	[bflag:$0x2] =	sbarrier.arrive $0xFFFF  }
0x20c: {  	p0 =	sne.s32 s0, $0x0;
	s0 =	rddreg [dreg:$0x4]  }
0x20d: {  	s0 =	sadd.s32 @!p0 $0x100000, s0  }
0x20e: {  	[sflag:s0] =	ssyncadd.tile.s32 @!p0 $0x1;
	_ =	shalt  }
.Lfunc_end2:
_tile_overlayer_lowered:
.L_overlay_start_2:
0x20f: {  	(tag) =	ssettag $0x2  }
0x210: {  	s0 =	rddreg [dreg:$0x0];
	s2 =	stileid.u32  }
0x211: {  	s1 =	rddreg [dreg:$0x1];
	p0 =	sne.s32 s2, $0x0  }
0x212: {  	s3 =	rddreg [dreg:$0x2];
	[bflag:$0x3] =	sbarrier.arrive $0xFFFF;
	s2 =	simm.s32 @!p0 $0x1C03  }
0x213: {  	[timem:s3], [sflag:s2] =	dma.local @!p0 [hbm:s0], s1  }
0x214: {  	s0 =	simm.s32 @!p0 $0x3  }
0x215: {  	_ =	swait.ge @!p0 [sflag:s0], s1  }
0x216: {  	s1 =	ssub.s32 @!p0 $0x0, s1;
	[sflag:s0] =	ssyncset.done @!p0 $0x0  }
0x217: {  	[sflag:s0] =	ssyncadd.s32 @!p0 s1  }
0x218: {  	[bflag:$0x3] =	sbarrier.arrive $0xFFFF  }
0x219: {  	_ =	shalt  }

</sc_bundles>
